<compile_context>
chip_gen: v7x
topology: tpu7x:2x2x1
jax: 0.10.2.dev20260603
libtpu: 0.0.44.dev20260713+nightly
codegen_flags: <defaults>
</compile_context>

<pallas_src>
import functools

import jax
import jax.numpy as jnp
from jax import lax
from jax.experimental import pallas as pl
from jax.experimental.pallas import tpu as pltpu
from jax.experimental.pallas import tpu_sc as plsc

NC = 2
NS = 16
NW = NC * NS
CHUNK = 128


def _ceil_to(a, m):
    return (a + m - 1) // m * m


def _mesh():
    return plsc.VectorSubcoreMesh(
        core_axis_name="c", subcore_axis_name="s",
        num_cores=NC, num_subcores=NS)


def _deg_kernel(npad, epc):
    rpt = npad // NS
    zch = rpt // CHUNK
    w = 16

    @functools.partial(
        pl.kernel,
        out_type=jax.ShapeDtypeStruct((NC, npad, w), jnp.float32),
        mesh=_mesh(),
        compiler_params=pltpu.CompilerParams(use_tc_tiling_on_sc=False),
        scratch_types=[
            pltpu.VMEM((epc, CHUNK), jnp.int32),
            pltpu.VMEM((CHUNK, w), jnp.float32),
            pltpu.VMEM((CHUNK, w), jnp.float32),
            pltpu.VMEM_SHARED((npad, w), jnp.float32),
            pltpu.SemaphoreType.DMA,
        ],
    )
    def deg(ei_hbm, out_hbm, idx_v, ones_v, zero_v, acc_sh, sem):
        cid = lax.axis_index("c")
        sid = lax.axis_index("s")
        wid = sid * NC + cid

        def fill(r, carry):
            ones_v[r, :] = jnp.full((16,), 1.0, jnp.float32)
            zero_v[r, :] = jnp.zeros((16,), jnp.float32)
            return carry
        lax.fori_loop(0, CHUNK, fill, 0)

        for z in range(zch):
            pltpu.sync_copy(zero_v,
                            acc_sh.at[pl.ds(sid * rpt + z * CHUNK, CHUNK)])
        pltpu.sync_copy(ei_hbm.at[1, wid], idx_v)
        plsc.subcore_barrier()

        def group(i, carry):
            for j in range(4):
                pltpu.async_copy(ones_v, acc_sh.at[idx_v.at[i * 4 + j]],
                                 sem, add=True)
            for j in range(4):
                pltpu.make_async_copy(ones_v, acc_sh.at[idx_v.at[i * 4 + j]],
                                      sem).wait()
            return carry
        lax.fori_loop(0, epc // 4, group, 0)

        plsc.subcore_barrier()
        pltpu.sync_copy(acc_sh.at[pl.ds(sid * rpt, rpt)],
                        out_hbm.at[cid, pl.ds(sid * rpt, rpt)])

    return deg


def _agg_kernel(npad, epc, width):
    rpt = npad // NS
    zch = rpt // CHUNK
    nbuf = 5
    rounds = epc // nbuf

    @functools.partial(
        pl.kernel,
        out_type=jax.ShapeDtypeStruct((NC, npad, width), jnp.float32),
        mesh=_mesh(),
        compiler_params=pltpu.CompilerParams(use_tc_tiling_on_sc=False),
        scratch_types=[
            pltpu.VMEM((epc, CHUNK), jnp.int32),
            pltpu.VMEM((epc, CHUNK), jnp.int32),
            pltpu.VMEM((nbuf, CHUNK, width), jnp.float32),
            pltpu.VMEM((CHUNK, width), jnp.float32),
            pltpu.VMEM_SHARED((npad, width), jnp.float32),
            pltpu.SemaphoreType.DMA,
        ] + [pltpu.SemaphoreType.DMA] * (2 * nbuf),
    )
    def agg(tab_hbm, ei_hbm, out_hbm,
            src_v, dst_v, rows_v, zero_v, acc_sh, lsem, *sems):
        cid = lax.axis_index("c")
        sid = lax.axis_index("s")
        wid = sid * NC + cid
        gsems = sems[:nbuf]
        ssems = sems[nbuf:]

        pltpu.async_copy(ei_hbm.at[0, wid], src_v, lsem)
        pltpu.async_copy(ei_hbm.at[1, wid], dst_v, lsem)

        def fill(r, carry):
            for j in range(width // 16):
                zero_v[r, pl.ds(j * 16, 16)] = jnp.zeros((16,), jnp.float32)
            return carry
        lax.fori_loop(0, CHUNK, fill, 0)

        for z in range(zch):
            pltpu.sync_copy(zero_v,
                            acc_sh.at[pl.ds(sid * rpt + z * CHUNK, CHUNK)])
        pltpu.make_async_copy(ei_hbm.at[0, wid], src_v, lsem).wait()
        pltpu.make_async_copy(ei_hbm.at[1, wid], dst_v, lsem).wait()
        plsc.subcore_barrier()

        def gstart(c, b):
            pltpu.async_copy(tab_hbm.at[src_v.at[c]], rows_v.at[b], gsems[b])

        def gwait(c, b):
            pltpu.make_async_copy(tab_hbm.at[src_v.at[c]], rows_v.at[b],
                                  gsems[b]).wait()

        def sstart(c, b):
            pltpu.async_copy(rows_v.at[b], acc_sh.at[dst_v.at[c]],
                             ssems[b], add=True)

        def swait(c, b):
            pltpu.make_async_copy(rows_v.at[b], acc_sh.at[dst_v.at[c]],
                                  ssems[b]).wait()

        for b in range(nbuf):
            gstart(b, b)

        def round_body(i, carry):
            for b in range(nbuf):
                c = nbuf * i + b
                gwait(c, b)
                sstart(c, b)
            for b in range(nbuf):
                c = nbuf * i + b

                @pl.when(c + nbuf < epc)
                def _():
                    swait(c, b)
                    gstart(c + nbuf, b)
            return carry
        lax.fori_loop(0, rounds, round_body, 0)
        for b in range(nbuf):
            swait(epc - nbuf + b, b)

        plsc.subcore_barrier()
        pltpu.sync_copy(acc_sh.at[pl.ds(sid * rpt, rpt)],
                        out_hbm.at[cid, pl.ds(sid * rpt, rpt)])

    return agg


def _dinv(d0_ref, d1_ref):
    return lax.rsqrt(d0_ref[:, 0:1] + d1_ref[:, 0:1] + 1.0)


def _tc1_body(x_ref, w_ref, o_ref):
    o_ref[...] = jnp.dot(x_ref[...], w_ref[...],
                         preferred_element_type=jnp.float32)


def _tcs_body(xw_ref, d0_ref, d1_ref, o_ref):
    o_ref[...] = _dinv(d0_ref, d1_ref) * xw_ref[...]


def _tcb_body(a0_ref, a1_ref, y1_ref, d0_ref, d1_ref, b1_ref, o_ref):
    dinv = _dinv(d0_ref, d1_ref)
    u = a0_ref[...] + a1_ref[...] + y1_ref[...]
    h = jnp.maximum(dinv * u + b1_ref[...], 0.0)
    o_ref[...] = dinv * h


def _tcc_body(a0_ref, a1_ref, y2_ref, d0_ref, d1_ref, wmu_ref, bmu_ref,
              wls_ref, bls_ref, mu_ref, ls_ref):
    dinv = _dinv(d0_ref, d1_ref)
    z = dinv * (a0_ref[...] + a1_ref[...] + y2_ref[...])
    mu = jnp.dot(z, wmu_ref[...], preferred_element_type=jnp.float32)
    ls = jnp.dot(z, wls_ref[...], preferred_element_type=jnp.float32)
    mu_ref[...] = (mu + bmu_ref[...]).T
    ls_ref[...] = (ls + bls_ref[...]).T


def kernel(x, edge_index, W1, b1, Wmu, bmu, Wls, bls):
    n, d_in = x.shape
    h_dim = W1.shape[1]
    out_dim = Wmu.shape[1]
    e = edge_index.shape[1]

    npad = _ceil_to(n + CHUNK, NS * CHUNK)
    epw = _ceil_to(-(-e // NW), 20 * CHUNK)
    epc = epw // CHUNK
    epad = epw * NW

    pad_idx = (n + (jnp.arange(epad - e, dtype=jnp.int32) % CHUNK))
    ei_pad = jnp.concatenate(
        [edge_index, jnp.stack([pad_idx, pad_idx])], axis=1,
    ).reshape(2, NW, epc, CHUNK)

    xw = pl.pallas_call(
        _tc1_body,
        grid=(npad // 2048,),
        in_specs=[pl.BlockSpec((2048, d_in), lambda i: (i, 0)),
                  pl.BlockSpec((d_in, h_dim), lambda i: (0, 0))],
        out_specs=pl.BlockSpec((2048, h_dim), lambda i: (i, 0)),
        out_shape=jax.ShapeDtypeStruct((npad, h_dim), jnp.float32),
    )(x, W1)

    degp = _deg_kernel(npad, epc)(ei_pad)
    d0 = degp[0]
    d1 = degp[1]

    br = 2048
    grid = (npad // br,)
    row_spec = lambda width: pl.BlockSpec((br, width), lambda i: (i, 0))
    full_spec = lambda shape: pl.BlockSpec(shape, lambda i: (0, 0))

    y1 = pl.pallas_call(
        _tcs_body,
        grid=grid,
        in_specs=[row_spec(h_dim), row_spec(16), row_spec(16)],
        out_specs=row_spec(h_dim),
        out_shape=jax.ShapeDtypeStruct((npad, h_dim), jnp.float32),
    )(xw, d0, d1)

    agg = _agg_kernel(npad, epc, h_dim)
    a1p = agg(y1, ei_pad)

    y2 = pl.pallas_call(
        _tcb_body,
        grid=grid,
        in_specs=[row_spec(h_dim), row_spec(h_dim), row_spec(h_dim),
                  row_spec(16), row_spec(16), full_spec((1, h_dim))],
        out_specs=row_spec(h_dim),
        out_shape=jax.ShapeDtypeStruct((npad, h_dim), jnp.float32),
    )(a1p[0], a1p[1], y1, d0, d1, b1.reshape(1, h_dim))

    a2p = agg(y2, ei_pad)

    mu, ls = pl.pallas_call(
        _tcc_body,
        grid=grid,
        in_specs=[row_spec(h_dim), row_spec(h_dim), row_spec(h_dim),
                  row_spec(16), row_spec(16),
                  full_spec((h_dim, out_dim)), full_spec((1, out_dim)),
                  full_spec((h_dim, out_dim)), full_spec((1, out_dim))],
        out_specs=[pl.BlockSpec((out_dim, br), lambda i: (0, i)),
                   pl.BlockSpec((out_dim, br), lambda i: (0, i))],
        out_shape=[jax.ShapeDtypeStruct((out_dim, n), jnp.float32),
                   jax.ShapeDtypeStruct((out_dim, n), jnp.float32)],
    )(a2p[0], a2p[1], y2, d0, d1, Wmu, bmu.reshape(1, out_dim),
      Wls, bls.reshape(1, out_dim))

    return mu.T, ls.T

# --- scband reference (transcript-rebuilt; emitter-appended) ---
"""Pipeline reference for scband-encoder-29085518528711 (READ-ONLY COPY).

The authoritative reference and input builder live on the scoring server;
editing this copy changes nothing except your own understanding.
"""

import jax, jax.numpy as jnp
import numpy as np

N = 10000
E = 320000
D_IN = 128
H = 64   # 2 * out_channels
OUT = 32


def setup_inputs(seed: int = 0) -> dict:
    key = jax.random.key(seed)
    ks = jax.random.split(key, 8)
    x = jax.random.normal(ks[0], (N, D_IN), dtype=jnp.float32)
    edge_index = jax.random.randint(ks[1], (2, E), 0, N, dtype=jnp.int32)
    W1 = jax.random.normal(ks[2], (D_IN, H), dtype=jnp.float32) / np.sqrt(D_IN)
    b1 = jnp.zeros((H,), dtype=jnp.float32)
    Wmu = jax.random.normal(ks[3], (H, OUT), dtype=jnp.float32) / np.sqrt(H)
    bmu = jnp.zeros((OUT,), dtype=jnp.float32)
    Wls = jax.random.normal(ks[4], (H, OUT), dtype=jnp.float32) / np.sqrt(H)
    bls = jnp.zeros((OUT,), dtype=jnp.float32)
    return {"x": x, "edge_index": edge_index, "W1": W1, "b1": b1,
            "Wmu": Wmu, "bmu": bmu, "Wls": Wls, "bls": bls}


def gcn_conv(x, edge_index, W, b):
    # PyG GCNConv: x' = D^{-1/2} (A + I) D^{-1/2} X W + b
    n = x.shape[0]
    src = edge_index[0]
    dst = edge_index[1]
    loop = jnp.arange(n, dtype=src.dtype)
    src = jnp.concatenate([src, loop])
    dst = jnp.concatenate([dst, loop])
    deg = jax.ops.segment_sum(jnp.ones_like(src, dtype=x.dtype), dst, num_segments=n)
    dinv = jax.lax.rsqrt(jnp.maximum(deg, 1.0))
    norm = dinv[src] * dinv[dst]
    xw = x @ W
    msg = xw[src] * norm[:, None]
    out = jax.ops.segment_sum(msg, dst, num_segments=n)
    return out + b


def reference(x, edge_index, W1, b1, Wmu, bmu, Wls, bls):
    h = jax.nn.relu(gcn_conv(x, edge_index, W1, b1))
    mu = gcn_conv(h, edge_index, Wmu, bmu)
    logstd = gcn_conv(h, edge_index, Wls, bls)
    return (mu, logstd)

if __name__ == "__main__":
    import jax
    _d = setup_inputs()
    print(jax.jit(kernel)(*tuple(_d.values())))

</pallas_src>

<mosaic_0001>
#map = affine_map<(d0, d1) -> (0, 0)>
#map1 = affine_map<(d0, d1) -> (0, 0, 0, 0)>
#map2 = affine_map<(d0, d1) -> (0, 0, 0)>
module attributes {stable_mosaic.version = 14 : i64} {
  func.func @agg(%arg0: i32, %arg1: i32, %arg2: memref<10240x64xf32, #tpu.memory_space<hbm>>, %arg3: memref<2x32x80x128xi32, #tpu.memory_space<hbm>>, %arg4: memref<2x10240x64xf32, #tpu.memory_space<hbm>>, %arg5: memref<80x128xi32, #tpu.memory_space<vmem>>, %arg6: memref<80x128xi32, #tpu.memory_space<vmem>>, %arg7: memref<5x128x64xf32, #tpu.memory_space<vmem>>, %arg8: memref<128x64xf32, #tpu.memory_space<vmem>>, %arg9: memref<10240x64xf32, #tpu.memory_space<vmem_shared>>, %arg10: memref<!tpu.dma_semaphore, #tpu.memory_space<semaphore_mem>>, %arg11: memref<!tpu.dma_semaphore, #tpu.memory_space<semaphore_mem>>, %arg12: memref<!tpu.dma_semaphore, #tpu.memory_space<semaphore_mem>>, %arg13: memref<!tpu.dma_semaphore, #tpu.memory_space<semaphore_mem>>, %arg14: memref<!tpu.dma_semaphore, #tpu.memory_space<semaphore_mem>>, %arg15: memref<!tpu.dma_semaphore, #tpu.memory_space<semaphore_mem>>, %arg16: memref<!tpu.dma_semaphore, #tpu.memory_space<semaphore_mem>>, %arg17: memref<!tpu.dma_semaphore, #tpu.memory_space<semaphore_mem>>, %arg18: memref<!tpu.dma_semaphore, #tpu.memory_space<semaphore_mem>>, %arg19: memref<!tpu.dma_semaphore, #tpu.memory_space<semaphore_mem>>, %arg20: memref<!tpu.dma_semaphore, #tpu.memory_space<semaphore_mem>>) attributes {dimension_semantics = [#tpu.dimension_semantics<core_parallel>, #tpu.dimension_semantics<subcore_parallel>], iteration_bounds = array<i64: 2, 16>, scalar_prefetch = 0 : i64, scratch_operands = 16 : i64, tpu.core_type = #tpu.core_type<sc_vector_subcore>, window_params = [{transform_indices = #map}, {transform_indices = #map1}, {transform_indices = #map2}]} {
    %mul3A = arith.constant 2 : i32
    %mul3A_0 = arith.muli %arg1, %mul3A : i32
    %add3A = arith.addi %mul3A_0, %arg0 : i32
    %dma_start3A = arith.constant 0 : i32
    %dma_start3A_1 = arith.constant 0 : i32
    %dma_start3A_2 = arith.constant 0 : i32
    %dma_start3A_3 = tpu.memref_slice %arg3[%dma_start3A, %add3A, %dma_start3A_1, %dma_start3A_2] : memref<2x32x80x128xi32, #tpu.memory_space<hbm>> -> memref<1x1x80x128xi32, #tpu.memory_space<hbm>>
    %dma_start3A_4 = tpu.memref_squeeze %dma_start3A_3 : memref<1x1x80x128xi32, #tpu.memory_space<hbm>> -> memref<80x128xi32, #tpu.memory_space<hbm>>
    %dma_start3A_5 = arith.constant 0 : i32
    %dma_start3A_6 = arith.constant 0 : i32
    %dma_start3A_7 = tpu.memref_slice %arg3[%dma_start3A, %add3A, %dma_start3A_5, %dma_start3A_6] : memref<2x32x80x128xi32, #tpu.memory_space<hbm>> -> memref<1x1x80x128xi32, #tpu.memory_space<hbm>>
    %dma_start3A_8 = tpu.memref_squeeze %dma_start3A_7 : memref<1x1x80x128xi32, #tpu.memory_space<hbm>> -> memref<80x128xi32, #tpu.memory_space<hbm>>
    tpu.enqueue_dma source(%dma_start3A_8 : memref<80x128xi32, #tpu.memory_space<hbm>>) target(%arg5 : memref<80x128xi32, #tpu.memory_space<vmem>>) target_semaphore(%arg10 : memref<!tpu.dma_semaphore, #tpu.memory_space<semaphore_mem>>)
    %dma_start3A_9 = arith.constant 1 : i32
    %dma_start3A_10 = arith.constant 0 : i32
    %dma_start3A_11 = arith.constant 0 : i32
    %dma_start3A_12 = tpu.memref_slice %arg3[%dma_start3A_9, %add3A, %dma_start3A_10, %dma_start3A_11] : memref<2x32x80x128xi32, #tpu.memory_space<hbm>> -> memref<1x1x80x128xi32, #tpu.memory_space<hbm>>
    %dma_start3A_13 = tpu.memref_squeeze %dma_start3A_12 : memref<1x1x80x128xi32, #tpu.memory_space<hbm>> -> memref<80x128xi32, #tpu.memory_space<hbm>>
    %dma_start3A_14 = arith.constant 0 : i32
    %dma_start3A_15 = arith.constant 0 : i32
    %dma_start3A_16 = tpu.memref_slice %arg3[%dma_start3A_9, %add3A, %dma_start3A_14, %dma_start3A_15] : memref<2x32x80x128xi32, #tpu.memory_space<hbm>> -> memref<1x1x80x128xi32, #tpu.memory_space<hbm>>
    %dma_start3A_17 = tpu.memref_squeeze %dma_start3A_16 : memref<1x1x80x128xi32, #tpu.memory_space<hbm>> -> memref<80x128xi32, #tpu.memory_space<hbm>>
    tpu.enqueue_dma source(%dma_start3A_17 : memref<80x128xi32, #tpu.memory_space<hbm>>) target(%arg6 : memref<80x128xi32, #tpu.memory_space<vmem>>) target_semaphore(%arg10 : memref<!tpu.dma_semaphore, #tpu.memory_space<semaphore_mem>>)
    %scan3A = arith.constant 0 : i32
    %scan3A_18 = arith.constant 0 : i32
    %scan3A_19 = arith.constant 128 : i32
    %scan3A_20 = arith.addi %scan3A_18, %scan3A_19 : i32
    %scan3A_21 = arith.constant 1 : i32
    scf.for %scan3A_191 = %scan3A_18 to %scan3A_20 step %scan3A_21  : i32 {
      %broadcast_in_dim3A = arith.constant 0.000000e+00 : f32
      %broadcast_in_dim3A_192 = vector.broadcast %broadcast_in_dim3A : f32 to vector<16xf32>
      %swap3A = arith.index_cast %scan3A_191 : i32 to index
      %swap3A_193 = arith.constant 0 : index
      %swap3A_194 = tpu.vector_load %arg8[%swap3A, %swap3A_193] {strides = array<i32>} : memref<128x64xf32, #tpu.memory_space<vmem>>, vector<1x16xf32>,
      %swap3A_195 = vector.shape_cast %swap3A_194 : vector<1x16xf32> to vector<16xf32>
      %swap3A_196 = vector.shape_cast %broadcast_in_dim3A_192 : vector<16xf32> to vector<1x16xf32>
      tpu.vector_store %arg8[%swap3A, %swap3A_193], %swap3A_196 {strides = array<i32>} : memref<128x64xf32, #tpu.memory_space<vmem>>, vector<1x16xf32>,
      %broadcast_in_dim3A_197 = arith.constant 0.000000e+00 : f32
      %broadcast_in_dim3A_198 = vector.broadcast %broadcast_in_dim3A_197 : f32 to vector<16xf32>
      %swap3A_199 = arith.index_cast %scan3A_191 : i32 to index
      %swap3A_200 = arith.constant 16 : index
      %swap3A_201 = tpu.vector_load %arg8[%swap3A_199, %swap3A_200] {strides = array<i32>} : memref<128x64xf32, #tpu.memory_space<vmem>>, vector<1x16xf32>,
      %swap3A_202 = vector.shape_cast %swap3A_201 : vector<1x16xf32> to vector<16xf32>
      %swap3A_203 = vector.shape_cast %broadcast_in_dim3A_198 : vector<16xf32> to vector<1x16xf32>
      tpu.vector_store %arg8[%swap3A_199, %swap3A_200], %swap3A_203 {strides = array<i32>} : memref<128x64xf32, #tpu.memory_space<vmem>>, vector<1x16xf32>,
      %broadcast_in_dim3A_204 = arith.constant 0.000000e+00 : f32
      %broadcast_in_dim3A_205 = vector.broadcast %broadcast_in_dim3A_204 : f32 to vector<16xf32>
      %swap3A_206 = arith.index_cast %scan3A_191 : i32 to index
      %swap3A_207 = arith.constant 32 : index
      %swap3A_208 = tpu.vector_load %arg8[%swap3A_206, %swap3A_207] {strides = array<i32>} : memref<128x64xf32, #tpu.memory_space<vmem>>, vector<1x16xf32>,
      %swap3A_209 = vector.shape_cast %swap3A_208 : vector<1x16xf32> to vector<16xf32>
      %swap3A_210 = vector.shape_cast %broadcast_in_dim3A_205 : vector<16xf32> to vector<1x16xf32>
      tpu.vector_store %arg8[%swap3A_206, %swap3A_207], %swap3A_210 {strides = array<i32>} : memref<128x64xf32, #tpu.memory_space<vmem>>, vector<1x16xf32>,
      %broadcast_in_dim3A_211 = arith.constant 0.000000e+00 : f32
      %broadcast_in_dim3A_212 = vector.broadcast %broadcast_in_dim3A_211 : f32 to vector<16xf32>
      %swap3A_213 = arith.index_cast %scan3A_191 : i32 to index
      %swap3A_214 = arith.constant 48 : index
      %swap3A_215 = tpu.vector_load %arg8[%swap3A_213, %swap3A_214] {strides = array<i32>} : memref<128x64xf32, #tpu.memory_space<vmem>>, vector<1x16xf32>,
      %swap3A_216 = vector.shape_cast %swap3A_215 : vector<1x16xf32> to vector<16xf32>
      %swap3A_217 = vector.shape_cast %broadcast_in_dim3A_212 : vector<16xf32> to vector<1x16xf32>
      tpu.vector_store %arg8[%swap3A_213, %swap3A_214], %swap3A_217 {strides = array<i32>} : memref<128x64xf32, #tpu.memory_space<vmem>>, vector<1x16xf32>,
    }
    %scan3A_22 = arith.constant 128 : i32
    %mul3A_23 = arith.constant 640 : i32
    %mul3A_24 = arith.muli %arg1, %mul3A_23 : i32
    %add3A_25 = arith.constant 0 : i32
    %add3A_26 = arith.addi %mul3A_24, %add3A_25 : i32
    "tpu.region"() ({
      %run_scoped3A = tpu.sem_alloc : memref<!tpu.dma_semaphore, #tpu.memory_space<semaphore_mem>>
      %dma_start3A_191 = arith.constant 0 : i32
      %dma_start3A_192 = tpu.memref_slice %arg9[%add3A_26, %dma_start3A_191] : memref<10240x64xf32, #tpu.memory_space<vmem_shared>> -> memref<128x64xf32, #tpu.memory_space<vmem_shared>>
      %dma_start3A_193 = arith.constant 0 : i32
      %dma_start3A_194 = tpu.memref_slice %arg9[%add3A_26, %dma_start3A_193] : memref<10240x64xf32, #tpu.memory_space<vmem_shared>> -> memref<128x64xf32, #tpu.memory_space<vmem_shared>>
      tpu.enqueue_dma source(%arg8 : memref<128x64xf32, #tpu.memory_space<vmem>>) target(%dma_start3A_194 : memref<128x64xf32, #tpu.memory_space<vmem_shared>>) target_semaphore(%run_scoped3A : memref<!tpu.dma_semaphore, #tpu.memory_space<semaphore_mem>>)
      %dma_wait3A_195 = arith.constant 0 : i32
      %dma_wait3A_196 = tpu.memref_slice %arg9[%add3A_26, %dma_wait3A_195] : memref<10240x64xf32, #tpu.memory_space<vmem_shared>> -> memref<128x64xf32, #tpu.memory_space<vmem_shared>>
      %dma_wait3A_197 = arith.constant 0 : i32
      %dma_wait3A_198 = tpu.memref_slice %arg9[%add3A_26, %dma_wait3A_197] : memref<10240x64xf32, #tpu.memory_space<vmem_shared>> -> memref<128x64xf32, #tpu.memory_space<vmem_shared>>
      tpu.wait_dma2 semaphore(%run_scoped3A : memref<!tpu.dma_semaphore, #tpu.memory_space<semaphore_mem>>) src(%arg8 : memref<128x64xf32, #tpu.memory_space<vmem>>) dst(%dma_wait3A_198 : memref<128x64xf32, #tpu.memory_space<vmem_shared>>)
      tpu.yield
    }) : () -> ()
    %mul3A_27 = arith.constant 640 : i32
    %mul3A_28 = arith.muli %arg1, %mul3A_27 : i32
    %add3A_29 = arith.constant 128 : i32
    %add3A_30 = arith.addi %mul3A_28, %add3A_29 : i32
    "tpu.region"() ({
      %run_scoped3A = tpu.sem_alloc : memref<!tpu.dma_semaphore, #tpu.memory_space<semaphore_mem>>
      %dma_start3A_191 = arith.constant 0 : i32
      %dma_start3A_192 = tpu.memref_slice %arg9[%add3A_30, %dma_start3A_191] : memref<10240x64xf32, #tpu.memory_space<vmem_shared>> -> memref<128x64xf32, #tpu.memory_space<vmem_shared>>
      %dma_start3A_193 = arith.constant 0 : i32
      %dma_start3A_194 = tpu.memref_slice %arg9[%add3A_30, %dma_start3A_193] : memref<10240x64xf32, #tpu.memory_space<vmem_shared>> -> memref<128x64xf32, #tpu.memory_space<vmem_shared>>
      tpu.enqueue_dma source(%arg8 : memref<128x64xf32, #tpu.memory_space<vmem>>) target(%dma_start3A_194 : memref<128x64xf32, #tpu.memory_space<vmem_shared>>) target_semaphore(%run_scoped3A : memref<!tpu.dma_semaphore, #tpu.memory_space<semaphore_mem>>)
      %dma_wait3A_195 = arith.constant 0 : i32
      %dma_wait3A_196 = tpu.memref_slice %arg9[%add3A_30, %dma_wait3A_195] : memref<10240x64xf32, #tpu.memory_space<vmem_shared>> -> memref<128x64xf32, #tpu.memory_space<vmem_shared>>
      %dma_wait3A_197 = arith.constant 0 : i32
      %dma_wait3A_198 = tpu.memref_slice %arg9[%add3A_30, %dma_wait3A_197] : memref<10240x64xf32, #tpu.memory_space<vmem_shared>> -> memref<128x64xf32, #tpu.memory_space<vmem_shared>>
      tpu.wait_dma2 semaphore(%run_scoped3A : memref<!tpu.dma_semaphore, #tpu.memory_space<semaphore_mem>>) src(%arg8 : memref<128x64xf32, #tpu.memory_space<vmem>>) dst(%dma_wait3A_198 : memref<128x64xf32, #tpu.memory_space<vmem_shared>>)
      tpu.yield
    }) : () -> ()
    %mul3A_31 = arith.constant 640 : i32
    %mul3A_32 = arith.muli %arg1, %mul3A_31 : i32
    %add3A_33 = arith.constant 256 : i32
    %add3A_34 = arith.addi %mul3A_32, %add3A_33 : i32
    "tpu.region"() ({
      %run_scoped3A = tpu.sem_alloc : memref<!tpu.dma_semaphore, #tpu.memory_space<semaphore_mem>>
      %dma_start3A_191 = arith.constant 0 : i32
      %dma_start3A_192 = tpu.memref_slice %arg9[%add3A_34, %dma_start3A_191] : memref<10240x64xf32, #tpu.memory_space<vmem_shared>> -> memref<128x64xf32, #tpu.memory_space<vmem_shared>>
      %dma_start3A_193 = arith.constant 0 : i32
      %dma_start3A_194 = tpu.memref_slice %arg9[%add3A_34, %dma_start3A_193] : memref<10240x64xf32, #tpu.memory_space<vmem_shared>> -> memref<128x64xf32, #tpu.memory_space<vmem_shared>>
      tpu.enqueue_dma source(%arg8 : memref<128x64xf32, #tpu.memory_space<vmem>>) target(%dma_start3A_194 : memref<128x64xf32, #tpu.memory_space<vmem_shared>>) target_semaphore(%run_scoped3A : memref<!tpu.dma_semaphore, #tpu.memory_space<semaphore_mem>>)
      %dma_wait3A_195 = arith.constant 0 : i32
      %dma_wait3A_196 = tpu.memref_slice %arg9[%add3A_34, %dma_wait3A_195] : memref<10240x64xf32, #tpu.memory_space<vmem_shared>> -> memref<128x64xf32, #tpu.memory_space<vmem_shared>>
      %dma_wait3A_197 = arith.constant 0 : i32
      %dma_wait3A_198 = tpu.memref_slice %arg9[%add3A_34, %dma_wait3A_197] : memref<10240x64xf32, #tpu.memory_space<vmem_shared>> -> memref<128x64xf32, #tpu.memory_space<vmem_shared>>
      tpu.wait_dma2 semaphore(%run_scoped3A : memref<!tpu.dma_semaphore, #tpu.memory_space<semaphore_mem>>) src(%arg8 : memref<128x64xf32, #tpu.memory_space<vmem>>) dst(%dma_wait3A_198 : memref<128x64xf32, #tpu.memory_space<vmem_shared>>)
      tpu.yield
    }) : () -> ()
    %mul3A_35 = arith.constant 640 : i32
    %mul3A_36 = arith.muli %arg1, %mul3A_35 : i32
    %add3A_37 = arith.constant 384 : i32
    %add3A_38 = arith.addi %mul3A_36, %add3A_37 : i32
    "tpu.region"() ({
      %run_scoped3A = tpu.sem_alloc : memref<!tpu.dma_semaphore, #tpu.memory_space<semaphore_mem>>
      %dma_start3A_191 = arith.constant 0 : i32
      %dma_start3A_192 = tpu.memref_slice %arg9[%add3A_38, %dma_start3A_191] : memref<10240x64xf32, #tpu.memory_space<vmem_shared>> -> memref<128x64xf32, #tpu.memory_space<vmem_shared>>
      %dma_start3A_193 = arith.constant 0 : i32
      %dma_start3A_194 = tpu.memref_slice %arg9[%add3A_38, %dma_start3A_193] : memref<10240x64xf32, #tpu.memory_space<vmem_shared>> -> memref<128x64xf32, #tpu.memory_space<vmem_shared>>
      tpu.enqueue_dma source(%arg8 : memref<128x64xf32, #tpu.memory_space<vmem>>) target(%dma_start3A_194 : memref<128x64xf32, #tpu.memory_space<vmem_shared>>) target_semaphore(%run_scoped3A : memref<!tpu.dma_semaphore, #tpu.memory_space<semaphore_mem>>)
      %dma_wait3A_195 = arith.constant 0 : i32
      %dma_wait3A_196 = tpu.memref_slice %arg9[%add3A_38, %dma_wait3A_195] : memref<10240x64xf32, #tpu.memory_space<vmem_shared>> -> memref<128x64xf32, #tpu.memory_space<vmem_shared>>
      %dma_wait3A_197 = arith.constant 0 : i32
      %dma_wait3A_198 = tpu.memref_slice %arg9[%add3A_38, %dma_wait3A_197] : memref<10240x64xf32, #tpu.memory_space<vmem_shared>> -> memref<128x64xf32, #tpu.memory_space<vmem_shared>>
      tpu.wait_dma2 semaphore(%run_scoped3A : memref<!tpu.dma_semaphore, #tpu.memory_space<semaphore_mem>>) src(%arg8 : memref<128x64xf32, #tpu.memory_space<vmem>>) dst(%dma_wait3A_198 : memref<128x64xf32, #tpu.memory_space<vmem_shared>>)
      tpu.yield
    }) : () -> ()
    %mul3A_39 = arith.constant 640 : i32
    %mul3A_40 = arith.muli %arg1, %mul3A_39 : i32
    %add3A_41 = arith.constant 512 : i32
    %add3A_42 = arith.addi %mul3A_40, %add3A_41 : i32
    "tpu.region"() ({
      %run_scoped3A = tpu.sem_alloc : memref<!tpu.dma_semaphore, #tpu.memory_space<semaphore_mem>>
      %dma_start3A_191 = arith.constant 0 : i32
      %dma_start3A_192 = tpu.memref_slice %arg9[%add3A_42, %dma_start3A_191] : memref<10240x64xf32, #tpu.memory_space<vmem_shared>> -> memref<128x64xf32, #tpu.memory_space<vmem_shared>>
      %dma_start3A_193 = arith.constant 0 : i32
      %dma_start3A_194 = tpu.memref_slice %arg9[%add3A_42, %dma_start3A_193] : memref<10240x64xf32, #tpu.memory_space<vmem_shared>> -> memref<128x64xf32, #tpu.memory_space<vmem_shared>>
      tpu.enqueue_dma source(%arg8 : memref<128x64xf32, #tpu.memory_space<vmem>>) target(%dma_start3A_194 : memref<128x64xf32, #tpu.memory_space<vmem_shared>>) target_semaphore(%run_scoped3A : memref<!tpu.dma_semaphore, #tpu.memory_space<semaphore_mem>>)
      %dma_wait3A_195 = arith.constant 0 : i32
      %dma_wait3A_196 = tpu.memref_slice %arg9[%add3A_42, %dma_wait3A_195] : memref<10240x64xf32, #tpu.memory_space<vmem_shared>> -> memref<128x64xf32, #tpu.memory_space<vmem_shared>>
      %dma_wait3A_197 = arith.constant 0 : i32
      %dma_wait3A_198 = tpu.memref_slice %arg9[%add3A_42, %dma_wait3A_197] : memref<10240x64xf32, #tpu.memory_space<vmem_shared>> -> memref<128x64xf32, #tpu.memory_space<vmem_shared>>
      tpu.wait_dma2 semaphore(%run_scoped3A : memref<!tpu.dma_semaphore, #tpu.memory_space<semaphore_mem>>) src(%arg8 : memref<128x64xf32, #tpu.memory_space<vmem>>) dst(%dma_wait3A_198 : memref<128x64xf32, #tpu.memory_space<vmem_shared>>)
      tpu.yield
    }) : () -> ()
    %dma_wait3A = arith.constant 0 : i32
    %dma_wait3A_43 = arith.constant 0 : i32
    %dma_wait3A_44 = arith.constant 0 : i32
    %dma_wait3A_45 = tpu.memref_slice %arg3[%dma_wait3A, %add3A, %dma_wait3A_43, %dma_wait3A_44] : memref<2x32x80x128xi32, #tpu.memory_space<hbm>> -> memref<1x1x80x128xi32, #tpu.memory_space<hbm>>
    %dma_wait3A_46 = tpu.memref_squeeze %dma_wait3A_45 : memref<1x1x80x128xi32, #tpu.memory_space<hbm>> -> memref<80x128xi32, #tpu.memory_space<hbm>>
    %dma_wait3A_47 = arith.constant 0 : i32
    %dma_wait3A_48 = arith.constant 0 : i32
    %dma_wait3A_49 = tpu.memref_slice %arg3[%dma_wait3A, %add3A, %dma_wait3A_47, %dma_wait3A_48] : memref<2x32x80x128xi32, #tpu.memory_space<hbm>> -> memref<1x1x80x128xi32, #tpu.memory_space<hbm>>
    %dma_wait3A_50 = tpu.memref_squeeze %dma_wait3A_49 : memref<1x1x80x128xi32, #tpu.memory_space<hbm>> -> memref<80x128xi32, #tpu.memory_space<hbm>>
    tpu.wait_dma2 semaphore(%arg10 : memref<!tpu.dma_semaphore, #tpu.memory_space<semaphore_mem>>) src(%dma_wait3A_50 : memref<80x128xi32, #tpu.memory_space<hbm>>) dst(%arg5 : memref<80x128xi32, #tpu.memory_space<vmem>>)
    %dma_wait3A_51 = arith.constant 1 : i32
    %dma_wait3A_52 = arith.constant 0 : i32
    %dma_wait3A_53 = arith.constant 0 : i32
    %dma_wait3A_54 = tpu.memref_slice %arg3[%dma_wait3A_51, %add3A, %dma_wait3A_52, %dma_wait3A_53] : memref<2x32x80x128xi32, #tpu.memory_space<hbm>> -> memref<1x1x80x128xi32, #tpu.memory_space<hbm>>
    %dma_wait3A_55 = tpu.memref_squeeze %dma_wait3A_54 : memref<1x1x80x128xi32, #tpu.memory_space<hbm>> -> memref<80x128xi32, #tpu.memory_space<hbm>>
    %dma_wait3A_56 = arith.constant 0 : i32
    %dma_wait3A_57 = arith.constant 0 : i32
    %dma_wait3A_58 = tpu.memref_slice %arg3[%dma_wait3A_51, %add3A, %dma_wait3A_56, %dma_wait3A_57] : memref<2x32x80x128xi32, #tpu.memory_space<hbm>> -> memref<1x1x80x128xi32, #tpu.memory_space<hbm>>
    %dma_wait3A_59 = tpu.memref_squeeze %dma_wait3A_58 : memref<1x1x80x128xi32, #tpu.memory_space<hbm>> -> memref<80x128xi32, #tpu.memory_space<hbm>>
    tpu.wait_dma2 semaphore(%arg10 : memref<!tpu.dma_semaphore, #tpu.memory_space<semaphore_mem>>) src(%dma_wait3A_59 : memref<80x128xi32, #tpu.memory_space<hbm>>) dst(%arg6 : memref<80x128xi32, #tpu.memory_space<vmem>>)
    %barrier3A = arith.constant 0 : index
    tpu.barrier barrier_id(%barrier3A)
    %dma_start3A_60 = arith.constant 0 : i32
    %dma_start3A_61 = arith.constant 0 : i32
    %dma_start3A_62 = arith.constant 0 : i32
    %dma_start3A_63 = arith.constant 0 : i32
    %dma_start3A_64 = tpu.memref_slice %arg7[%dma_start3A_61, %dma_start3A_62, %dma_start3A_63] : memref<5x128x64xf32, #tpu.memory_space<vmem>> -> memref<1x128x64xf32, #tpu.memory_space<vmem>>
    %dma_start3A_65 = tpu.memref_squeeze %dma_start3A_64 : memref<1x128x64xf32, #tpu.memory_space<vmem>> -> memref<128x64xf32, #tpu.memory_space<vmem>>
    %dma_start3A_66 = arith.constant 0 : i32
    %dma_start3A_67 = tpu.memref_slice %arg5[%dma_start3A_60, %dma_start3A_66] : memref<80x128xi32, #tpu.memory_space<vmem>> -> memref<1x128xi32, #tpu.memory_space<vmem>>
    %dma_start3A_68 = tpu.memref_squeeze %dma_start3A_67 : memref<1x128xi32, #tpu.memory_space<vmem>> -> memref<128xi32, #tpu.memory_space<vmem>>
    %dma_start3A_69 = arith.constant 0 : i32
    %dma_start3A_70 = arith.constant 0 : i32
    %dma_start3A_71 = tpu.memref_slice %arg2[%dma_start3A_69, %dma_start3A_70] : memref<10240x64xf32, #tpu.memory_space<hbm>> -> memref<10240x64xf32, #tpu.memory_space<hbm>>
    tpu.enqueue_indirect_dma source(%dma_start3A_71 : memref<10240x64xf32, #tpu.memory_space<hbm>>) target(%dma_start3A_65 : memref<128x64xf32, #tpu.memory_space<vmem>>) offsets(%dma_start3A_68 : memref<128xi32, #tpu.memory_space<vmem>>) semaphore(%arg11 : memref<!tpu.dma_semaphore, #tpu.memory_space<semaphore_mem>>)
    %dma_start3A_72 = arith.constant 1 : i32
    %dma_start3A_73 = arith.constant 1 : i32
    %dma_start3A_74 = arith.constant 0 : i32
    %dma_start3A_75 = arith.constant 0 : i32
    %dma_start3A_76 = tpu.memref_slice %arg7[%dma_start3A_73, %dma_start3A_74, %dma_start3A_75] : memref<5x128x64xf32, #tpu.memory_space<vmem>> -> memref<1x128x64xf32, #tpu.memory_space<vmem>>
    %dma_start3A_77 = tpu.memref_squeeze %dma_start3A_76 : memref<1x128x64xf32, #tpu.memory_space<vmem>> -> memref<128x64xf32, #tpu.memory_space<vmem>>
    %dma_start3A_78 = arith.constant 0 : i32
    %dma_start3A_79 = tpu.memref_slice %arg5[%dma_start3A_72, %dma_start3A_78] : memref<80x128xi32, #tpu.memory_space<vmem>> -> memref<1x128xi32, #tpu.memory_space<vmem>>
    %dma_start3A_80 = tpu.memref_squeeze %dma_start3A_79 : memref<1x128xi32, #tpu.memory_space<vmem>> -> memref<128xi32, #tpu.memory_space<vmem>>
    %dma_start3A_81 = arith.constant 0 : i32
    %dma_start3A_82 = arith.constant 0 : i32
    %dma_start3A_83 = tpu.memref_slice %arg2[%dma_start3A_81, %dma_start3A_82] : memref<10240x64xf32, #tpu.memory_space<hbm>> -> memref<10240x64xf32, #tpu.memory_space<hbm>>
    tpu.enqueue_indirect_dma source(%dma_start3A_83 : memref<10240x64xf32, #tpu.memory_space<hbm>>) target(%dma_start3A_77 : memref<128x64xf32, #tpu.memory_space<vmem>>) offsets(%dma_start3A_80 : memref<128xi32, #tpu.memory_space<vmem>>) semaphore(%arg12 : memref<!tpu.dma_semaphore, #tpu.memory_space<semaphore_mem>>)
    %dma_start3A_84 = arith.constant 2 : i32
    %dma_start3A_85 = arith.constant 2 : i32
    %dma_start3A_86 = arith.constant 0 : i32
    %dma_start3A_87 = arith.constant 0 : i32
    %dma_start3A_88 = tpu.memref_slice %arg7[%dma_start3A_85, %dma_start3A_86, %dma_start3A_87] : memref<5x128x64xf32, #tpu.memory_space<vmem>> -> memref<1x128x64xf32, #tpu.memory_space<vmem>>
    %dma_start3A_89 = tpu.memref_squeeze %dma_start3A_88 : memref<1x128x64xf32, #tpu.memory_space<vmem>> -> memref<128x64xf32, #tpu.memory_space<vmem>>
    %dma_start3A_90 = arith.constant 0 : i32
    %dma_start3A_91 = tpu.memref_slice %arg5[%dma_start3A_84, %dma_start3A_90] : memref<80x128xi32, #tpu.memory_space<vmem>> -> memref<1x128xi32, #tpu.memory_space<vmem>>
    %dma_start3A_92 = tpu.memref_squeeze %dma_start3A_91 : memref<1x128xi32, #tpu.memory_space<vmem>> -> memref<128xi32, #tpu.memory_space<vmem>>
    %dma_start3A_93 = arith.constant 0 : i32
    %dma_start3A_94 = arith.constant 0 : i32
    %dma_start3A_95 = tpu.memref_slice %arg2[%dma_start3A_93, %dma_start3A_94] : memref<10240x64xf32, #tpu.memory_space<hbm>> -> memref<10240x64xf32, #tpu.memory_space<hbm>>
    tpu.enqueue_indirect_dma source(%dma_start3A_95 : memref<10240x64xf32, #tpu.memory_space<hbm>>) target(%dma_start3A_89 : memref<128x64xf32, #tpu.memory_space<vmem>>) offsets(%dma_start3A_92 : memref<128xi32, #tpu.memory_space<vmem>>) semaphore(%arg13 : memref<!tpu.dma_semaphore, #tpu.memory_space<semaphore_mem>>)
    %dma_start3A_96 = arith.constant 3 : i32
    %dma_start3A_97 = arith.constant 3 : i32
    %dma_start3A_98 = arith.constant 0 : i32
    %dma_start3A_99 = arith.constant 0 : i32
    %dma_start3A_100 = tpu.memref_slice %arg7[%dma_start3A_97, %dma_start3A_98, %dma_start3A_99] : memref<5x128x64xf32, #tpu.memory_space<vmem>> -> memref<1x128x64xf32, #tpu.memory_space<vmem>>
    %dma_start3A_101 = tpu.memref_squeeze %dma_start3A_100 : memref<1x128x64xf32, #tpu.memory_space<vmem>> -> memref<128x64xf32, #tpu.memory_space<vmem>>
    %dma_start3A_102 = arith.constant 0 : i32
    %dma_start3A_103 = tpu.memref_slice %arg5[%dma_start3A_96, %dma_start3A_102] : memref<80x128xi32, #tpu.memory_space<vmem>> -> memref<1x128xi32, #tpu.memory_space<vmem>>
    %dma_start3A_104 = tpu.memref_squeeze %dma_start3A_103 : memref<1x128xi32, #tpu.memory_space<vmem>> -> memref<128xi32, #tpu.memory_space<vmem>>
    %dma_start3A_105 = arith.constant 0 : i32
    %dma_start3A_106 = arith.constant 0 : i32
    %dma_start3A_107 = tpu.memref_slice %arg2[%dma_start3A_105, %dma_start3A_106] : memref<10240x64xf32, #tpu.memory_space<hbm>> -> memref<10240x64xf32, #tpu.memory_space<hbm>>
    tpu.enqueue_indirect_dma source(%dma_start3A_107 : memref<10240x64xf32, #tpu.memory_space<hbm>>) target(%dma_start3A_101 : memref<128x64xf32, #tpu.memory_space<vmem>>) offsets(%dma_start3A_104 : memref<128xi32, #tpu.memory_space<vmem>>) semaphore(%arg14 : memref<!tpu.dma_semaphore, #tpu.memory_space<semaphore_mem>>)
    %dma_start3A_108 = arith.constant 4 : i32
    %dma_start3A_109 = arith.constant 4 : i32
    %dma_start3A_110 = arith.constant 0 : i32
    %dma_start3A_111 = arith.constant 0 : i32
    %dma_start3A_112 = tpu.memref_slice %arg7[%dma_start3A_109, %dma_start3A_110, %dma_start3A_111] : memref<5x128x64xf32, #tpu.memory_space<vmem>> -> memref<1x128x64xf32, #tpu.memory_space<vmem>>
    %dma_start3A_113 = tpu.memref_squeeze %dma_start3A_112 : memref<1x128x64xf32, #tpu.memory_space<vmem>> -> memref<128x64xf32, #tpu.memory_space<vmem>>
    %dma_start3A_114 = arith.constant 0 : i32
    %dma_start3A_115 = tpu.memref_slice %arg5[%dma_start3A_108, %dma_start3A_114] : memref<80x128xi32, #tpu.memory_space<vmem>> -> memref<1x128xi32, #tpu.memory_space<vmem>>
    %dma_start3A_116 = tpu.memref_squeeze %dma_start3A_115 : memref<1x128xi32, #tpu.memory_space<vmem>> -> memref<128xi32, #tpu.memory_space<vmem>>
    %dma_start3A_117 = arith.constant 0 : i32
    %dma_start3A_118 = arith.constant 0 : i32
    %dma_start3A_119 = tpu.memref_slice %arg2[%dma_start3A_117, %dma_start3A_118] : memref<10240x64xf32, #tpu.memory_space<hbm>> -> memref<10240x64xf32, #tpu.memory_space<hbm>>
    tpu.enqueue_indirect_dma source(%dma_start3A_119 : memref<10240x64xf32, #tpu.memory_space<hbm>>) target(%dma_start3A_113 : memref<128x64xf32, #tpu.memory_space<vmem>>) offsets(%dma_start3A_116 : memref<128xi32, #tpu.memory_space<vmem>>) semaphore(%arg15 : memref<!tpu.dma_semaphore, #tpu.memory_space<semaphore_mem>>)
    %scan3A_120 = arith.constant 0 : i32
    %scan3A_121 = arith.constant 0 : i32
    %scan3A_122 = arith.constant 16 : i32
    %scan3A_123 = arith.addi %scan3A_121, %scan3A_122 : i32
    %scan3A_124 = arith.constant 1 : i32
    scf.for %scan3A_191 = %scan3A_121 to %scan3A_123 step %scan3A_124  : i32 {
      %mul3A_192 = arith.constant 5 : i32
      %mul3A_193 = arith.muli %mul3A_192, %scan3A_191 : i32
      %add3A_194 = arith.constant 0 : i32
      %add3A_195 = arith.addi %mul3A_193, %add3A_194 : i32
      %dma_wait3A_196 = arith.constant 0 : i32
      %dma_wait3A_197 = arith.constant 0 : i32
      %dma_wait3A_198 = arith.constant 0 : i32
      %dma_wait3A_199 = tpu.memref_slice %arg7[%dma_wait3A_196, %dma_wait3A_197, %dma_wait3A_198] : memref<5x128x64xf32, #tpu.memory_space<vmem>> -> memref<1x128x64xf32, #tpu.memory_space<vmem>>
      %dma_wait3A_200 = tpu.memref_squeeze %dma_wait3A_199 : memref<1x128x64xf32, #tpu.memory_space<vmem>> -> memref<128x64xf32, #tpu.memory_space<vmem>>
      %dma_wait3A_201 = arith.constant 0 : i32
      %dma_wait3A_202 = tpu.memref_slice %arg5[%add3A_195, %dma_wait3A_201] : memref<80x128xi32, #tpu.memory_space<vmem>> -> memref<1x128xi32, #tpu.memory_space<vmem>>
      %dma_wait3A_203 = tpu.memref_squeeze %dma_wait3A_202 : memref<1x128xi32, #tpu.memory_space<vmem>> -> memref<128xi32, #tpu.memory_space<vmem>>
      %dma_wait3A_204 = arith.constant 0 : i32
      %dma_wait3A_205 = arith.constant 0 : i32
      %dma_wait3A_206 = tpu.memref_slice %arg2[%dma_wait3A_204, %dma_wait3A_205] : memref<10240x64xf32, #tpu.memory_space<hbm>> -> memref<10240x64xf32, #tpu.memory_space<hbm>>
      tpu.wait_indirect_dma semaphore(%arg11 : memref<!tpu.dma_semaphore, #tpu.memory_space<semaphore_mem>>) src(%dma_wait3A_206 : memref<10240x64xf32, #tpu.memory_space<hbm>>) dst(%dma_wait3A_200 : memref<128x64xf32, #tpu.memory_space<vmem>>)
      %dma_start3A_207 = arith.constant 0 : i32
      %dma_start3A_208 = arith.constant 0 : i32
      %dma_start3A_209 = arith.constant 0 : i32
      %dma_start3A_210 = tpu.memref_slice %arg7[%dma_start3A_207, %dma_start3A_208, %dma_start3A_209] : memref<5x128x64xf32, #tpu.memory_space<vmem>> -> memref<1x128x64xf32, #tpu.memory_space<vmem>>
      %dma_start3A_211 = tpu.memref_squeeze %dma_start3A_210 : memref<1x128x64xf32, #tpu.memory_space<vmem>> -> memref<128x64xf32, #tpu.memory_space<vmem>>
      %dma_start3A_212 = arith.constant 0 : i32
      %dma_start3A_213 = tpu.memref_slice %arg6[%add3A_195, %dma_start3A_212] : memref<80x128xi32, #tpu.memory_space<vmem>> -> memref<1x128xi32, #tpu.memory_space<vmem>>
      %dma_start3A_214 = tpu.memref_squeeze %dma_start3A_213 : memref<1x128xi32, #tpu.memory_space<vmem>> -> memref<128xi32, #tpu.memory_space<vmem>>
      %dma_start3A_215 = arith.constant 0 : i32
      %dma_start3A_216 = arith.constant 0 : i32
      %dma_start3A_217 = tpu.memref_slice %arg9[%dma_start3A_215, %dma_start3A_216] : memref<10240x64xf32, #tpu.memory_space<vmem_shared>> -> memref<10240x64xf32, #tpu.memory_space<vmem_shared>>
      tpu.enqueue_indirect_dma source(%dma_start3A_211 : memref<128x64xf32, #tpu.memory_space<vmem>>) target(%dma_start3A_217 : memref<10240x64xf32, #tpu.memory_space<vmem_shared>>) offsets(%dma_start3A_214 : memref<128xi32, #tpu.memory_space<vmem>>) semaphore(%arg16 : memref<!tpu.dma_semaphore, #tpu.memory_space<semaphore_mem>>) {add = true}
      %mul3A_218 = arith.constant 5 : i32
      %mul3A_219 = arith.muli %mul3A_218, %scan3A_191 : i32
      %add3A_220 = arith.constant 1 : i32
      %add3A_221 = arith.addi %mul3A_219, %add3A_220 : i32
      %dma_wait3A_222 = arith.constant 1 : i32
      %dma_wait3A_223 = arith.constant 0 : i32
      %dma_wait3A_224 = arith.constant 0 : i32
      %dma_wait3A_225 = tpu.memref_slice %arg7[%dma_wait3A_222, %dma_wait3A_223, %dma_wait3A_224] : memref<5x128x64xf32, #tpu.memory_space<vmem>> -> memref<1x128x64xf32, #tpu.memory_space<vmem>>
      %dma_wait3A_226 = tpu.memref_squeeze %dma_wait3A_225 : memref<1x128x64xf32, #tpu.memory_space<vmem>> -> memref<128x64xf32, #tpu.memory_space<vmem>>
      %dma_wait3A_227 = arith.constant 0 : i32
      %dma_wait3A_228 = tpu.memref_slice %arg5[%add3A_221, %dma_wait3A_227] : memref<80x128xi32, #tpu.memory_space<vmem>> -> memref<1x128xi32, #tpu.memory_space<vmem>>
      %dma_wait3A_229 = tpu.memref_squeeze %dma_wait3A_228 : memref<1x128xi32, #tpu.memory_space<vmem>> -> memref<128xi32, #tpu.memory_space<vmem>>
      %dma_wait3A_230 = arith.constant 0 : i32
      %dma_wait3A_231 = arith.constant 0 : i32
      %dma_wait3A_232 = tpu.memref_slice %arg2[%dma_wait3A_230, %dma_wait3A_231] : memref<10240x64xf32, #tpu.memory_space<hbm>> -> memref<10240x64xf32, #tpu.memory_space<hbm>>
      tpu.wait_indirect_dma semaphore(%arg12 : memref<!tpu.dma_semaphore, #tpu.memory_space<semaphore_mem>>) src(%dma_wait3A_232 : memref<10240x64xf32, #tpu.memory_space<hbm>>) dst(%dma_wait3A_226 : memref<128x64xf32, #tpu.memory_space<vmem>>)
      %dma_start3A_233 = arith.constant 1 : i32
      %dma_start3A_234 = arith.constant 0 : i32
      %dma_start3A_235 = arith.constant 0 : i32
      %dma_start3A_236 = tpu.memref_slice %arg7[%dma_start3A_233, %dma_start3A_234, %dma_start3A_235] : memref<5x128x64xf32, #tpu.memory_space<vmem>> -> memref<1x128x64xf32, #tpu.memory_space<vmem>>
      %dma_start3A_237 = tpu.memref_squeeze %dma_start3A_236 : memref<1x128x64xf32, #tpu.memory_space<vmem>> -> memref<128x64xf32, #tpu.memory_space<vmem>>
      %dma_start3A_238 = arith.constant 0 : i32
      %dma_start3A_239 = tpu.memref_slice %arg6[%add3A_221, %dma_start3A_238] : memref<80x128xi32, #tpu.memory_space<vmem>> -> memref<1x128xi32, #tpu.memory_space<vmem>>
      %dma_start3A_240 = tpu.memref_squeeze %dma_start3A_239 : memref<1x128xi32, #tpu.memory_space<vmem>> -> memref<128xi32, #tpu.memory_space<vmem>>
      %dma_start3A_241 = arith.constant 0 : i32
      %dma_start3A_242 = arith.constant 0 : i32
      %dma_start3A_243 = tpu.memref_slice %arg9[%dma_start3A_241, %dma_start3A_242] : memref<10240x64xf32, #tpu.memory_space<vmem_shared>> -> memref<10240x64xf32, #tpu.memory_space<vmem_shared>>
      tpu.enqueue_indirect_dma source(%dma_start3A_237 : memref<128x64xf32, #tpu.memory_space<vmem>>) target(%dma_start3A_243 : memref<10240x64xf32, #tpu.memory_space<vmem_shared>>) offsets(%dma_start3A_240 : memref<128xi32, #tpu.memory_space<vmem>>) semaphore(%arg17 : memref<!tpu.dma_semaphore, #tpu.memory_space<semaphore_mem>>) {add = true}
      %mul3A_244 = arith.constant 5 : i32
      %mul3A_245 = arith.muli %mul3A_244, %scan3A_191 : i32
      %add3A_246 = arith.constant 2 : i32
      %add3A_247 = arith.addi %mul3A_245, %add3A_246 : i32
      %dma_wait3A_248 = arith.constant 2 : i32
      %dma_wait3A_249 = arith.constant 0 : i32
      %dma_wait3A_250 = arith.constant 0 : i32
      %dma_wait3A_251 = tpu.memref_slice %arg7[%dma_wait3A_248, %dma_wait3A_249, %dma_wait3A_250] : memref<5x128x64xf32, #tpu.memory_space<vmem>> -> memref<1x128x64xf32, #tpu.memory_space<vmem>>
      %dma_wait3A_252 = tpu.memref_squeeze %dma_wait3A_251 : memref<1x128x64xf32, #tpu.memory_space<vmem>> -> memref<128x64xf32, #tpu.memory_space<vmem>>
      %dma_wait3A_253 = arith.constant 0 : i32
      %dma_wait3A_254 = tpu.memref_slice %arg5[%add3A_247, %dma_wait3A_253] : memref<80x128xi32, #tpu.memory_space<vmem>> -> memref<1x128xi32, #tpu.memory_space<vmem>>
      %dma_wait3A_255 = tpu.memref_squeeze %dma_wait3A_254 : memref<1x128xi32, #tpu.memory_space<vmem>> -> memref<128xi32, #tpu.memory_space<vmem>>
      %dma_wait3A_256 = arith.constant 0 : i32
      %dma_wait3A_257 = arith.constant 0 : i32
      %dma_wait3A_258 = tpu.memref_slice %arg2[%dma_wait3A_256, %dma_wait3A_257] : memref<10240x64xf32, #tpu.memory_space<hbm>> -> memref<10240x64xf32, #tpu.memory_space<hbm>>
      tpu.wait_indirect_dma semaphore(%arg13 : memref<!tpu.dma_semaphore, #tpu.memory_space<semaphore_mem>>) src(%dma_wait3A_258 : memref<10240x64xf32, #tpu.memory_space<hbm>>) dst(%dma_wait3A_252 : memref<128x64xf32, #tpu.memory_space<vmem>>)
      %dma_start3A_259 = arith.constant 2 : i32
      %dma_start3A_260 = arith.constant 0 : i32
      %dma_start3A_261 = arith.constant 0 : i32
      %dma_start3A_262 = tpu.memref_slice %arg7[%dma_start3A_259, %dma_start3A_260, %dma_start3A_261] : memref<5x128x64xf32, #tpu.memory_space<vmem>> -> memref<1x128x64xf32, #tpu.memory_space<vmem>>
      %dma_start3A_263 = tpu.memref_squeeze %dma_start3A_262 : memref<1x128x64xf32, #tpu.memory_space<vmem>> -> memref<128x64xf32, #tpu.memory_space<vmem>>
      %dma_start3A_264 = arith.constant 0 : i32
      %dma_start3A_265 = tpu.memref_slice %arg6[%add3A_247, %dma_start3A_264] : memref<80x128xi32, #tpu.memory_space<vmem>> -> memref<1x128xi32, #tpu.memory_space<vmem>>
      %dma_start3A_266 = tpu.memref_squeeze %dma_start3A_265 : memref<1x128xi32, #tpu.memory_space<vmem>> -> memref<128xi32, #tpu.memory_space<vmem>>
      %dma_start3A_267 = arith.constant 0 : i32
      %dma_start3A_268 = arith.constant 0 : i32
      %dma_start3A_269 = tpu.memref_slice %arg9[%dma_start3A_267, %dma_start3A_268] : memref<10240x64xf32, #tpu.memory_space<vmem_shared>> -> memref<10240x64xf32, #tpu.memory_space<vmem_shared>>
      tpu.enqueue_indirect_dma source(%dma_start3A_263 : memref<128x64xf32, #tpu.memory_space<vmem>>) target(%dma_start3A_269 : memref<10240x64xf32, #tpu.memory_space<vmem_shared>>) offsets(%dma_start3A_266 : memref<128xi32, #tpu.memory_space<vmem>>) semaphore(%arg18 : memref<!tpu.dma_semaphore, #tpu.memory_space<semaphore_mem>>) {add = true}
      %mul3A_270 = arith.constant 5 : i32
      %mul3A_271 = arith.muli %mul3A_270, %scan3A_191 : i32
      %add3A_272 = arith.constant 3 : i32
      %add3A_273 = arith.addi %mul3A_271, %add3A_272 : i32
      %dma_wait3A_274 = arith.constant 3 : i32
      %dma_wait3A_275 = arith.constant 0 : i32
      %dma_wait3A_276 = arith.constant 0 : i32
      %dma_wait3A_277 = tpu.memref_slice %arg7[%dma_wait3A_274, %dma_wait3A_275, %dma_wait3A_276] : memref<5x128x64xf32, #tpu.memory_space<vmem>> -> memref<1x128x64xf32, #tpu.memory_space<vmem>>
      %dma_wait3A_278 = tpu.memref_squeeze %dma_wait3A_277 : memref<1x128x64xf32, #tpu.memory_space<vmem>> -> memref<128x64xf32, #tpu.memory_space<vmem>>
      %dma_wait3A_279 = arith.constant 0 : i32
      %dma_wait3A_280 = tpu.memref_slice %arg5[%add3A_273, %dma_wait3A_279] : memref<80x128xi32, #tpu.memory_space<vmem>> -> memref<1x128xi32, #tpu.memory_space<vmem>>
      %dma_wait3A_281 = tpu.memref_squeeze %dma_wait3A_280 : memref<1x128xi32, #tpu.memory_space<vmem>> -> memref<128xi32, #tpu.memory_space<vmem>>
      %dma_wait3A_282 = arith.constant 0 : i32
      %dma_wait3A_283 = arith.constant 0 : i32
      %dma_wait3A_284 = tpu.memref_slice %arg2[%dma_wait3A_282, %dma_wait3A_283] : memref<10240x64xf32, #tpu.memory_space<hbm>> -> memref<10240x64xf32, #tpu.memory_space<hbm>>
      tpu.wait_indirect_dma semaphore(%arg14 : memref<!tpu.dma_semaphore, #tpu.memory_space<semaphore_mem>>) src(%dma_wait3A_284 : memref<10240x64xf32, #tpu.memory_space<hbm>>) dst(%dma_wait3A_278 : memref<128x64xf32, #tpu.memory_space<vmem>>)
      %dma_start3A_285 = arith.constant 3 : i32
      %dma_start3A_286 = arith.constant 0 : i32
      %dma_start3A_287 = arith.constant 0 : i32
      %dma_start3A_288 = tpu.memref_slice %arg7[%dma_start3A_285, %dma_start3A_286, %dma_start3A_287] : memref<5x128x64xf32, #tpu.memory_space<vmem>> -> memref<1x128x64xf32, #tpu.memory_space<vmem>>
      %dma_start3A_289 = tpu.memref_squeeze %dma_start3A_288 : memref<1x128x64xf32, #tpu.memory_space<vmem>> -> memref<128x64xf32, #tpu.memory_space<vmem>>
      %dma_start3A_290 = arith.constant 0 : i32
      %dma_start3A_291 = tpu.memref_slice %arg6[%add3A_273, %dma_start3A_290] : memref<80x128xi32, #tpu.memory_space<vmem>> -> memref<1x128xi32, #tpu.memory_space<vmem>>
      %dma_start3A_292 = tpu.memref_squeeze %dma_start3A_291 : memref<1x128xi32, #tpu.memory_space<vmem>> -> memref<128xi32, #tpu.memory_space<vmem>>
      %dma_start3A_293 = arith.constant 0 : i32
      %dma_start3A_294 = arith.constant 0 : i32
      %dma_start3A_295 = tpu.memref_slice %arg9[%dma_start3A_293, %dma_start3A_294] : memref<10240x64xf32, #tpu.memory_space<vmem_shared>> -> memref<10240x64xf32, #tpu.memory_space<vmem_shared>>
      tpu.enqueue_indirect_dma source(%dma_start3A_289 : memref<128x64xf32, #tpu.memory_space<vmem>>) target(%dma_start3A_295 : memref<10240x64xf32, #tpu.memory_space<vmem_shared>>) offsets(%dma_start3A_292 : memref<128xi32, #tpu.memory_space<vmem>>) semaphore(%arg19 : memref<!tpu.dma_semaphore, #tpu.memory_space<semaphore_mem>>) {add = true}
      %mul3A_296 = arith.constant 5 : i32
      %mul3A_297 = arith.muli %mul3A_296, %scan3A_191 : i32
      %add3A_298 = arith.constant 4 : i32
      %add3A_299 = arith.addi %mul3A_297, %add3A_298 : i32
      %dma_wait3A_300 = arith.constant 4 : i32
      %dma_wait3A_301 = arith.constant 0 : i32
      %dma_wait3A_302 = arith.constant 0 : i32
      %dma_wait3A_303 = tpu.memref_slice %arg7[%dma_wait3A_300, %dma_wait3A_301, %dma_wait3A_302] : memref<5x128x64xf32, #tpu.memory_space<vmem>> -> memref<1x128x64xf32, #tpu.memory_space<vmem>>
      %dma_wait3A_304 = tpu.memref_squeeze %dma_wait3A_303 : memref<1x128x64xf32, #tpu.memory_space<vmem>> -> memref<128x64xf32, #tpu.memory_space<vmem>>
      %dma_wait3A_305 = arith.constant 0 : i32
      %dma_wait3A_306 = tpu.memref_slice %arg5[%add3A_299, %dma_wait3A_305] : memref<80x128xi32, #tpu.memory_space<vmem>> -> memref<1x128xi32, #tpu.memory_space<vmem>>
      %dma_wait3A_307 = tpu.memref_squeeze %dma_wait3A_306 : memref<1x128xi32, #tpu.memory_space<vmem>> -> memref<128xi32, #tpu.memory_space<vmem>>
      %dma_wait3A_308 = arith.constant 0 : i32
      %dma_wait3A_309 = arith.constant 0 : i32
      %dma_wait3A_310 = tpu.memref_slice %arg2[%dma_wait3A_308, %dma_wait3A_309] : memref<10240x64xf32, #tpu.memory_space<hbm>> -> memref<10240x64xf32, #tpu.memory_space<hbm>>
      tpu.wait_indirect_dma semaphore(%arg15 : memref<!tpu.dma_semaphore, #tpu.memory_space<semaphore_mem>>) src(%dma_wait3A_310 : memref<10240x64xf32, #tpu.memory_space<hbm>>) dst(%dma_wait3A_304 : memref<128x64xf32, #tpu.memory_space<vmem>>)
      %dma_start3A_311 = arith.constant 4 : i32
      %dma_start3A_312 = arith.constant 0 : i32
      %dma_start3A_313 = arith.constant 0 : i32
      %dma_start3A_314 = tpu.memref_slice %arg7[%dma_start3A_311, %dma_start3A_312, %dma_start3A_313] : memref<5x128x64xf32, #tpu.memory_space<vmem>> -> memref<1x128x64xf32, #tpu.memory_space<vmem>>
      %dma_start3A_315 = tpu.memref_squeeze %dma_start3A_314 : memref<1x128x64xf32, #tpu.memory_space<vmem>> -> memref<128x64xf32, #tpu.memory_space<vmem>>
      %dma_start3A_316 = arith.constant 0 : i32
      %dma_start3A_317 = tpu.memref_slice %arg6[%add3A_299, %dma_start3A_316] : memref<80x128xi32, #tpu.memory_space<vmem>> -> memref<1x128xi32, #tpu.memory_space<vmem>>
      %dma_start3A_318 = tpu.memref_squeeze %dma_start3A_317 : memref<1x128xi32, #tpu.memory_space<vmem>> -> memref<128xi32, #tpu.memory_space<vmem>>
      %dma_start3A_319 = arith.constant 0 : i32
      %dma_start3A_320 = arith.constant 0 : i32
      %dma_start3A_321 = tpu.memref_slice %arg9[%dma_start3A_319, %dma_start3A_320] : memref<10240x64xf32, #tpu.memory_space<vmem_shared>> -> memref<10240x64xf32, #tpu.memory_space<vmem_shared>>
      tpu.enqueue_indirect_dma source(%dma_start3A_315 : memref<128x64xf32, #tpu.memory_space<vmem>>) target(%dma_start3A_321 : memref<10240x64xf32, #tpu.memory_space<vmem_shared>>) offsets(%dma_start3A_318 : memref<128xi32, #tpu.memory_space<vmem>>) semaphore(%arg20 : memref<!tpu.dma_semaphore, #tpu.memory_space<semaphore_mem>>) {add = true}
      %mul3A_322 = arith.constant 5 : i32
      %mul3A_323 = arith.muli %mul3A_322, %scan3A_191 : i32
      %add3A_324 = arith.constant 0 : i32
      %add3A_325 = arith.addi %mul3A_323, %add3A_324 : i32
      %add3A_326 = arith.constant 5 : i32
      %add3A_327 = arith.addi %add3A_325, %add3A_326 : i32
      %lt3A = arith.constant 80 : i32
      %lt3A_328 = arith.cmpi slt, %add3A_327, %lt3A : i32
      %convert_element_type3A = arith.extui %lt3A_328 : i1 to i32
      %cond3A = arith.constant 0 : i32
      %cond3A_329 = arith.cmpi ne, %convert_element_type3A, %cond3A : i32
      scf.if %cond3A_329 {
        %dma_wait3A_374 = arith.constant 0 : i32
        %dma_wait3A_375 = arith.constant 0 : i32
        %dma_wait3A_376 = arith.constant 0 : i32
        %dma_wait3A_377 = tpu.memref_slice %arg7[%dma_wait3A_374, %dma_wait3A_375, %dma_wait3A_376] : memref<5x128x64xf32, #tpu.memory_space<vmem>> -> memref<1x128x64xf32, #tpu.memory_space<vmem>>
        %dma_wait3A_378 = tpu.memref_squeeze %dma_wait3A_377 : memref<1x128x64xf32, #tpu.memory_space<vmem>> -> memref<128x64xf32, #tpu.memory_space<vmem>>
        %dma_wait3A_379 = arith.constant 0 : i32
        %dma_wait3A_380 = tpu.memref_slice %arg6[%add3A_325, %dma_wait3A_379] : memref<80x128xi32, #tpu.memory_space<vmem>> -> memref<1x128xi32, #tpu.memory_space<vmem>>
        %dma_wait3A_381 = tpu.memref_squeeze %dma_wait3A_380 : memref<1x128xi32, #tpu.memory_space<vmem>> -> memref<128xi32, #tpu.memory_space<vmem>>
        %dma_wait3A_382 = arith.constant 0 : i32
        %dma_wait3A_383 = arith.constant 0 : i32
        %dma_wait3A_384 = tpu.memref_slice %arg9[%dma_wait3A_382, %dma_wait3A_383] : memref<10240x64xf32, #tpu.memory_space<vmem_shared>> -> memref<10240x64xf32, #tpu.memory_space<vmem_shared>>
        tpu.wait_indirect_dma semaphore(%arg16 : memref<!tpu.dma_semaphore, #tpu.memory_space<semaphore_mem>>) src(%dma_wait3A_378 : memref<128x64xf32, #tpu.memory_space<vmem>>) dst(%dma_wait3A_384 : memref<10240x64xf32, #tpu.memory_space<vmem_shared>>)
        %add3A_385 = arith.constant 5 : i32
        %add3A_386 = arith.addi %add3A_325, %add3A_385 : i32
        %dma_start3A_387 = arith.constant 0 : i32
        %dma_start3A_388 = arith.constant 0 : i32
        %dma_start3A_389 = arith.constant 0 : i32
        %dma_start3A_390 = tpu.memref_slice %arg7[%dma_start3A_387, %dma_start3A_388, %dma_start3A_389] : memref<5x128x64xf32, #tpu.memory_space<vmem>> -> memref<1x128x64xf32, #tpu.memory_space<vmem>>
        %dma_start3A_391 = tpu.memref_squeeze %dma_start3A_390 : memref<1x128x64xf32, #tpu.memory_space<vmem>> -> memref<128x64xf32, #tpu.memory_space<vmem>>
        %dma_start3A_392 = arith.constant 0 : i32
        %dma_start3A_393 = tpu.memref_slice %arg5[%add3A_386, %dma_start3A_392] : memref<80x128xi32, #tpu.memory_space<vmem>> -> memref<1x128xi32, #tpu.memory_space<vmem>>
        %dma_start3A_394 = tpu.memref_squeeze %dma_start3A_393 : memref<1x128xi32, #tpu.memory_space<vmem>> -> memref<128xi32, #tpu.memory_space<vmem>>
        %dma_start3A_395 = arith.constant 0 : i32
        %dma_start3A_396 = arith.constant 0 : i32
        %dma_start3A_397 = tpu.memref_slice %arg2[%dma_start3A_395, %dma_start3A_396] : memref<10240x64xf32, #tpu.memory_space<hbm>> -> memref<10240x64xf32, #tpu.memory_space<hbm>>
        tpu.enqueue_indirect_dma source(%dma_start3A_397 : memref<10240x64xf32, #tpu.memory_space<hbm>>) target(%dma_start3A_391 : memref<128x64xf32, #tpu.memory_space<vmem>>) offsets(%dma_start3A_394 : memref<128xi32, #tpu.memory_space<vmem>>) semaphore(%arg11 : memref<!tpu.dma_semaphore, #tpu.memory_space<semaphore_mem>>)
      } else {
      }
      %mul3A_330 = arith.constant 5 : i32
      %mul3A_331 = arith.muli %mul3A_330, %scan3A_191 : i32
      %add3A_332 = arith.constant 1 : i32
      %add3A_333 = arith.addi %mul3A_331, %add3A_332 : i32
      %add3A_334 = arith.constant 5 : i32
      %add3A_335 = arith.addi %add3A_333, %add3A_334 : i32
      %lt3A_336 = arith.constant 80 : i32
      %lt3A_337 = arith.cmpi slt, %add3A_335, %lt3A_336 : i32
      %convert_element_type3A_338 = arith.extui %lt3A_337 : i1 to i32
      %cond3A_339 = arith.constant 0 : i32
      %cond3A_340 = arith.cmpi ne, %convert_element_type3A_338, %cond3A_339 : i32
      scf.if %cond3A_340 {
        %dma_wait3A_374 = arith.constant 1 : i32
        %dma_wait3A_375 = arith.constant 0 : i32
        %dma_wait3A_376 = arith.constant 0 : i32
        %dma_wait3A_377 = tpu.memref_slice %arg7[%dma_wait3A_374, %dma_wait3A_375, %dma_wait3A_376] : memref<5x128x64xf32, #tpu.memory_space<vmem>> -> memref<1x128x64xf32, #tpu.memory_space<vmem>>
        %dma_wait3A_378 = tpu.memref_squeeze %dma_wait3A_377 : memref<1x128x64xf32, #tpu.memory_space<vmem>> -> memref<128x64xf32, #tpu.memory_space<vmem>>
        %dma_wait3A_379 = arith.constant 0 : i32
        %dma_wait3A_380 = tpu.memref_slice %arg6[%add3A_333, %dma_wait3A_379] : memref<80x128xi32, #tpu.memory_space<vmem>> -> memref<1x128xi32, #tpu.memory_space<vmem>>
        %dma_wait3A_381 = tpu.memref_squeeze %dma_wait3A_380 : memref<1x128xi32, #tpu.memory_space<vmem>> -> memref<128xi32, #tpu.memory_space<vmem>>
        %dma_wait3A_382 = arith.constant 0 : i32
        %dma_wait3A_383 = arith.constant 0 : i32
        %dma_wait3A_384 = tpu.memref_slice %arg9[%dma_wait3A_382, %dma_wait3A_383] : memref<10240x64xf32, #tpu.memory_space<vmem_shared>> -> memref<10240x64xf32, #tpu.memory_space<vmem_shared>>
        tpu.wait_indirect_dma semaphore(%arg17 : memref<!tpu.dma_semaphore, #tpu.memory_space<semaphore_mem>>) src(%dma_wait3A_378 : memref<128x64xf32, #tpu.memory_space<vmem>>) dst(%dma_wait3A_384 : memref<10240x64xf32, #tpu.memory_space<vmem_shared>>)
        %add3A_385 = arith.constant 5 : i32
        %add3A_386 = arith.addi %add3A_333, %add3A_385 : i32
        %dma_start3A_387 = arith.constant 1 : i32
        %dma_start3A_388 = arith.constant 0 : i32
        %dma_start3A_389 = arith.constant 0 : i32
        %dma_start3A_390 = tpu.memref_slice %arg7[%dma_start3A_387, %dma_start3A_388, %dma_start3A_389] : memref<5x128x64xf32, #tpu.memory_space<vmem>> -> memref<1x128x64xf32, #tpu.memory_space<vmem>>
        %dma_start3A_391 = tpu.memref_squeeze %dma_start3A_390 : memref<1x128x64xf32, #tpu.memory_space<vmem>> -> memref<128x64xf32, #tpu.memory_space<vmem>>
        %dma_start3A_392 = arith.constant 0 : i32
        %dma_start3A_393 = tpu.memref_slice %arg5[%add3A_386, %dma_start3A_392] : memref<80x128xi32, #tpu.memory_space<vmem>> -> memref<1x128xi32, #tpu.memory_space<vmem>>
        %dma_start3A_394 = tpu.memref_squeeze %dma_start3A_393 : memref<1x128xi32, #tpu.memory_space<vmem>> -> memref<128xi32, #tpu.memory_space<vmem>>
        %dma_start3A_395 = arith.constant 0 : i32
        %dma_start3A_396 = arith.constant 0 : i32
        %dma_start3A_397 = tpu.memref_slice %arg2[%dma_start3A_395, %dma_start3A_396] : memref<10240x64xf32, #tpu.memory_space<hbm>> -> memref<10240x64xf32, #tpu.memory_space<hbm>>
        tpu.enqueue_indirect_dma source(%dma_start3A_397 : memref<10240x64xf32, #tpu.memory_space<hbm>>) target(%dma_start3A_391 : memref<128x64xf32, #tpu.memory_space<vmem>>) offsets(%dma_start3A_394 : memref<128xi32, #tpu.memory_space<vmem>>) semaphore(%arg12 : memref<!tpu.dma_semaphore, #tpu.memory_space<semaphore_mem>>)
      } else {
      }
      %mul3A_341 = arith.constant 5 : i32
      %mul3A_342 = arith.muli %mul3A_341, %scan3A_191 : i32
      %add3A_343 = arith.constant 2 : i32
      %add3A_344 = arith.addi %mul3A_342, %add3A_343 : i32
      %add3A_345 = arith.constant 5 : i32
      %add3A_346 = arith.addi %add3A_344, %add3A_345 : i32
      %lt3A_347 = arith.constant 80 : i32
      %lt3A_348 = arith.cmpi slt, %add3A_346, %lt3A_347 : i32
      %convert_element_type3A_349 = arith.extui %lt3A_348 : i1 to i32
      %cond3A_350 = arith.constant 0 : i32
      %cond3A_351 = arith.cmpi ne, %convert_element_type3A_349, %cond3A_350 : i32
      scf.if %cond3A_351 {
        %dma_wait3A_374 = arith.constant 2 : i32
        %dma_wait3A_375 = arith.constant 0 : i32
        %dma_wait3A_376 = arith.constant 0 : i32
        %dma_wait3A_377 = tpu.memref_slice %arg7[%dma_wait3A_374, %dma_wait3A_375, %dma_wait3A_376] : memref<5x128x64xf32, #tpu.memory_space<vmem>> -> memref<1x128x64xf32, #tpu.memory_space<vmem>>
        %dma_wait3A_378 = tpu.memref_squeeze %dma_wait3A_377 : memref<1x128x64xf32, #tpu.memory_space<vmem>> -> memref<128x64xf32, #tpu.memory_space<vmem>>
        %dma_wait3A_379 = arith.constant 0 : i32
        %dma_wait3A_380 = tpu.memref_slice %arg6[%add3A_344, %dma_wait3A_379] : memref<80x128xi32, #tpu.memory_space<vmem>> -> memref<1x128xi32, #tpu.memory_space<vmem>>
        %dma_wait3A_381 = tpu.memref_squeeze %dma_wait3A_380 : memref<1x128xi32, #tpu.memory_space<vmem>> -> memref<128xi32, #tpu.memory_space<vmem>>
        %dma_wait3A_382 = arith.constant 0 : i32
        %dma_wait3A_383 = arith.constant 0 : i32
        %dma_wait3A_384 = tpu.memref_slice %arg9[%dma_wait3A_382, %dma_wait3A_383] : memref<10240x64xf32, #tpu.memory_space<vmem_shared>> -> memref<10240x64xf32, #tpu.memory_space<vmem_shared>>
        tpu.wait_indirect_dma semaphore(%arg18 : memref<!tpu.dma_semaphore, #tpu.memory_space<semaphore_mem>>) src(%dma_wait3A_378 : memref<128x64xf32, #tpu.memory_space<vmem>>) dst(%dma_wait3A_384 : memref<10240x64xf32, #tpu.memory_space<vmem_shared>>)
        %add3A_385 = arith.constant 5 : i32
        %add3A_386 = arith.addi %add3A_344, %add3A_385 : i32
        %dma_start3A_387 = arith.constant 2 : i32
        %dma_start3A_388 = arith.constant 0 : i32
        %dma_start3A_389 = arith.constant 0 : i32
        %dma_start3A_390 = tpu.memref_slice %arg7[%dma_start3A_387, %dma_start3A_388, %dma_start3A_389] : memref<5x128x64xf32, #tpu.memory_space<vmem>> -> memref<1x128x64xf32, #tpu.memory_space<vmem>>
        %dma_start3A_391 = tpu.memref_squeeze %dma_start3A_390 : memref<1x128x64xf32, #tpu.memory_space<vmem>> -> memref<128x64xf32, #tpu.memory_space<vmem>>
        %dma_start3A_392 = arith.constant 0 : i32
        %dma_start3A_393 = tpu.memref_slice %arg5[%add3A_386, %dma_start3A_392] : memref<80x128xi32, #tpu.memory_space<vmem>> -> memref<1x128xi32, #tpu.memory_space<vmem>>
        %dma_start3A_394 = tpu.memref_squeeze %dma_start3A_393 : memref<1x128xi32, #tpu.memory_space<vmem>> -> memref<128xi32, #tpu.memory_space<vmem>>
        %dma_start3A_395 = arith.constant 0 : i32
        %dma_start3A_396 = arith.constant 0 : i32
        %dma_start3A_397 = tpu.memref_slice %arg2[%dma_start3A_395, %dma_start3A_396] : memref<10240x64xf32, #tpu.memory_space<hbm>> -> memref<10240x64xf32, #tpu.memory_space<hbm>>
        tpu.enqueue_indirect_dma source(%dma_start3A_397 : memref<10240x64xf32, #tpu.memory_space<hbm>>) target(%dma_start3A_391 : memref<128x64xf32, #tpu.memory_space<vmem>>) offsets(%dma_start3A_394 : memref<128xi32, #tpu.memory_space<vmem>>) semaphore(%arg13 : memref<!tpu.dma_semaphore, #tpu.memory_space<semaphore_mem>>)
      } else {
      }
      %mul3A_352 = arith.constant 5 : i32
      %mul3A_353 = arith.muli %mul3A_352, %scan3A_191 : i32
      %add3A_354 = arith.constant 3 : i32
      %add3A_355 = arith.addi %mul3A_353, %add3A_354 : i32
      %add3A_356 = arith.constant 5 : i32
      %add3A_357 = arith.addi %add3A_355, %add3A_356 : i32
      %lt3A_358 = arith.constant 80 : i32
      %lt3A_359 = arith.cmpi slt, %add3A_357, %lt3A_358 : i32
      %convert_element_type3A_360 = arith.extui %lt3A_359 : i1 to i32
      %cond3A_361 = arith.constant 0 : i32
      %cond3A_362 = arith.cmpi ne, %convert_element_type3A_360, %cond3A_361 : i32
      scf.if %cond3A_362 {
        %dma_wait3A_374 = arith.constant 3 : i32
        %dma_wait3A_375 = arith.constant 0 : i32
        %dma_wait3A_376 = arith.constant 0 : i32
        %dma_wait3A_377 = tpu.memref_slice %arg7[%dma_wait3A_374, %dma_wait3A_375, %dma_wait3A_376] : memref<5x128x64xf32, #tpu.memory_space<vmem>> -> memref<1x128x64xf32, #tpu.memory_space<vmem>>
        %dma_wait3A_378 = tpu.memref_squeeze %dma_wait3A_377 : memref<1x128x64xf32, #tpu.memory_space<vmem>> -> memref<128x64xf32, #tpu.memory_space<vmem>>
        %dma_wait3A_379 = arith.constant 0 : i32
        %dma_wait3A_380 = tpu.memref_slice %arg6[%add3A_355, %dma_wait3A_379] : memref<80x128xi32, #tpu.memory_space<vmem>> -> memref<1x128xi32, #tpu.memory_space<vmem>>
        %dma_wait3A_381 = tpu.memref_squeeze %dma_wait3A_380 : memref<1x128xi32, #tpu.memory_space<vmem>> -> memref<128xi32, #tpu.memory_space<vmem>>
        %dma_wait3A_382 = arith.constant 0 : i32
        %dma_wait3A_383 = arith.constant 0 : i32
        %dma_wait3A_384 = tpu.memref_slice %arg9[%dma_wait3A_382, %dma_wait3A_383] : memref<10240x64xf32, #tpu.memory_space<vmem_shared>> -> memref<10240x64xf32, #tpu.memory_space<vmem_shared>>
        tpu.wait_indirect_dma semaphore(%arg19 : memref<!tpu.dma_semaphore, #tpu.memory_space<semaphore_mem>>) src(%dma_wait3A_378 : memref<128x64xf32, #tpu.memory_space<vmem>>) dst(%dma_wait3A_384 : memref<10240x64xf32, #tpu.memory_space<vmem_shared>>)
        %add3A_385 = arith.constant 5 : i32
        %add3A_386 = arith.addi %add3A_355, %add3A_385 : i32
        %dma_start3A_387 = arith.constant 3 : i32
        %dma_start3A_388 = arith.constant 0 : i32
        %dma_start3A_389 = arith.constant 0 : i32
        %dma_start3A_390 = tpu.memref_slice %arg7[%dma_start3A_387, %dma_start3A_388, %dma_start3A_389] : memref<5x128x64xf32, #tpu.memory_space<vmem>> -> memref<1x128x64xf32, #tpu.memory_space<vmem>>
        %dma_start3A_391 = tpu.memref_squeeze %dma_start3A_390 : memref<1x128x64xf32, #tpu.memory_space<vmem>> -> memref<128x64xf32, #tpu.memory_space<vmem>>
        %dma_start3A_392 = arith.constant 0 : i32
        %dma_start3A_393 = tpu.memref_slice %arg5[%add3A_386, %dma_start3A_392] : memref<80x128xi32, #tpu.memory_space<vmem>> -> memref<1x128xi32, #tpu.memory_space<vmem>>
        %dma_start3A_394 = tpu.memref_squeeze %dma_start3A_393 : memref<1x128xi32, #tpu.memory_space<vmem>> -> memref<128xi32, #tpu.memory_space<vmem>>
        %dma_start3A_395 = arith.constant 0 : i32
        %dma_start3A_396 = arith.constant 0 : i32
        %dma_start3A_397 = tpu.memref_slice %arg2[%dma_start3A_395, %dma_start3A_396] : memref<10240x64xf32, #tpu.memory_space<hbm>> -> memref<10240x64xf32, #tpu.memory_space<hbm>>
        tpu.enqueue_indirect_dma source(%dma_start3A_397 : memref<10240x64xf32, #tpu.memory_space<hbm>>) target(%dma_start3A_391 : memref<128x64xf32, #tpu.memory_space<vmem>>) offsets(%dma_start3A_394 : memref<128xi32, #tpu.memory_space<vmem>>) semaphore(%arg14 : memref<!tpu.dma_semaphore, #tpu.memory_space<semaphore_mem>>)
      } else {
      }
      %mul3A_363 = arith.constant 5 : i32
      %mul3A_364 = arith.muli %mul3A_363, %scan3A_191 : i32
      %add3A_365 = arith.constant 4 : i32
      %add3A_366 = arith.addi %mul3A_364, %add3A_365 : i32
      %add3A_367 = arith.constant 5 : i32
      %add3A_368 = arith.addi %add3A_366, %add3A_367 : i32
      %lt3A_369 = arith.constant 80 : i32
      %lt3A_370 = arith.cmpi slt, %add3A_368, %lt3A_369 : i32
      %convert_element_type3A_371 = arith.extui %lt3A_370 : i1 to i32
      %cond3A_372 = arith.constant 0 : i32
      %cond3A_373 = arith.cmpi ne, %convert_element_type3A_371, %cond3A_372 : i32
      scf.if %cond3A_373 {
        %dma_wait3A_374 = arith.constant 4 : i32
        %dma_wait3A_375 = arith.constant 0 : i32
        %dma_wait3A_376 = arith.constant 0 : i32
        %dma_wait3A_377 = tpu.memref_slice %arg7[%dma_wait3A_374, %dma_wait3A_375, %dma_wait3A_376] : memref<5x128x64xf32, #tpu.memory_space<vmem>> -> memref<1x128x64xf32, #tpu.memory_space<vmem>>
        %dma_wait3A_378 = tpu.memref_squeeze %dma_wait3A_377 : memref<1x128x64xf32, #tpu.memory_space<vmem>> -> memref<128x64xf32, #tpu.memory_space<vmem>>
        %dma_wait3A_379 = arith.constant 0 : i32
        %dma_wait3A_380 = tpu.memref_slice %arg6[%add3A_366, %dma_wait3A_379] : memref<80x128xi32, #tpu.memory_space<vmem>> -> memref<1x128xi32, #tpu.memory_space<vmem>>
        %dma_wait3A_381 = tpu.memref_squeeze %dma_wait3A_380 : memref<1x128xi32, #tpu.memory_space<vmem>> -> memref<128xi32, #tpu.memory_space<vmem>>
        %dma_wait3A_382 = arith.constant 0 : i32
        %dma_wait3A_383 = arith.constant 0 : i32
        %dma_wait3A_384 = tpu.memref_slice %arg9[%dma_wait3A_382, %dma_wait3A_383] : memref<10240x64xf32, #tpu.memory_space<vmem_shared>> -> memref<10240x64xf32, #tpu.memory_space<vmem_shared>>
        tpu.wait_indirect_dma semaphore(%arg20 : memref<!tpu.dma_semaphore, #tpu.memory_space<semaphore_mem>>) src(%dma_wait3A_378 : memref<128x64xf32, #tpu.memory_space<vmem>>) dst(%dma_wait3A_384 : memref<10240x64xf32, #tpu.memory_space<vmem_shared>>)
        %add3A_385 = arith.constant 5 : i32
        %add3A_386 = arith.addi %add3A_366, %add3A_385 : i32
        %dma_start3A_387 = arith.constant 4 : i32
        %dma_start3A_388 = arith.constant 0 : i32
        %dma_start3A_389 = arith.constant 0 : i32
        %dma_start3A_390 = tpu.memref_slice %arg7[%dma_start3A_387, %dma_start3A_388, %dma_start3A_389] : memref<5x128x64xf32, #tpu.memory_space<vmem>> -> memref<1x128x64xf32, #tpu.memory_space<vmem>>
        %dma_start3A_391 = tpu.memref_squeeze %dma_start3A_390 : memref<1x128x64xf32, #tpu.memory_space<vmem>> -> memref<128x64xf32, #tpu.memory_space<vmem>>
        %dma_start3A_392 = arith.constant 0 : i32
        %dma_start3A_393 = tpu.memref_slice %arg5[%add3A_386, %dma_start3A_392] : memref<80x128xi32, #tpu.memory_space<vmem>> -> memref<1x128xi32, #tpu.memory_space<vmem>>
        %dma_start3A_394 = tpu.memref_squeeze %dma_start3A_393 : memref<1x128xi32, #tpu.memory_space<vmem>> -> memref<128xi32, #tpu.memory_space<vmem>>
        %dma_start3A_395 = arith.constant 0 : i32
        %dma_start3A_396 = arith.constant 0 : i32
        %dma_start3A_397 = tpu.memref_slice %arg2[%dma_start3A_395, %dma_start3A_396] : memref<10240x64xf32, #tpu.memory_space<hbm>> -> memref<10240x64xf32, #tpu.memory_space<hbm>>
        tpu.enqueue_indirect_dma source(%dma_start3A_397 : memref<10240x64xf32, #tpu.memory_space<hbm>>) target(%dma_start3A_391 : memref<128x64xf32, #tpu.memory_space<vmem>>) offsets(%dma_start3A_394 : memref<128xi32, #tpu.memory_space<vmem>>) semaphore(%arg15 : memref<!tpu.dma_semaphore, #tpu.memory_space<semaphore_mem>>)
      } else {
      }
    }
    %scan3A_125 = arith.constant 16 : i32
    %dma_wait3A_126 = arith.constant 0 : i32
    %dma_wait3A_127 = arith.constant 75 : i32
    %dma_wait3A_128 = arith.constant 0 : i32
    %dma_wait3A_129 = arith.constant 0 : i32
    %dma_wait3A_130 = tpu.memref_slice %arg7[%dma_wait3A_126, %dma_wait3A_128, %dma_wait3A_129] : memref<5x128x64xf32, #tpu.memory_space<vmem>> -> memref<1x128x64xf32, #tpu.memory_space<vmem>>
    %dma_wait3A_131 = tpu.memref_squeeze %dma_wait3A_130 : memref<1x128x64xf32, #tpu.memory_space<vmem>> -> memref<128x64xf32, #tpu.memory_space<vmem>>
    %dma_wait3A_132 = arith.constant 0 : i32
    %dma_wait3A_133 = tpu.memref_slice %arg6[%dma_wait3A_127, %dma_wait3A_132] : memref<80x128xi32, #tpu.memory_space<vmem>> -> memref<1x128xi32, #tpu.memory_space<vmem>>
    %dma_wait3A_134 = tpu.memref_squeeze %dma_wait3A_133 : memref<1x128xi32, #tpu.memory_space<vmem>> -> memref<128xi32, #tpu.memory_space<vmem>>
    %dma_wait3A_135 = arith.constant 0 : i32
    %dma_wait3A_136 = arith.constant 0 : i32
    %dma_wait3A_137 = tpu.memref_slice %arg9[%dma_wait3A_135, %dma_wait3A_136] : memref<10240x64xf32, #tpu.memory_space<vmem_shared>> -> memref<10240x64xf32, #tpu.memory_space<vmem_shared>>
    tpu.wait_indirect_dma semaphore(%arg16 : memref<!tpu.dma_semaphore, #tpu.memory_space<semaphore_mem>>) src(%dma_wait3A_131 : memref<128x64xf32, #tpu.memory_space<vmem>>) dst(%dma_wait3A_137 : memref<10240x64xf32, #tpu.memory_space<vmem_shared>>)
    %dma_wait3A_138 = arith.constant 1 : i32
    %dma_wait3A_139 = arith.constant 76 : i32
    %dma_wait3A_140 = arith.constant 0 : i32
    %dma_wait3A_141 = arith.constant 0 : i32
    %dma_wait3A_142 = tpu.memref_slice %arg7[%dma_wait3A_138, %dma_wait3A_140, %dma_wait3A_141] : memref<5x128x64xf32, #tpu.memory_space<vmem>> -> memref<1x128x64xf32, #tpu.memory_space<vmem>>
    %dma_wait3A_143 = tpu.memref_squeeze %dma_wait3A_142 : memref<1x128x64xf32, #tpu.memory_space<vmem>> -> memref<128x64xf32, #tpu.memory_space<vmem>>
    %dma_wait3A_144 = arith.constant 0 : i32
    %dma_wait3A_145 = tpu.memref_slice %arg6[%dma_wait3A_139, %dma_wait3A_144] : memref<80x128xi32, #tpu.memory_space<vmem>> -> memref<1x128xi32, #tpu.memory_space<vmem>>
    %dma_wait3A_146 = tpu.memref_squeeze %dma_wait3A_145 : memref<1x128xi32, #tpu.memory_space<vmem>> -> memref<128xi32, #tpu.memory_space<vmem>>
    %dma_wait3A_147 = arith.constant 0 : i32
    %dma_wait3A_148 = arith.constant 0 : i32
    %dma_wait3A_149 = tpu.memref_slice %arg9[%dma_wait3A_147, %dma_wait3A_148] : memref<10240x64xf32, #tpu.memory_space<vmem_shared>> -> memref<10240x64xf32, #tpu.memory_space<vmem_shared>>
    tpu.wait_indirect_dma semaphore(%arg17 : memref<!tpu.dma_semaphore, #tpu.memory_space<semaphore_mem>>) src(%dma_wait3A_143 : memref<128x64xf32, #tpu.memory_space<vmem>>) dst(%dma_wait3A_149 : memref<10240x64xf32, #tpu.memory_space<vmem_shared>>)
    %dma_wait3A_150 = arith.constant 2 : i32
    %dma_wait3A_151 = arith.constant 77 : i32
    %dma_wait3A_152 = arith.constant 0 : i32
    %dma_wait3A_153 = arith.constant 0 : i32
    %dma_wait3A_154 = tpu.memref_slice %arg7[%dma_wait3A_150, %dma_wait3A_152, %dma_wait3A_153] : memref<5x128x64xf32, #tpu.memory_space<vmem>> -> memref<1x128x64xf32, #tpu.memory_space<vmem>>
    %dma_wait3A_155 = tpu.memref_squeeze %dma_wait3A_154 : memref<1x128x64xf32, #tpu.memory_space<vmem>> -> memref<128x64xf32, #tpu.memory_space<vmem>>
    %dma_wait3A_156 = arith.constant 0 : i32
    %dma_wait3A_157 = tpu.memref_slice %arg6[%dma_wait3A_151, %dma_wait3A_156] : memref<80x128xi32, #tpu.memory_space<vmem>> -> memref<1x128xi32, #tpu.memory_space<vmem>>
    %dma_wait3A_158 = tpu.memref_squeeze %dma_wait3A_157 : memref<1x128xi32, #tpu.memory_space<vmem>> -> memref<128xi32, #tpu.memory_space<vmem>>
    %dma_wait3A_159 = arith.constant 0 : i32
    %dma_wait3A_160 = arith.constant 0 : i32
    %dma_wait3A_161 = tpu.memref_slice %arg9[%dma_wait3A_159, %dma_wait3A_160] : memref<10240x64xf32, #tpu.memory_space<vmem_shared>> -> memref<10240x64xf32, #tpu.memory_space<vmem_shared>>
    tpu.wait_indirect_dma semaphore(%arg18 : memref<!tpu.dma_semaphore, #tpu.memory_space<semaphore_mem>>) src(%dma_wait3A_155 : memref<128x64xf32, #tpu.memory_space<vmem>>) dst(%dma_wait3A_161 : memref<10240x64xf32, #tpu.memory_space<vmem_shared>>)
    %dma_wait3A_162 = arith.constant 3 : i32
    %dma_wait3A_163 = arith.constant 78 : i32
    %dma_wait3A_164 = arith.constant 0 : i32
    %dma_wait3A_165 = arith.constant 0 : i32
    %dma_wait3A_166 = tpu.memref_slice %arg7[%dma_wait3A_162, %dma_wait3A_164, %dma_wait3A_165] : memref<5x128x64xf32, #tpu.memory_space<vmem>> -> memref<1x128x64xf32, #tpu.memory_space<vmem>>
    %dma_wait3A_167 = tpu.memref_squeeze %dma_wait3A_166 : memref<1x128x64xf32, #tpu.memory_space<vmem>> -> memref<128x64xf32, #tpu.memory_space<vmem>>
    %dma_wait3A_168 = arith.constant 0 : i32
    %dma_wait3A_169 = tpu.memref_slice %arg6[%dma_wait3A_163, %dma_wait3A_168] : memref<80x128xi32, #tpu.memory_space<vmem>> -> memref<1x128xi32, #tpu.memory_space<vmem>>
    %dma_wait3A_170 = tpu.memref_squeeze %dma_wait3A_169 : memref<1x128xi32, #tpu.memory_space<vmem>> -> memref<128xi32, #tpu.memory_space<vmem>>
    %dma_wait3A_171 = arith.constant 0 : i32
    %dma_wait3A_172 = arith.constant 0 : i32
    %dma_wait3A_173 = tpu.memref_slice %arg9[%dma_wait3A_171, %dma_wait3A_172] : memref<10240x64xf32, #tpu.memory_space<vmem_shared>> -> memref<10240x64xf32, #tpu.memory_space<vmem_shared>>
    tpu.wait_indirect_dma semaphore(%arg19 : memref<!tpu.dma_semaphore, #tpu.memory_space<semaphore_mem>>) src(%dma_wait3A_167 : memref<128x64xf32, #tpu.memory_space<vmem>>) dst(%dma_wait3A_173 : memref<10240x64xf32, #tpu.memory_space<vmem_shared>>)
    %dma_wait3A_174 = arith.constant 4 : i32
    %dma_wait3A_175 = arith.constant 79 : i32
    %dma_wait3A_176 = arith.constant 0 : i32
    %dma_wait3A_177 = arith.constant 0 : i32
    %dma_wait3A_178 = tpu.memref_slice %arg7[%dma_wait3A_174, %dma_wait3A_176, %dma_wait3A_177] : memref<5x128x64xf32, #tpu.memory_space<vmem>> -> memref<1x128x64xf32, #tpu.memory_space<vmem>>
    %dma_wait3A_179 = tpu.memref_squeeze %dma_wait3A_178 : memref<1x128x64xf32, #tpu.memory_space<vmem>> -> memref<128x64xf32, #tpu.memory_space<vmem>>
    %dma_wait3A_180 = arith.constant 0 : i32
    %dma_wait3A_181 = tpu.memref_slice %arg6[%dma_wait3A_175, %dma_wait3A_180] : memref<80x128xi32, #tpu.memory_space<vmem>> -> memref<1x128xi32, #tpu.memory_space<vmem>>
    %dma_wait3A_182 = tpu.memref_squeeze %dma_wait3A_181 : memref<1x128xi32, #tpu.memory_space<vmem>> -> memref<128xi32, #tpu.memory_space<vmem>>
    %dma_wait3A_183 = arith.constant 0 : i32
    %dma_wait3A_184 = arith.constant 0 : i32
    %dma_wait3A_185 = tpu.memref_slice %arg9[%dma_wait3A_183, %dma_wait3A_184] : memref<10240x64xf32, #tpu.memory_space<vmem_shared>> -> memref<10240x64xf32, #tpu.memory_space<vmem_shared>>
    tpu.wait_indirect_dma semaphore(%arg20 : memref<!tpu.dma_semaphore, #tpu.memory_space<semaphore_mem>>) src(%dma_wait3A_179 : memref<128x64xf32, #tpu.memory_space<vmem>>) dst(%dma_wait3A_185 : memref<10240x64xf32, #tpu.memory_space<vmem_shared>>)
    %barrier3A_186 = arith.constant 0 : index
    tpu.barrier barrier_id(%barrier3A_186)
    %mul3A_187 = arith.constant 640 : i32
    %mul3A_188 = arith.muli %arg1, %mul3A_187 : i32
    %mul3A_189 = arith.constant 640 : i32
    %mul3A_190 = arith.muli %arg1, %mul3A_189 : i32
    "tpu.region"() ({
      %run_scoped3A = tpu.sem_alloc : memref<!tpu.dma_semaphore, #tpu.memory_space<semaphore_mem>>
      %dma_start3A_191 = arith.constant 0 : i32
      %dma_start3A_192 = tpu.memref_slice %arg4[%arg0, %mul3A_190, %dma_start3A_191] : memref<2x10240x64xf32, #tpu.memory_space<hbm>> -> memref<1x640x64xf32, #tpu.memory_space<hbm>>
      %dma_start3A_193 = tpu.memref_squeeze %dma_start3A_192 : memref<1x640x64xf32, #tpu.memory_space<hbm>> -> memref<640x64xf32, #tpu.memory_space<hbm>>
      %dma_start3A_194 = arith.constant 0 : i32
      %dma_start3A_195 = tpu.memref_slice %arg9[%mul3A_188, %dma_start3A_194] : memref<10240x64xf32, #tpu.memory_space<vmem_shared>> -> memref<640x64xf32, #tpu.memory_space<vmem_shared>>
      tpu.enqueue_dma source(%dma_start3A_195 : memref<640x64xf32, #tpu.memory_space<vmem_shared>>) target(%dma_start3A_193 : memref<640x64xf32, #tpu.memory_space<hbm>>) target_semaphore(%run_scoped3A : memref<!tpu.dma_semaphore, #tpu.memory_space<semaphore_mem>>)
      %dma_wait3A_196 = arith.constant 0 : i32
      %dma_wait3A_197 = tpu.memref_slice %arg4[%arg0, %mul3A_190, %dma_wait3A_196] : memref<2x10240x64xf32, #tpu.memory_space<hbm>> -> memref<1x640x64xf32, #tpu.memory_space<hbm>>
      %dma_wait3A_198 = tpu.memref_squeeze %dma_wait3A_197 : memref<1x640x64xf32, #tpu.memory_space<hbm>> -> memref<640x64xf32, #tpu.memory_space<hbm>>
      %dma_wait3A_199 = arith.constant 0 : i32
      %dma_wait3A_200 = tpu.memref_slice %arg9[%mul3A_188, %dma_wait3A_199] : memref<10240x64xf32, #tpu.memory_space<vmem_shared>> -> memref<640x64xf32, #tpu.memory_space<vmem_shared>>
      tpu.wait_dma2 semaphore(%run_scoped3A : memref<!tpu.dma_semaphore, #tpu.memory_space<semaphore_mem>>) src(%dma_wait3A_200 : memref<640x64xf32, #tpu.memory_space<vmem_shared>>) dst(%dma_wait3A_198 : memref<640x64xf32, #tpu.memory_space<hbm>>)
      tpu.yield
    }) : () -> ()
    return
  }
}

#map = affine_map<(d0, d1) -> (0, 0, 0, 0)>
#map1 = affine_map<(d0, d1) -> (0, 0, 0)>
module attributes {stable_mosaic.version = 14 : i64} {
  func.func @deg(%arg0: i32, %arg1: i32, %arg2: memref<2x32x80x128xi32, #tpu.memory_space<hbm>>, %arg3: memref<2x10240x16xf32, #tpu.memory_space<hbm>>, %arg4: memref<80x128xi32, #tpu.memory_space<vmem>>, %arg5: memref<128x16xf32, #tpu.memory_space<vmem>>, %arg6: memref<128x16xf32, #tpu.memory_space<vmem>>, %arg7: memref<10240x16xf32, #tpu.memory_space<vmem_shared>>, %arg8: memref<!tpu.dma_semaphore, #tpu.memory_space<semaphore_mem>>) attributes {dimension_semantics = [#tpu.dimension_semantics<core_parallel>, #tpu.dimension_semantics<subcore_parallel>], iteration_bounds = array<i64: 2, 16>, scalar_prefetch = 0 : i64, scratch_operands = 5 : i64, tpu.core_type = #tpu.core_type<sc_vector_subcore>, window_params = [{transform_indices = #map}, {transform_indices = #map1}]} {
    %mul3A = arith.constant 2 : i32
    %mul3A_0 = arith.muli %arg1, %mul3A : i32
    %add3A = arith.addi %mul3A_0, %arg0 : i32
    %scan3A = arith.constant 0 : i32
    %scan3A_1 = arith.constant 0 : i32
    %scan3A_2 = arith.constant 128 : i32
    %scan3A_3 = arith.addi %scan3A_1, %scan3A_2 : i32
    %scan3A_4 = arith.constant 1 : i32
    scf.for %scan3A_37 = %scan3A_1 to %scan3A_3 step %scan3A_4  : i32 {
      %broadcast_in_dim3A = arith.constant 1.000000e+00 : f32
      %broadcast_in_dim3A_38 = vector.broadcast %broadcast_in_dim3A : f32 to vector<16xf32>
      %swap3A = arith.index_cast %scan3A_37 : i32 to index
      %swap3A_39 = arith.constant 0 : index
      %swap3A_40 = tpu.vector_load %arg5[%swap3A, %swap3A_39] {strides = array<i32>} : memref<128x16xf32, #tpu.memory_space<vmem>>, vector<1x16xf32>,
      %swap3A_41 = vector.shape_cast %swap3A_40 : vector<1x16xf32> to vector<16xf32>
      %swap3A_42 = vector.shape_cast %broadcast_in_dim3A_38 : vector<16xf32> to vector<1x16xf32>
      tpu.vector_store %arg5[%swap3A, %swap3A_39], %swap3A_42 {strides = array<i32>} : memref<128x16xf32, #tpu.memory_space<vmem>>, vector<1x16xf32>,
      %broadcast_in_dim3A_43 = arith.constant 0.000000e+00 : f32
      %broadcast_in_dim3A_44 = vector.broadcast %broadcast_in_dim3A_43 : f32 to vector<16xf32>
      %swap3A_45 = arith.index_cast %scan3A_37 : i32 to index
      %swap3A_46 = arith.constant 0 : index
      %swap3A_47 = tpu.vector_load %arg6[%swap3A_45, %swap3A_46] {strides = array<i32>} : memref<128x16xf32, #tpu.memory_space<vmem>>, vector<1x16xf32>,
      %swap3A_48 = vector.shape_cast %swap3A_47 : vector<1x16xf32> to vector<16xf32>
      %swap3A_49 = vector.shape_cast %broadcast_in_dim3A_44 : vector<16xf32> to vector<1x16xf32>
      tpu.vector_store %arg6[%swap3A_45, %swap3A_46], %swap3A_49 {strides = array<i32>} : memref<128x16xf32, #tpu.memory_space<vmem>>, vector<1x16xf32>,
    }
    %scan3A_5 = arith.constant 128 : i32
    %mul3A_6 = arith.constant 640 : i32
    %mul3A_7 = arith.muli %arg1, %mul3A_6 : i32
    %add3A_8 = arith.constant 0 : i32
    %add3A_9 = arith.addi %mul3A_7, %add3A_8 : i32
    "tpu.region"() ({
      %run_scoped3A_37 = tpu.sem_alloc : memref<!tpu.dma_semaphore, #tpu.memory_space<semaphore_mem>>
      %dma_start3A = arith.constant 0 : i32
      %dma_start3A_38 = tpu.memref_slice %arg7[%add3A_9, %dma_start3A] : memref<10240x16xf32, #tpu.memory_space<vmem_shared>> -> memref<128x16xf32, #tpu.memory_space<vmem_shared>>
      %dma_start3A_39 = arith.constant 0 : i32
      %dma_start3A_40 = tpu.memref_slice %arg7[%add3A_9, %dma_start3A_39] : memref<10240x16xf32, #tpu.memory_space<vmem_shared>> -> memref<128x16xf32, #tpu.memory_space<vmem_shared>>
      tpu.enqueue_dma source(%arg6 : memref<128x16xf32, #tpu.memory_space<vmem>>) target(%dma_start3A_40 : memref<128x16xf32, #tpu.memory_space<vmem_shared>>) target_semaphore(%run_scoped3A_37 : memref<!tpu.dma_semaphore, #tpu.memory_space<semaphore_mem>>)
      %dma_wait3A = arith.constant 0 : i32
      %dma_wait3A_41 = tpu.memref_slice %arg7[%add3A_9, %dma_wait3A] : memref<10240x16xf32, #tpu.memory_space<vmem_shared>> -> memref<128x16xf32, #tpu.memory_space<vmem_shared>>
      %dma_wait3A_42 = arith.constant 0 : i32
      %dma_wait3A_43 = tpu.memref_slice %arg7[%add3A_9, %dma_wait3A_42] : memref<10240x16xf32, #tpu.memory_space<vmem_shared>> -> memref<128x16xf32, #tpu.memory_space<vmem_shared>>
      tpu.wait_dma2 semaphore(%run_scoped3A_37 : memref<!tpu.dma_semaphore, #tpu.memory_space<semaphore_mem>>) src(%arg6 : memref<128x16xf32, #tpu.memory_space<vmem>>) dst(%dma_wait3A_43 : memref<128x16xf32, #tpu.memory_space<vmem_shared>>)
      tpu.yield
    }) : () -> ()
    %mul3A_10 = arith.constant 640 : i32
    %mul3A_11 = arith.muli %arg1, %mul3A_10 : i32
    %add3A_12 = arith.constant 128 : i32
    %add3A_13 = arith.addi %mul3A_11, %add3A_12 : i32
    "tpu.region"() ({
      %run_scoped3A_37 = tpu.sem_alloc : memref<!tpu.dma_semaphore, #tpu.memory_space<semaphore_mem>>
      %dma_start3A = arith.constant 0 : i32
      %dma_start3A_38 = tpu.memref_slice %arg7[%add3A_13, %dma_start3A] : memref<10240x16xf32, #tpu.memory_space<vmem_shared>> -> memref<128x16xf32, #tpu.memory_space<vmem_shared>>
      %dma_start3A_39 = arith.constant 0 : i32
      %dma_start3A_40 = tpu.memref_slice %arg7[%add3A_13, %dma_start3A_39] : memref<10240x16xf32, #tpu.memory_space<vmem_shared>> -> memref<128x16xf32, #tpu.memory_space<vmem_shared>>
      tpu.enqueue_dma source(%arg6 : memref<128x16xf32, #tpu.memory_space<vmem>>) target(%dma_start3A_40 : memref<128x16xf32, #tpu.memory_space<vmem_shared>>) target_semaphore(%run_scoped3A_37 : memref<!tpu.dma_semaphore, #tpu.memory_space<semaphore_mem>>)
      %dma_wait3A = arith.constant 0 : i32
      %dma_wait3A_41 = tpu.memref_slice %arg7[%add3A_13, %dma_wait3A] : memref<10240x16xf32, #tpu.memory_space<vmem_shared>> -> memref<128x16xf32, #tpu.memory_space<vmem_shared>>
      %dma_wait3A_42 = arith.constant 0 : i32
      %dma_wait3A_43 = tpu.memref_slice %arg7[%add3A_13, %dma_wait3A_42] : memref<10240x16xf32, #tpu.memory_space<vmem_shared>> -> memref<128x16xf32, #tpu.memory_space<vmem_shared>>
      tpu.wait_dma2 semaphore(%run_scoped3A_37 : memref<!tpu.dma_semaphore, #tpu.memory_space<semaphore_mem>>) src(%arg6 : memref<128x16xf32, #tpu.memory_space<vmem>>) dst(%dma_wait3A_43 : memref<128x16xf32, #tpu.memory_space<vmem_shared>>)
      tpu.yield
    }) : () -> ()
    %mul3A_14 = arith.constant 640 : i32
    %mul3A_15 = arith.muli %arg1, %mul3A_14 : i32
    %add3A_16 = arith.constant 256 : i32
    %add3A_17 = arith.addi %mul3A_15, %add3A_16 : i32
    "tpu.region"() ({
      %run_scoped3A_37 = tpu.sem_alloc : memref<!tpu.dma_semaphore, #tpu.memory_space<semaphore_mem>>
      %dma_start3A = arith.constant 0 : i32
      %dma_start3A_38 = tpu.memref_slice %arg7[%add3A_17, %dma_start3A] : memref<10240x16xf32, #tpu.memory_space<vmem_shared>> -> memref<128x16xf32, #tpu.memory_space<vmem_shared>>
      %dma_start3A_39 = arith.constant 0 : i32
      %dma_start3A_40 = tpu.memref_slice %arg7[%add3A_17, %dma_start3A_39] : memref<10240x16xf32, #tpu.memory_space<vmem_shared>> -> memref<128x16xf32, #tpu.memory_space<vmem_shared>>
      tpu.enqueue_dma source(%arg6 : memref<128x16xf32, #tpu.memory_space<vmem>>) target(%dma_start3A_40 : memref<128x16xf32, #tpu.memory_space<vmem_shared>>) target_semaphore(%run_scoped3A_37 : memref<!tpu.dma_semaphore, #tpu.memory_space<semaphore_mem>>)
      %dma_wait3A = arith.constant 0 : i32
      %dma_wait3A_41 = tpu.memref_slice %arg7[%add3A_17, %dma_wait3A] : memref<10240x16xf32, #tpu.memory_space<vmem_shared>> -> memref<128x16xf32, #tpu.memory_space<vmem_shared>>
      %dma_wait3A_42 = arith.constant 0 : i32
      %dma_wait3A_43 = tpu.memref_slice %arg7[%add3A_17, %dma_wait3A_42] : memref<10240x16xf32, #tpu.memory_space<vmem_shared>> -> memref<128x16xf32, #tpu.memory_space<vmem_shared>>
      tpu.wait_dma2 semaphore(%run_scoped3A_37 : memref<!tpu.dma_semaphore, #tpu.memory_space<semaphore_mem>>) src(%arg6 : memref<128x16xf32, #tpu.memory_space<vmem>>) dst(%dma_wait3A_43 : memref<128x16xf32, #tpu.memory_space<vmem_shared>>)
      tpu.yield
    }) : () -> ()
    %mul3A_18 = arith.constant 640 : i32
    %mul3A_19 = arith.muli %arg1, %mul3A_18 : i32
    %add3A_20 = arith.constant 384 : i32
    %add3A_21 = arith.addi %mul3A_19, %add3A_20 : i32
    "tpu.region"() ({
      %run_scoped3A_37 = tpu.sem_alloc : memref<!tpu.dma_semaphore, #tpu.memory_space<semaphore_mem>>
      %dma_start3A = arith.constant 0 : i32
      %dma_start3A_38 = tpu.memref_slice %arg7[%add3A_21, %dma_start3A] : memref<10240x16xf32, #tpu.memory_space<vmem_shared>> -> memref<128x16xf32, #tpu.memory_space<vmem_shared>>
      %dma_start3A_39 = arith.constant 0 : i32
      %dma_start3A_40 = tpu.memref_slice %arg7[%add3A_21, %dma_start3A_39] : memref<10240x16xf32, #tpu.memory_space<vmem_shared>> -> memref<128x16xf32, #tpu.memory_space<vmem_shared>>
      tpu.enqueue_dma source(%arg6 : memref<128x16xf32, #tpu.memory_space<vmem>>) target(%dma_start3A_40 : memref<128x16xf32, #tpu.memory_space<vmem_shared>>) target_semaphore(%run_scoped3A_37 : memref<!tpu.dma_semaphore, #tpu.memory_space<semaphore_mem>>)
      %dma_wait3A = arith.constant 0 : i32
      %dma_wait3A_41 = tpu.memref_slice %arg7[%add3A_21, %dma_wait3A] : memref<10240x16xf32, #tpu.memory_space<vmem_shared>> -> memref<128x16xf32, #tpu.memory_space<vmem_shared>>
      %dma_wait3A_42 = arith.constant 0 : i32
      %dma_wait3A_43 = tpu.memref_slice %arg7[%add3A_21, %dma_wait3A_42] : memref<10240x16xf32, #tpu.memory_space<vmem_shared>> -> memref<128x16xf32, #tpu.memory_space<vmem_shared>>
      tpu.wait_dma2 semaphore(%run_scoped3A_37 : memref<!tpu.dma_semaphore, #tpu.memory_space<semaphore_mem>>) src(%arg6 : memref<128x16xf32, #tpu.memory_space<vmem>>) dst(%dma_wait3A_43 : memref<128x16xf32, #tpu.memory_space<vmem_shared>>)
      tpu.yield
    }) : () -> ()
    %mul3A_22 = arith.constant 640 : i32
    %mul3A_23 = arith.muli %arg1, %mul3A_22 : i32
    %add3A_24 = arith.constant 512 : i32
    %add3A_25 = arith.addi %mul3A_23, %add3A_24 : i32
    "tpu.region"() ({
      %run_scoped3A_37 = tpu.sem_alloc : memref<!tpu.dma_semaphore, #tpu.memory_space<semaphore_mem>>
      %dma_start3A = arith.constant 0 : i32
      %dma_start3A_38 = tpu.memref_slice %arg7[%add3A_25, %dma_start3A] : memref<10240x16xf32, #tpu.memory_space<vmem_shared>> -> memref<128x16xf32, #tpu.memory_space<vmem_shared>>
      %dma_start3A_39 = arith.constant 0 : i32
      %dma_start3A_40 = tpu.memref_slice %arg7[%add3A_25, %dma_start3A_39] : memref<10240x16xf32, #tpu.memory_space<vmem_shared>> -> memref<128x16xf32, #tpu.memory_space<vmem_shared>>
      tpu.enqueue_dma source(%arg6 : memref<128x16xf32, #tpu.memory_space<vmem>>) target(%dma_start3A_40 : memref<128x16xf32, #tpu.memory_space<vmem_shared>>) target_semaphore(%run_scoped3A_37 : memref<!tpu.dma_semaphore, #tpu.memory_space<semaphore_mem>>)
      %dma_wait3A = arith.constant 0 : i32
      %dma_wait3A_41 = tpu.memref_slice %arg7[%add3A_25, %dma_wait3A] : memref<10240x16xf32, #tpu.memory_space<vmem_shared>> -> memref<128x16xf32, #tpu.memory_space<vmem_shared>>
      %dma_wait3A_42 = arith.constant 0 : i32
      %dma_wait3A_43 = tpu.memref_slice %arg7[%add3A_25, %dma_wait3A_42] : memref<10240x16xf32, #tpu.memory_space<vmem_shared>> -> memref<128x16xf32, #tpu.memory_space<vmem_shared>>
      tpu.wait_dma2 semaphore(%run_scoped3A_37 : memref<!tpu.dma_semaphore, #tpu.memory_space<semaphore_mem>>) src(%arg6 : memref<128x16xf32, #tpu.memory_space<vmem>>) dst(%dma_wait3A_43 : memref<128x16xf32, #tpu.memory_space<vmem_shared>>)
      tpu.yield
    }) : () -> ()
    %run_scoped3A = arith.constant 1 : i32
    "tpu.region"() ({
      %run_scoped3A_37 = tpu.sem_alloc : memref<!tpu.dma_semaphore, #tpu.memory_space<semaphore_mem>>
      %dma_start3A = arith.constant 0 : i32
      %dma_start3A_38 = arith.constant 0 : i32
      %dma_start3A_39 = tpu.memref_slice %arg2[%run_scoped3A, %add3A, %dma_start3A, %dma_start3A_38] : memref<2x32x80x128xi32, #tpu.memory_space<hbm>> -> memref<1x1x80x128xi32, #tpu.memory_space<hbm>>
      %dma_start3A_40 = tpu.memref_squeeze %dma_start3A_39 : memref<1x1x80x128xi32, #tpu.memory_space<hbm>> -> memref<80x128xi32, #tpu.memory_space<hbm>>
      %dma_start3A_41 = arith.constant 0 : i32
      %dma_start3A_42 = arith.constant 0 : i32
      %dma_start3A_43 = tpu.memref_slice %arg2[%run_scoped3A, %add3A, %dma_start3A_41, %dma_start3A_42] : memref<2x32x80x128xi32, #tpu.memory_space<hbm>> -> memref<1x1x80x128xi32, #tpu.memory_space<hbm>>
      %dma_start3A_44 = tpu.memref_squeeze %dma_start3A_43 : memref<1x1x80x128xi32, #tpu.memory_space<hbm>> -> memref<80x128xi32, #tpu.memory_space<hbm>>
      tpu.enqueue_dma source(%dma_start3A_44 : memref<80x128xi32, #tpu.memory_space<hbm>>) target(%arg4 : memref<80x128xi32, #tpu.memory_space<vmem>>) target_semaphore(%run_scoped3A_37 : memref<!tpu.dma_semaphore, #tpu.memory_space<semaphore_mem>>)
      %dma_wait3A = arith.constant 0 : i32
      %dma_wait3A_45 = arith.constant 0 : i32
      %dma_wait3A_46 = tpu.memref_slice %arg2[%run_scoped3A, %add3A, %dma_wait3A, %dma_wait3A_45] : memref<2x32x80x128xi32, #tpu.memory_space<hbm>> -> memref<1x1x80x128xi32, #tpu.memory_space<hbm>>
      %dma_wait3A_47 = tpu.memref_squeeze %dma_wait3A_46 : memref<1x1x80x128xi32, #tpu.memory_space<hbm>> -> memref<80x128xi32, #tpu.memory_space<hbm>>
      %dma_wait3A_48 = arith.constant 0 : i32
      %dma_wait3A_49 = arith.constant 0 : i32
      %dma_wait3A_50 = tpu.memref_slice %arg2[%run_scoped3A, %add3A, %dma_wait3A_48, %dma_wait3A_49] : memref<2x32x80x128xi32, #tpu.memory_space<hbm>> -> memref<1x1x80x128xi32, #tpu.memory_space<hbm>>
      %dma_wait3A_51 = tpu.memref_squeeze %dma_wait3A_50 : memref<1x1x80x128xi32, #tpu.memory_space<hbm>> -> memref<80x128xi32, #tpu.memory_space<hbm>>
      tpu.wait_dma2 semaphore(%run_scoped3A_37 : memref<!tpu.dma_semaphore, #tpu.memory_space<semaphore_mem>>) src(%dma_wait3A_51 : memref<80x128xi32, #tpu.memory_space<hbm>>) dst(%arg4 : memref<80x128xi32, #tpu.memory_space<vmem>>)
      tpu.yield
    }) : () -> ()
    %barrier3A = arith.constant 0 : index
    tpu.barrier barrier_id(%barrier3A)
    %scan3A_26 = arith.constant 0 : i32
    %scan3A_27 = arith.constant 0 : i32
    %scan3A_28 = arith.constant 20 : i32
    %scan3A_29 = arith.addi %scan3A_27, %scan3A_28 : i32
    %scan3A_30 = arith.constant 1 : i32
    scf.for %scan3A_37 = %scan3A_27 to %scan3A_29 step %scan3A_30  : i32 {
      %mul3A_38 = arith.constant 4 : i32
      %mul3A_39 = arith.muli %scan3A_37, %mul3A_38 : i32
      %add3A_40 = arith.constant 0 : i32
      %add3A_41 = arith.addi %mul3A_39, %add3A_40 : i32
      %dma_start3A = arith.constant 0 : i32
      %dma_start3A_42 = tpu.memref_slice %arg4[%add3A_41, %dma_start3A] : memref<80x128xi32, #tpu.memory_space<vmem>> -> memref<1x128xi32, #tpu.memory_space<vmem>>
      %dma_start3A_43 = tpu.memref_squeeze %dma_start3A_42 : memref<1x128xi32, #tpu.memory_space<vmem>> -> memref<128xi32, #tpu.memory_space<vmem>>
      %dma_start3A_44 = arith.constant 0 : i32
      %dma_start3A_45 = arith.constant 0 : i32
      %dma_start3A_46 = tpu.memref_slice %arg7[%dma_start3A_44, %dma_start3A_45] : memref<10240x16xf32, #tpu.memory_space<vmem_shared>> -> memref<10240x16xf32, #tpu.memory_space<vmem_shared>>
      tpu.enqueue_indirect_dma source(%arg5 : memref<128x16xf32, #tpu.memory_space<vmem>>) target(%dma_start3A_46 : memref<10240x16xf32, #tpu.memory_space<vmem_shared>>) offsets(%dma_start3A_43 : memref<128xi32, #tpu.memory_space<vmem>>) semaphore(%arg8 : memref<!tpu.dma_semaphore, #tpu.memory_space<semaphore_mem>>) {add = true}
      %mul3A_47 = arith.constant 4 : i32
      %mul3A_48 = arith.muli %scan3A_37, %mul3A_47 : i32
      %add3A_49 = arith.constant 1 : i32
      %add3A_50 = arith.addi %mul3A_48, %add3A_49 : i32
      %dma_start3A_51 = arith.constant 0 : i32
      %dma_start3A_52 = tpu.memref_slice %arg4[%add3A_50, %dma_start3A_51] : memref<80x128xi32, #tpu.memory_space<vmem>> -> memref<1x128xi32, #tpu.memory_space<vmem>>
      %dma_start3A_53 = tpu.memref_squeeze %dma_start3A_52 : memref<1x128xi32, #tpu.memory_space<vmem>> -> memref<128xi32, #tpu.memory_space<vmem>>
      %dma_start3A_54 = arith.constant 0 : i32
      %dma_start3A_55 = arith.constant 0 : i32
      %dma_start3A_56 = tpu.memref_slice %arg7[%dma_start3A_54, %dma_start3A_55] : memref<10240x16xf32, #tpu.memory_space<vmem_shared>> -> memref<10240x16xf32, #tpu.memory_space<vmem_shared>>
      tpu.enqueue_indirect_dma source(%arg5 : memref<128x16xf32, #tpu.memory_space<vmem>>) target(%dma_start3A_56 : memref<10240x16xf32, #tpu.memory_space<vmem_shared>>) offsets(%dma_start3A_53 : memref<128xi32, #tpu.memory_space<vmem>>) semaphore(%arg8 : memref<!tpu.dma_semaphore, #tpu.memory_space<semaphore_mem>>) {add = true}
      %mul3A_57 = arith.constant 4 : i32
      %mul3A_58 = arith.muli %scan3A_37, %mul3A_57 : i32
      %add3A_59 = arith.constant 2 : i32
      %add3A_60 = arith.addi %mul3A_58, %add3A_59 : i32
      %dma_start3A_61 = arith.constant 0 : i32
      %dma_start3A_62 = tpu.memref_slice %arg4[%add3A_60, %dma_start3A_61] : memref<80x128xi32, #tpu.memory_space<vmem>> -> memref<1x128xi32, #tpu.memory_space<vmem>>
      %dma_start3A_63 = tpu.memref_squeeze %dma_start3A_62 : memref<1x128xi32, #tpu.memory_space<vmem>> -> memref<128xi32, #tpu.memory_space<vmem>>
      %dma_start3A_64 = arith.constant 0 : i32
      %dma_start3A_65 = arith.constant 0 : i32
      %dma_start3A_66 = tpu.memref_slice %arg7[%dma_start3A_64, %dma_start3A_65] : memref<10240x16xf32, #tpu.memory_space<vmem_shared>> -> memref<10240x16xf32, #tpu.memory_space<vmem_shared>>
      tpu.enqueue_indirect_dma source(%arg5 : memref<128x16xf32, #tpu.memory_space<vmem>>) target(%dma_start3A_66 : memref<10240x16xf32, #tpu.memory_space<vmem_shared>>) offsets(%dma_start3A_63 : memref<128xi32, #tpu.memory_space<vmem>>) semaphore(%arg8 : memref<!tpu.dma_semaphore, #tpu.memory_space<semaphore_mem>>) {add = true}
      %mul3A_67 = arith.constant 4 : i32
      %mul3A_68 = arith.muli %scan3A_37, %mul3A_67 : i32
      %add3A_69 = arith.constant 3 : i32
      %add3A_70 = arith.addi %mul3A_68, %add3A_69 : i32
      %dma_start3A_71 = arith.constant 0 : i32
      %dma_start3A_72 = tpu.memref_slice %arg4[%add3A_70, %dma_start3A_71] : memref<80x128xi32, #tpu.memory_space<vmem>> -> memref<1x128xi32, #tpu.memory_space<vmem>>
      %dma_start3A_73 = tpu.memref_squeeze %dma_start3A_72 : memref<1x128xi32, #tpu.memory_space<vmem>> -> memref<128xi32, #tpu.memory_space<vmem>>
      %dma_start3A_74 = arith.constant 0 : i32
      %dma_start3A_75 = arith.constant 0 : i32
      %dma_start3A_76 = tpu.memref_slice %arg7[%dma_start3A_74, %dma_start3A_75] : memref<10240x16xf32, #tpu.memory_space<vmem_shared>> -> memref<10240x16xf32, #tpu.memory_space<vmem_shared>>
      tpu.enqueue_indirect_dma source(%arg5 : memref<128x16xf32, #tpu.memory_space<vmem>>) target(%dma_start3A_76 : memref<10240x16xf32, #tpu.memory_space<vmem_shared>>) offsets(%dma_start3A_73 : memref<128xi32, #tpu.memory_space<vmem>>) semaphore(%arg8 : memref<!tpu.dma_semaphore, #tpu.memory_space<semaphore_mem>>) {add = true}
      %mul3A_77 = arith.constant 4 : i32
      %mul3A_78 = arith.muli %scan3A_37, %mul3A_77 : i32
      %add3A_79 = arith.constant 0 : i32
      %add3A_80 = arith.addi %mul3A_78, %add3A_79 : i32
      %dma_wait3A = arith.constant 0 : i32
      %dma_wait3A_81 = tpu.memref_slice %arg4[%add3A_80, %dma_wait3A] : memref<80x128xi32, #tpu.memory_space<vmem>> -> memref<1x128xi32, #tpu.memory_space<vmem>>
      %dma_wait3A_82 = tpu.memref_squeeze %dma_wait3A_81 : memref<1x128xi32, #tpu.memory_space<vmem>> -> memref<128xi32, #tpu.memory_space<vmem>>
      %dma_wait3A_83 = arith.constant 0 : i32
      %dma_wait3A_84 = arith.constant 0 : i32
      %dma_wait3A_85 = tpu.memref_slice %arg7[%dma_wait3A_83, %dma_wait3A_84] : memref<10240x16xf32, #tpu.memory_space<vmem_shared>> -> memref<10240x16xf32, #tpu.memory_space<vmem_shared>>
      tpu.wait_indirect_dma semaphore(%arg8 : memref<!tpu.dma_semaphore, #tpu.memory_space<semaphore_mem>>) src(%arg5 : memref<128x16xf32, #tpu.memory_space<vmem>>) dst(%dma_wait3A_85 : memref<10240x16xf32, #tpu.memory_space<vmem_shared>>)
      %mul3A_86 = arith.constant 4 : i32
      %mul3A_87 = arith.muli %scan3A_37, %mul3A_86 : i32
      %add3A_88 = arith.constant 1 : i32
      %add3A_89 = arith.addi %mul3A_87, %add3A_88 : i32
      %dma_wait3A_90 = arith.constant 0 : i32
      %dma_wait3A_91 = tpu.memref_slice %arg4[%add3A_89, %dma_wait3A_90] : memref<80x128xi32, #tpu.memory_space<vmem>> -> memref<1x128xi32, #tpu.memory_space<vmem>>
      %dma_wait3A_92 = tpu.memref_squeeze %dma_wait3A_91 : memref<1x128xi32, #tpu.memory_space<vmem>> -> memref<128xi32, #tpu.memory_space<vmem>>
      %dma_wait3A_93 = arith.constant 0 : i32
      %dma_wait3A_94 = arith.constant 0 : i32
      %dma_wait3A_95 = tpu.memref_slice %arg7[%dma_wait3A_93, %dma_wait3A_94] : memref<10240x16xf32, #tpu.memory_space<vmem_shared>> -> memref<10240x16xf32, #tpu.memory_space<vmem_shared>>
      tpu.wait_indirect_dma semaphore(%arg8 : memref<!tpu.dma_semaphore, #tpu.memory_space<semaphore_mem>>) src(%arg5 : memref<128x16xf32, #tpu.memory_space<vmem>>) dst(%dma_wait3A_95 : memref<10240x16xf32, #tpu.memory_space<vmem_shared>>)
      %mul3A_96 = arith.constant 4 : i32
      %mul3A_97 = arith.muli %scan3A_37, %mul3A_96 : i32
      %add3A_98 = arith.constant 2 : i32
      %add3A_99 = arith.addi %mul3A_97, %add3A_98 : i32
      %dma_wait3A_100 = arith.constant 0 : i32
      %dma_wait3A_101 = tpu.memref_slice %arg4[%add3A_99, %dma_wait3A_100] : memref<80x128xi32, #tpu.memory_space<vmem>> -> memref<1x128xi32, #tpu.memory_space<vmem>>
      %dma_wait3A_102 = tpu.memref_squeeze %dma_wait3A_101 : memref<1x128xi32, #tpu.memory_space<vmem>> -> memref<128xi32, #tpu.memory_space<vmem>>
      %dma_wait3A_103 = arith.constant 0 : i32
      %dma_wait3A_104 = arith.constant 0 : i32
      %dma_wait3A_105 = tpu.memref_slice %arg7[%dma_wait3A_103, %dma_wait3A_104] : memref<10240x16xf32, #tpu.memory_space<vmem_shared>> -> memref<10240x16xf32, #tpu.memory_space<vmem_shared>>
      tpu.wait_indirect_dma semaphore(%arg8 : memref<!tpu.dma_semaphore, #tpu.memory_space<semaphore_mem>>) src(%arg5 : memref<128x16xf32, #tpu.memory_space<vmem>>) dst(%dma_wait3A_105 : memref<10240x16xf32, #tpu.memory_space<vmem_shared>>)
      %mul3A_106 = arith.constant 4 : i32
      %mul3A_107 = arith.muli %scan3A_37, %mul3A_106 : i32
      %add3A_108 = arith.constant 3 : i32
      %add3A_109 = arith.addi %mul3A_107, %add3A_108 : i32
      %dma_wait3A_110 = arith.constant 0 : i32
      %dma_wait3A_111 = tpu.memref_slice %arg4[%add3A_109, %dma_wait3A_110] : memref<80x128xi32, #tpu.memory_space<vmem>> -> memref<1x128xi32, #tpu.memory_space<vmem>>
      %dma_wait3A_112 = tpu.memref_squeeze %dma_wait3A_111 : memref<1x128xi32, #tpu.memory_space<vmem>> -> memref<128xi32, #tpu.memory_space<vmem>>
      %dma_wait3A_113 = arith.constant 0 : i32
      %dma_wait3A_114 = arith.constant 0 : i32
      %dma_wait3A_115 = tpu.memref_slice %arg7[%dma_wait3A_113, %dma_wait3A_114] : memref<10240x16xf32, #tpu.memory_space<vmem_shared>> -> memref<10240x16xf32, #tpu.memory_space<vmem_shared>>
      tpu.wait_indirect_dma semaphore(%arg8 : memref<!tpu.dma_semaphore, #tpu.memory_space<semaphore_mem>>) src(%arg5 : memref<128x16xf32, #tpu.memory_space<vmem>>) dst(%dma_wait3A_115 : memref<10240x16xf32, #tpu.memory_space<vmem_shared>>)
    }
    %scan3A_31 = arith.constant 20 : i32
    %barrier3A_32 = arith.constant 0 : index
    tpu.barrier barrier_id(%barrier3A_32)
    %mul3A_33 = arith.constant 640 : i32
    %mul3A_34 = arith.muli %arg1, %mul3A_33 : i32
    %mul3A_35 = arith.constant 640 : i32
    %mul3A_36 = arith.muli %arg1, %mul3A_35 : i32
    "tpu.region"() ({
      %run_scoped3A_37 = tpu.sem_alloc : memref<!tpu.dma_semaphore, #tpu.memory_space<semaphore_mem>>
      %dma_start3A = arith.constant 0 : i32
      %dma_start3A_38 = tpu.memref_slice %arg3[%arg0, %mul3A_36, %dma_start3A] : memref<2x10240x16xf32, #tpu.memory_space<hbm>> -> memref<1x640x16xf32, #tpu.memory_space<hbm>>
      %dma_start3A_39 = tpu.memref_squeeze %dma_start3A_38 : memref<1x640x16xf32, #tpu.memory_space<hbm>> -> memref<640x16xf32, #tpu.memory_space<hbm>>
      %dma_start3A_40 = arith.constant 0 : i32
      %dma_start3A_41 = tpu.memref_slice %arg7[%mul3A_34, %dma_start3A_40] : memref<10240x16xf32, #tpu.memory_space<vmem_shared>> -> memref<640x16xf32, #tpu.memory_space<vmem_shared>>
      tpu.enqueue_dma source(%dma_start3A_41 : memref<640x16xf32, #tpu.memory_space<vmem_shared>>) target(%dma_start3A_39 : memref<640x16xf32, #tpu.memory_space<hbm>>) target_semaphore(%run_scoped3A_37 : memref<!tpu.dma_semaphore, #tpu.memory_space<semaphore_mem>>)
      %dma_wait3A = arith.constant 0 : i32
      %dma_wait3A_42 = tpu.memref_slice %arg3[%arg0, %mul3A_36, %dma_wait3A] : memref<2x10240x16xf32, #tpu.memory_space<hbm>> -> memref<1x640x16xf32, #tpu.memory_space<hbm>>
      %dma_wait3A_43 = tpu.memref_squeeze %dma_wait3A_42 : memref<1x640x16xf32, #tpu.memory_space<hbm>> -> memref<640x16xf32, #tpu.memory_space<hbm>>
      %dma_wait3A_44 = arith.constant 0 : i32
      %dma_wait3A_45 = tpu.memref_slice %arg7[%mul3A_34, %dma_wait3A_44] : memref<10240x16xf32, #tpu.memory_space<vmem_shared>> -> memref<640x16xf32, #tpu.memory_space<vmem_shared>>
      tpu.wait_dma2 semaphore(%run_scoped3A_37 : memref<!tpu.dma_semaphore, #tpu.memory_space<semaphore_mem>>) src(%dma_wait3A_45 : memref<640x16xf32, #tpu.memory_space<vmem_shared>>) dst(%dma_wait3A_43 : memref<640x16xf32, #tpu.memory_space<hbm>>)
      tpu.yield
    }) : () -> ()
    return
  }
}

#map = affine_map<(d0, d1) -> (0, 0)>
#map1 = affine_map<(d0, d1) -> (0, 0, 0, 0)>
#map2 = affine_map<(d0, d1) -> (0, 0, 0)>
module attributes {stable_mosaic.version = 14 : i64} {
  func.func @agg(%arg0: i32, %arg1: i32, %arg2: memref<10240x64xf32, #tpu.memory_space<hbm>>, %arg3: memref<2x32x80x128xi32, #tpu.memory_space<hbm>>, %arg4: memref<2x10240x64xf32, #tpu.memory_space<hbm>>, %arg5: memref<80x128xi32, #tpu.memory_space<vmem>>, %arg6: memref<80x128xi32, #tpu.memory_space<vmem>>, %arg7: memref<5x128x64xf32, #tpu.memory_space<vmem>>, %arg8: memref<128x64xf32, #tpu.memory_space<vmem>>, %arg9: memref<10240x64xf32, #tpu.memory_space<vmem_shared>>, %arg10: memref<!tpu.dma_semaphore, #tpu.memory_space<semaphore_mem>>, %arg11: memref<!tpu.dma_semaphore, #tpu.memory_space<semaphore_mem>>, %arg12: memref<!tpu.dma_semaphore, #tpu.memory_space<semaphore_mem>>, %arg13: memref<!tpu.dma_semaphore, #tpu.memory_space<semaphore_mem>>, %arg14: memref<!tpu.dma_semaphore, #tpu.memory_space<semaphore_mem>>, %arg15: memref<!tpu.dma_semaphore, #tpu.memory_space<semaphore_mem>>, %arg16: memref<!tpu.dma_semaphore, #tpu.memory_space<semaphore_mem>>, %arg17: memref<!tpu.dma_semaphore, #tpu.memory_space<semaphore_mem>>, %arg18: memref<!tpu.dma_semaphore, #tpu.memory_space<semaphore_mem>>, %arg19: memref<!tpu.dma_semaphore, #tpu.memory_space<semaphore_mem>>, %arg20: memref<!tpu.dma_semaphore, #tpu.memory_space<semaphore_mem>>) attributes {dimension_semantics = [#tpu.dimension_semantics<core_parallel>, #tpu.dimension_semantics<subcore_parallel>], iteration_bounds = array<i64: 2, 16>, scalar_prefetch = 0 : i64, scratch_operands = 16 : i64, tpu.core_type = #tpu.core_type<sc_vector_subcore>, window_params = [{transform_indices = #map}, {transform_indices = #map1}, {transform_indices = #map2}]} {
    %mul3A = arith.constant 2 : i32
    %mul3A_0 = arith.muli %arg1, %mul3A : i32
    %add3A = arith.addi %mul3A_0, %arg0 : i32
    %dma_start3A = arith.constant 0 : i32
    %dma_start3A_1 = arith.constant 0 : i32
    %dma_start3A_2 = arith.constant 0 : i32
    %dma_start3A_3 = tpu.memref_slice %arg3[%dma_start3A, %add3A, %dma_start3A_1, %dma_start3A_2] : memref<2x32x80x128xi32, #tpu.memory_space<hbm>> -> memref<1x1x80x128xi32, #tpu.memory_space<hbm>>
    %dma_start3A_4 = tpu.memref_squeeze %dma_start3A_3 : memref<1x1x80x128xi32, #tpu.memory_space<hbm>> -> memref<80x128xi32, #tpu.memory_space<hbm>>
    %dma_start3A_5 = arith.constant 0 : i32
    %dma_start3A_6 = arith.constant 0 : i32
    %dma_start3A_7 = tpu.memref_slice %arg3[%dma_start3A, %add3A, %dma_start3A_5, %dma_start3A_6] : memref<2x32x80x128xi32, #tpu.memory_space<hbm>> -> memref<1x1x80x128xi32, #tpu.memory_space<hbm>>
    %dma_start3A_8 = tpu.memref_squeeze %dma_start3A_7 : memref<1x1x80x128xi32, #tpu.memory_space<hbm>> -> memref<80x128xi32, #tpu.memory_space<hbm>>
    tpu.enqueue_dma source(%dma_start3A_8 : memref<80x128xi32, #tpu.memory_space<hbm>>) target(%arg5 : memref<80x128xi32, #tpu.memory_space<vmem>>) target_semaphore(%arg10 : memref<!tpu.dma_semaphore, #tpu.memory_space<semaphore_mem>>)
    %dma_start3A_9 = arith.constant 1 : i32
    %dma_start3A_10 = arith.constant 0 : i32
    %dma_start3A_11 = arith.constant 0 : i32
    %dma_start3A_12 = tpu.memref_slice %arg3[%dma_start3A_9, %add3A, %dma_start3A_10, %dma_start3A_11] : memref<2x32x80x128xi32, #tpu.memory_space<hbm>> -> memref<1x1x80x128xi32, #tpu.memory_space<hbm>>
    %dma_start3A_13 = tpu.memref_squeeze %dma_start3A_12 : memref<1x1x80x128xi32, #tpu.memory_space<hbm>> -> memref<80x128xi32, #tpu.memory_space<hbm>>
    %dma_start3A_14 = arith.constant 0 : i32
    %dma_start3A_15 = arith.constant 0 : i32
    %dma_start3A_16 = tpu.memref_slice %arg3[%dma_start3A_9, %add3A, %dma_start3A_14, %dma_start3A_15] : memref<2x32x80x128xi32, #tpu.memory_space<hbm>> -> memref<1x1x80x128xi32, #tpu.memory_space<hbm>>
    %dma_start3A_17 = tpu.memref_squeeze %dma_start3A_16 : memref<1x1x80x128xi32, #tpu.memory_space<hbm>> -> memref<80x128xi32, #tpu.memory_space<hbm>>
    tpu.enqueue_dma source(%dma_start3A_17 : memref<80x128xi32, #tpu.memory_space<hbm>>) target(%arg6 : memref<80x128xi32, #tpu.memory_space<vmem>>) target_semaphore(%arg10 : memref<!tpu.dma_semaphore, #tpu.memory_space<semaphore_mem>>)
    %scan3A = arith.constant 0 : i32
    %scan3A_18 = arith.constant 0 : i32
    %scan3A_19 = arith.constant 128 : i32
    %scan3A_20 = arith.addi %scan3A_18, %scan3A_19 : i32
    %scan3A_21 = arith.constant 1 : i32
    scf.for %scan3A_191 = %scan3A_18 to %scan3A_20 step %scan3A_21  : i32 {
      %broadcast_in_dim3A = arith.constant 0.000000e+00 : f32
      %broadcast_in_dim3A_192 = vector.broadcast %broadcast_in_dim3A : f32 to vector<16xf32>
      %swap3A = arith.index_cast %scan3A_191 : i32 to index
      %swap3A_193 = arith.constant 0 : index
      %swap3A_194 = tpu.vector_load %arg8[%swap3A, %swap3A_193] {strides = array<i32>} : memref<128x64xf32, #tpu.memory_space<vmem>>, vector<1x16xf32>,
      %swap3A_195 = vector.shape_cast %swap3A_194 : vector<1x16xf32> to vector<16xf32>
      %swap3A_196 = vector.shape_cast %broadcast_in_dim3A_192 : vector<16xf32> to vector<1x16xf32>
      tpu.vector_store %arg8[%swap3A, %swap3A_193], %swap3A_196 {strides = array<i32>} : memref<128x64xf32, #tpu.memory_space<vmem>>, vector<1x16xf32>,
      %broadcast_in_dim3A_197 = arith.constant 0.000000e+00 : f32
      %broadcast_in_dim3A_198 = vector.broadcast %broadcast_in_dim3A_197 : f32 to vector<16xf32>
      %swap3A_199 = arith.index_cast %scan3A_191 : i32 to index
      %swap3A_200 = arith.constant 16 : index
      %swap3A_201 = tpu.vector_load %arg8[%swap3A_199, %swap3A_200] {strides = array<i32>} : memref<128x64xf32, #tpu.memory_space<vmem>>, vector<1x16xf32>,
      %swap3A_202 = vector.shape_cast %swap3A_201 : vector<1x16xf32> to vector<16xf32>
      %swap3A_203 = vector.shape_cast %broadcast_in_dim3A_198 : vector<16xf32> to vector<1x16xf32>
      tpu.vector_store %arg8[%swap3A_199, %swap3A_200], %swap3A_203 {strides = array<i32>} : memref<128x64xf32, #tpu.memory_space<vmem>>, vector<1x16xf32>,
      %broadcast_in_dim3A_204 = arith.constant 0.000000e+00 : f32
      %broadcast_in_dim3A_205 = vector.broadcast %broadcast_in_dim3A_204 : f32 to vector<16xf32>
      %swap3A_206 = arith.index_cast %scan3A_191 : i32 to index
      %swap3A_207 = arith.constant 32 : index
      %swap3A_208 = tpu.vector_load %arg8[%swap3A_206, %swap3A_207] {strides = array<i32>} : memref<128x64xf32, #tpu.memory_space<vmem>>, vector<1x16xf32>,
      %swap3A_209 = vector.shape_cast %swap3A_208 : vector<1x16xf32> to vector<16xf32>
      %swap3A_210 = vector.shape_cast %broadcast_in_dim3A_205 : vector<16xf32> to vector<1x16xf32>
      tpu.vector_store %arg8[%swap3A_206, %swap3A_207], %swap3A_210 {strides = array<i32>} : memref<128x64xf32, #tpu.memory_space<vmem>>, vector<1x16xf32>,
      %broadcast_in_dim3A_211 = arith.constant 0.000000e+00 : f32
      %broadcast_in_dim3A_212 = vector.broadcast %broadcast_in_dim3A_211 : f32 to vector<16xf32>
      %swap3A_213 = arith.index_cast %scan3A_191 : i32 to index
      %swap3A_214 = arith.constant 48 : index
      %swap3A_215 = tpu.vector_load %arg8[%swap3A_213, %swap3A_214] {strides = array<i32>} : memref<128x64xf32, #tpu.memory_space<vmem>>, vector<1x16xf32>,
      %swap3A_216 = vector.shape_cast %swap3A_215 : vector<1x16xf32> to vector<16xf32>
      %swap3A_217 = vector.shape_cast %broadcast_in_dim3A_212 : vector<16xf32> to vector<1x16xf32>
      tpu.vector_store %arg8[%swap3A_213, %swap3A_214], %swap3A_217 {strides = array<i32>} : memref<128x64xf32, #tpu.memory_space<vmem>>, vector<1x16xf32>,
    }
    %scan3A_22 = arith.constant 128 : i32
    %mul3A_23 = arith.constant 640 : i32
    %mul3A_24 = arith.muli %arg1, %mul3A_23 : i32
    %add3A_25 = arith.constant 0 : i32
    %add3A_26 = arith.addi %mul3A_24, %add3A_25 : i32
    "tpu.region"() ({
      %run_scoped3A = tpu.sem_alloc : memref<!tpu.dma_semaphore, #tpu.memory_space<semaphore_mem>>
      %dma_start3A_191 = arith.constant 0 : i32
      %dma_start3A_192 = tpu.memref_slice %arg9[%add3A_26, %dma_start3A_191] : memref<10240x64xf32, #tpu.memory_space<vmem_shared>> -> memref<128x64xf32, #tpu.memory_space<vmem_shared>>
      %dma_start3A_193 = arith.constant 0 : i32
      %dma_start3A_194 = tpu.memref_slice %arg9[%add3A_26, %dma_start3A_193] : memref<10240x64xf32, #tpu.memory_space<vmem_shared>> -> memref<128x64xf32, #tpu.memory_space<vmem_shared>>
      tpu.enqueue_dma source(%arg8 : memref<128x64xf32, #tpu.memory_space<vmem>>) target(%dma_start3A_194 : memref<128x64xf32, #tpu.memory_space<vmem_shared>>) target_semaphore(%run_scoped3A : memref<!tpu.dma_semaphore, #tpu.memory_space<semaphore_mem>>)
      %dma_wait3A_195 = arith.constant 0 : i32
      %dma_wait3A_196 = tpu.memref_slice %arg9[%add3A_26, %dma_wait3A_195] : memref<10240x64xf32, #tpu.memory_space<vmem_shared>> -> memref<128x64xf32, #tpu.memory_space<vmem_shared>>
      %dma_wait3A_197 = arith.constant 0 : i32
      %dma_wait3A_198 = tpu.memref_slice %arg9[%add3A_26, %dma_wait3A_197] : memref<10240x64xf32, #tpu.memory_space<vmem_shared>> -> memref<128x64xf32, #tpu.memory_space<vmem_shared>>
      tpu.wait_dma2 semaphore(%run_scoped3A : memref<!tpu.dma_semaphore, #tpu.memory_space<semaphore_mem>>) src(%arg8 : memref<128x64xf32, #tpu.memory_space<vmem>>) dst(%dma_wait3A_198 : memref<128x64xf32, #tpu.memory_space<vmem_shared>>)
      tpu.yield
    }) : () -> ()
    %mul3A_27 = arith.constant 640 : i32
    %mul3A_28 = arith.muli %arg1, %mul3A_27 : i32
    %add3A_29 = arith.constant 128 : i32
    %add3A_30 = arith.addi %mul3A_28, %add3A_29 : i32
    "tpu.region"() ({
      %run_scoped3A = tpu.sem_alloc : memref<!tpu.dma_semaphore, #tpu.memory_space<semaphore_mem>>
      %dma_start3A_191 = arith.constant 0 : i32
      %dma_start3A_192 = tpu.memref_slice %arg9[%add3A_30, %dma_start3A_191] : memref<10240x64xf32, #tpu.memory_space<vmem_shared>> -> memref<128x64xf32, #tpu.memory_space<vmem_shared>>
      %dma_start3A_193 = arith.constant 0 : i32
      %dma_start3A_194 = tpu.memref_slice %arg9[%add3A_30, %dma_start3A_193] : memref<10240x64xf32, #tpu.memory_space<vmem_shared>> -> memref<128x64xf32, #tpu.memory_space<vmem_shared>>
      tpu.enqueue_dma source(%arg8 : memref<128x64xf32, #tpu.memory_space<vmem>>) target(%dma_start3A_194 : memref<128x64xf32, #tpu.memory_space<vmem_shared>>) target_semaphore(%run_scoped3A : memref<!tpu.dma_semaphore, #tpu.memory_space<semaphore_mem>>)
      %dma_wait3A_195 = arith.constant 0 : i32
      %dma_wait3A_196 = tpu.memref_slice %arg9[%add3A_30, %dma_wait3A_195] : memref<10240x64xf32, #tpu.memory_space<vmem_shared>> -> memref<128x64xf32, #tpu.memory_space<vmem_shared>>
      %dma_wait3A_197 = arith.constant 0 : i32
      %dma_wait3A_198 = tpu.memref_slice %arg9[%add3A_30, %dma_wait3A_197] : memref<10240x64xf32, #tpu.memory_space<vmem_shared>> -> memref<128x64xf32, #tpu.memory_space<vmem_shared>>
      tpu.wait_dma2 semaphore(%run_scoped3A : memref<!tpu.dma_semaphore, #tpu.memory_space<semaphore_mem>>) src(%arg8 : memref<128x64xf32, #tpu.memory_space<vmem>>) dst(%dma_wait3A_198 : memref<128x64xf32, #tpu.memory_space<vmem_shared>>)
      tpu.yield
    }) : () -> ()
    %mul3A_31 = arith.constant 640 : i32
    %mul3A_32 = arith.muli %arg1, %mul3A_31 : i32
    %add3A_33 = arith.constant 256 : i32
    %add3A_34 = arith.addi %mul3A_32, %add3A_33 : i32
    "tpu.region"() ({
      %run_scoped3A = tpu.sem_alloc : memref<!tpu.dma_semaphore, #tpu.memory_space<semaphore_mem>>
      %dma_start3A_191 = arith.constant 0 : i32
      %dma_start3A_192 = tpu.memref_slice %arg9[%add3A_34, %dma_start3A_191] : memref<10240x64xf32, #tpu.memory_space<vmem_shared>> -> memref<128x64xf32, #tpu.memory_space<vmem_shared>>
      %dma_start3A_193 = arith.constant 0 : i32
      %dma_start3A_194 = tpu.memref_slice %arg9[%add3A_34, %dma_start3A_193] : memref<10240x64xf32, #tpu.memory_space<vmem_shared>> -> memref<128x64xf32, #tpu.memory_space<vmem_shared>>
      tpu.enqueue_dma source(%arg8 : memref<128x64xf32, #tpu.memory_space<vmem>>) target(%dma_start3A_194 : memref<128x64xf32, #tpu.memory_space<vmem_shared>>) target_semaphore(%run_scoped3A : memref<!tpu.dma_semaphore, #tpu.memory_space<semaphore_mem>>)
      %dma_wait3A_195 = arith.constant 0 : i32
      %dma_wait3A_196 = tpu.memref_slice %arg9[%add3A_34, %dma_wait3A_195] : memref<10240x64xf32, #tpu.memory_space<vmem_shared>> -> memref<128x64xf32, #tpu.memory_space<vmem_shared>>
      %dma_wait3A_197 = arith.constant 0 : i32
      %dma_wait3A_198 = tpu.memref_slice %arg9[%add3A_34, %dma_wait3A_197] : memref<10240x64xf32, #tpu.memory_space<vmem_shared>> -> memref<128x64xf32, #tpu.memory_space<vmem_shared>>
      tpu.wait_dma2 semaphore(%run_scoped3A : memref<!tpu.dma_semaphore, #tpu.memory_space<semaphore_mem>>) src(%arg8 : memref<128x64xf32, #tpu.memory_space<vmem>>) dst(%dma_wait3A_198 : memref<128x64xf32, #tpu.memory_space<vmem_shared>>)
      tpu.yield
    }) : () -> ()
    %mul3A_35 = arith.constant 640 : i32
    %mul3A_36 = arith.muli %arg1, %mul3A_35 : i32
    %add3A_37 = arith.constant 384 : i32
    %add3A_38 = arith.addi %mul3A_36, %add3A_37 : i32
    "tpu.region"() ({
      %run_scoped3A = tpu.sem_alloc : memref<!tpu.dma_semaphore, #tpu.memory_space<semaphore_mem>>
      %dma_start3A_191 = arith.constant 0 : i32
      %dma_start3A_192 = tpu.memref_slice %arg9[%add3A_38, %dma_start3A_191] : memref<10240x64xf32, #tpu.memory_space<vmem_shared>> -> memref<128x64xf32, #tpu.memory_space<vmem_shared>>
      %dma_start3A_193 = arith.constant 0 : i32
      %dma_start3A_194 = tpu.memref_slice %arg9[%add3A_38, %dma_start3A_193] : memref<10240x64xf32, #tpu.memory_space<vmem_shared>> -> memref<128x64xf32, #tpu.memory_space<vmem_shared>>
      tpu.enqueue_dma source(%arg8 : memref<128x64xf32, #tpu.memory_space<vmem>>) target(%dma_start3A_194 : memref<128x64xf32, #tpu.memory_space<vmem_shared>>) target_semaphore(%run_scoped3A : memref<!tpu.dma_semaphore, #tpu.memory_space<semaphore_mem>>)
      %dma_wait3A_195 = arith.constant 0 : i32
      %dma_wait3A_196 = tpu.memref_slice %arg9[%add3A_38, %dma_wait3A_195] : memref<10240x64xf32, #tpu.memory_space<vmem_shared>> -> memref<128x64xf32, #tpu.memory_space<vmem_shared>>
      %dma_wait3A_197 = arith.constant 0 : i32
      %dma_wait3A_198 = tpu.memref_slice %arg9[%add3A_38, %dma_wait3A_197] : memref<10240x64xf32, #tpu.memory_space<vmem_shared>> -> memref<128x64xf32, #tpu.memory_space<vmem_shared>>
      tpu.wait_dma2 semaphore(%run_scoped3A : memref<!tpu.dma_semaphore, #tpu.memory_space<semaphore_mem>>) src(%arg8 : memref<128x64xf32, #tpu.memory_space<vmem>>) dst(%dma_wait3A_198 : memref<128x64xf32, #tpu.memory_space<vmem_shared>>)
      tpu.yield
    }) : () -> ()
    %mul3A_39 = arith.constant 640 : i32
    %mul3A_40 = arith.muli %arg1, %mul3A_39 : i32
    %add3A_41 = arith.constant 512 : i32
    %add3A_42 = arith.addi %mul3A_40, %add3A_41 : i32
    "tpu.region"() ({
      %run_scoped3A = tpu.sem_alloc : memref<!tpu.dma_semaphore, #tpu.memory_space<semaphore_mem>>
      %dma_start3A_191 = arith.constant 0 : i32
      %dma_start3A_192 = tpu.memref_slice %arg9[%add3A_42, %dma_start3A_191] : memref<10240x64xf32, #tpu.memory_space<vmem_shared>> -> memref<128x64xf32, #tpu.memory_space<vmem_shared>>
      %dma_start3A_193 = arith.constant 0 : i32
      %dma_start3A_194 = tpu.memref_slice %arg9[%add3A_42, %dma_start3A_193] : memref<10240x64xf32, #tpu.memory_space<vmem_shared>> -> memref<128x64xf32, #tpu.memory_space<vmem_shared>>
      tpu.enqueue_dma source(%arg8 : memref<128x64xf32, #tpu.memory_space<vmem>>) target(%dma_start3A_194 : memref<128x64xf32, #tpu.memory_space<vmem_shared>>) target_semaphore(%run_scoped3A : memref<!tpu.dma_semaphore, #tpu.memory_space<semaphore_mem>>)
      %dma_wait3A_195 = arith.constant 0 : i32
      %dma_wait3A_196 = tpu.memref_slice %arg9[%add3A_42, %dma_wait3A_195] : memref<10240x64xf32, #tpu.memory_space<vmem_shared>> -> memref<128x64xf32, #tpu.memory_space<vmem_shared>>
      %dma_wait3A_197 = arith.constant 0 : i32
      %dma_wait3A_198 = tpu.memref_slice %arg9[%add3A_42, %dma_wait3A_197] : memref<10240x64xf32, #tpu.memory_space<vmem_shared>> -> memref<128x64xf32, #tpu.memory_space<vmem_shared>>
      tpu.wait_dma2 semaphore(%run_scoped3A : memref<!tpu.dma_semaphore, #tpu.memory_space<semaphore_mem>>) src(%arg8 : memref<128x64xf32, #tpu.memory_space<vmem>>) dst(%dma_wait3A_198 : memref<128x64xf32, #tpu.memory_space<vmem_shared>>)
      tpu.yield
    }) : () -> ()
    %dma_wait3A = arith.constant 0 : i32
    %dma_wait3A_43 = arith.constant 0 : i32
    %dma_wait3A_44 = arith.constant 0 : i32
    %dma_wait3A_45 = tpu.memref_slice %arg3[%dma_wait3A, %add3A, %dma_wait3A_43, %dma_wait3A_44] : memref<2x32x80x128xi32, #tpu.memory_space<hbm>> -> memref<1x1x80x128xi32, #tpu.memory_space<hbm>>
    %dma_wait3A_46 = tpu.memref_squeeze %dma_wait3A_45 : memref<1x1x80x128xi32, #tpu.memory_space<hbm>> -> memref<80x128xi32, #tpu.memory_space<hbm>>
    %dma_wait3A_47 = arith.constant 0 : i32
    %dma_wait3A_48 = arith.constant 0 : i32
    %dma_wait3A_49 = tpu.memref_slice %arg3[%dma_wait3A, %add3A, %dma_wait3A_47, %dma_wait3A_48] : memref<2x32x80x128xi32, #tpu.memory_space<hbm>> -> memref<1x1x80x128xi32, #tpu.memory_space<hbm>>
    %dma_wait3A_50 = tpu.memref_squeeze %dma_wait3A_49 : memref<1x1x80x128xi32, #tpu.memory_space<hbm>> -> memref<80x128xi32, #tpu.memory_space<hbm>>
    tpu.wait_dma2 semaphore(%arg10 : memref<!tpu.dma_semaphore, #tpu.memory_space<semaphore_mem>>) src(%dma_wait3A_50 : memref<80x128xi32, #tpu.memory_space<hbm>>) dst(%arg5 : memref<80x128xi32, #tpu.memory_space<vmem>>)
    %dma_wait3A_51 = arith.constant 1 : i32
    %dma_wait3A_52 = arith.constant 0 : i32
    %dma_wait3A_53 = arith.constant 0 : i32
    %dma_wait3A_54 = tpu.memref_slice %arg3[%dma_wait3A_51, %add3A, %dma_wait3A_52, %dma_wait3A_53] : memref<2x32x80x128xi32, #tpu.memory_space<hbm>> -> memref<1x1x80x128xi32, #tpu.memory_space<hbm>>
    %dma_wait3A_55 = tpu.memref_squeeze %dma_wait3A_54 : memref<1x1x80x128xi32, #tpu.memory_space<hbm>> -> memref<80x128xi32, #tpu.memory_space<hbm>>
    %dma_wait3A_56 = arith.constant 0 : i32
    %dma_wait3A_57 = arith.constant 0 : i32
    %dma_wait3A_58 = tpu.memref_slice %arg3[%dma_wait3A_51, %add3A, %dma_wait3A_56, %dma_wait3A_57] : memref<2x32x80x128xi32, #tpu.memory_space<hbm>> -> memref<1x1x80x128xi32, #tpu.memory_space<hbm>>
    %dma_wait3A_59 = tpu.memref_squeeze %dma_wait3A_58 : memref<1x1x80x128xi32, #tpu.memory_space<hbm>> -> memref<80x128xi32, #tpu.memory_space<hbm>>
    tpu.wait_dma2 semaphore(%arg10 : memref<!tpu.dma_semaphore, #tpu.memory_space<semaphore_mem>>) src(%dma_wait3A_59 : memref<80x128xi32, #tpu.memory_space<hbm>>) dst(%arg6 : memref<80x128xi32, #tpu.memory_space<vmem>>)
    %barrier3A = arith.constant 0 : index
    tpu.barrier barrier_id(%barrier3A)
    %dma_start3A_60 = arith.constant 0 : i32
    %dma_start3A_61 = arith.constant 0 : i32
    %dma_start3A_62 = arith.constant 0 : i32
    %dma_start3A_63 = arith.constant 0 : i32
    %dma_start3A_64 = tpu.memref_slice %arg7[%dma_start3A_61, %dma_start3A_62, %dma_start3A_63] : memref<5x128x64xf32, #tpu.memory_space<vmem>> -> memref<1x128x64xf32, #tpu.memory_space<vmem>>
    %dma_start3A_65 = tpu.memref_squeeze %dma_start3A_64 : memref<1x128x64xf32, #tpu.memory_space<vmem>> -> memref<128x64xf32, #tpu.memory_space<vmem>>
    %dma_start3A_66 = arith.constant 0 : i32
    %dma_start3A_67 = tpu.memref_slice %arg5[%dma_start3A_60, %dma_start3A_66] : memref<80x128xi32, #tpu.memory_space<vmem>> -> memref<1x128xi32, #tpu.memory_space<vmem>>
    %dma_start3A_68 = tpu.memref_squeeze %dma_start3A_67 : memref<1x128xi32, #tpu.memory_space<vmem>> -> memref<128xi32, #tpu.memory_space<vmem>>
    %dma_start3A_69 = arith.constant 0 : i32
    %dma_start3A_70 = arith.constant 0 : i32
    %dma_start3A_71 = tpu.memref_slice %arg2[%dma_start3A_69, %dma_start3A_70] : memref<10240x64xf32, #tpu.memory_space<hbm>> -> memref<10240x64xf32, #tpu.memory_space<hbm>>
    tpu.enqueue_indirect_dma source(%dma_start3A_71 : memref<10240x64xf32, #tpu.memory_space<hbm>>) target(%dma_start3A_65 : memref<128x64xf32, #tpu.memory_space<vmem>>) offsets(%dma_start3A_68 : memref<128xi32, #tpu.memory_space<vmem>>) semaphore(%arg11 : memref<!tpu.dma_semaphore, #tpu.memory_space<semaphore_mem>>)
    %dma_start3A_72 = arith.constant 1 : i32
    %dma_start3A_73 = arith.constant 1 : i32
    %dma_start3A_74 = arith.constant 0 : i32
    %dma_start3A_75 = arith.constant 0 : i32
    %dma_start3A_76 = tpu.memref_slice %arg7[%dma_start3A_73, %dma_start3A_74, %dma_start3A_75] : memref<5x128x64xf32, #tpu.memory_space<vmem>> -> memref<1x128x64xf32, #tpu.memory_space<vmem>>
    %dma_start3A_77 = tpu.memref_squeeze %dma_start3A_76 : memref<1x128x64xf32, #tpu.memory_space<vmem>> -> memref<128x64xf32, #tpu.memory_space<vmem>>
    %dma_start3A_78 = arith.constant 0 : i32
    %dma_start3A_79 = tpu.memref_slice %arg5[%dma_start3A_72, %dma_start3A_78] : memref<80x128xi32, #tpu.memory_space<vmem>> -> memref<1x128xi32, #tpu.memory_space<vmem>>
    %dma_start3A_80 = tpu.memref_squeeze %dma_start3A_79 : memref<1x128xi32, #tpu.memory_space<vmem>> -> memref<128xi32, #tpu.memory_space<vmem>>
    %dma_start3A_81 = arith.constant 0 : i32
    %dma_start3A_82 = arith.constant 0 : i32
    %dma_start3A_83 = tpu.memref_slice %arg2[%dma_start3A_81, %dma_start3A_82] : memref<10240x64xf32, #tpu.memory_space<hbm>> -> memref<10240x64xf32, #tpu.memory_space<hbm>>
    tpu.enqueue_indirect_dma source(%dma_start3A_83 : memref<10240x64xf32, #tpu.memory_space<hbm>>) target(%dma_start3A_77 : memref<128x64xf32, #tpu.memory_space<vmem>>) offsets(%dma_start3A_80 : memref<128xi32, #tpu.memory_space<vmem>>) semaphore(%arg12 : memref<!tpu.dma_semaphore, #tpu.memory_space<semaphore_mem>>)
    %dma_start3A_84 = arith.constant 2 : i32
    %dma_start3A_85 = arith.constant 2 : i32
    %dma_start3A_86 = arith.constant 0 : i32
    %dma_start3A_87 = arith.constant 0 : i32
    %dma_start3A_88 = tpu.memref_slice %arg7[%dma_start3A_85, %dma_start3A_86, %dma_start3A_87] : memref<5x128x64xf32, #tpu.memory_space<vmem>> -> memref<1x128x64xf32, #tpu.memory_space<vmem>>
    %dma_start3A_89 = tpu.memref_squeeze %dma_start3A_88 : memref<1x128x64xf32, #tpu.memory_space<vmem>> -> memref<128x64xf32, #tpu.memory_space<vmem>>
    %dma_start3A_90 = arith.constant 0 : i32
    %dma_start3A_91 = tpu.memref_slice %arg5[%dma_start3A_84, %dma_start3A_90] : memref<80x128xi32, #tpu.memory_space<vmem>> -> memref<1x128xi32, #tpu.memory_space<vmem>>
    %dma_start3A_92 = tpu.memref_squeeze %dma_start3A_91 : memref<1x128xi32, #tpu.memory_space<vmem>> -> memref<128xi32, #tpu.memory_space<vmem>>
    %dma_start3A_93 = arith.constant 0 : i32
    %dma_start3A_94 = arith.constant 0 : i32
    %dma_start3A_95 = tpu.memref_slice %arg2[%dma_start3A_93, %dma_start3A_94] : memref<10240x64xf32, #tpu.memory_space<hbm>> -> memref<10240x64xf32, #tpu.memory_space<hbm>>
    tpu.enqueue_indirect_dma source(%dma_start3A_95 : memref<10240x64xf32, #tpu.memory_space<hbm>>) target(%dma_start3A_89 : memref<128x64xf32, #tpu.memory_space<vmem>>) offsets(%dma_start3A_92 : memref<128xi32, #tpu.memory_space<vmem>>) semaphore(%arg13 : memref<!tpu.dma_semaphore, #tpu.memory_space<semaphore_mem>>)
    %dma_start3A_96 = arith.constant 3 : i32
    %dma_start3A_97 = arith.constant 3 : i32
    %dma_start3A_98 = arith.constant 0 : i32
    %dma_start3A_99 = arith.constant 0 : i32
    %dma_start3A_100 = tpu.memref_slice %arg7[%dma_start3A_97, %dma_start3A_98, %dma_start3A_99] : memref<5x128x64xf32, #tpu.memory_space<vmem>> -> memref<1x128x64xf32, #tpu.memory_space<vmem>>
    %dma_start3A_101 = tpu.memref_squeeze %dma_start3A_100 : memref<1x128x64xf32, #tpu.memory_space<vmem>> -> memref<128x64xf32, #tpu.memory_space<vmem>>
    %dma_start3A_102 = arith.constant 0 : i32
    %dma_start3A_103 = tpu.memref_slice %arg5[%dma_start3A_96, %dma_start3A_102] : memref<80x128xi32, #tpu.memory_space<vmem>> -> memref<1x128xi32, #tpu.memory_space<vmem>>
    %dma_start3A_104 = tpu.memref_squeeze %dma_start3A_103 : memref<1x128xi32, #tpu.memory_space<vmem>> -> memref<128xi32, #tpu.memory_space<vmem>>
    %dma_start3A_105 = arith.constant 0 : i32
    %dma_start3A_106 = arith.constant 0 : i32
    %dma_start3A_107 = tpu.memref_slice %arg2[%dma_start3A_105, %dma_start3A_106] : memref<10240x64xf32, #tpu.memory_space<hbm>> -> memref<10240x64xf32, #tpu.memory_space<hbm>>
    tpu.enqueue_indirect_dma source(%dma_start3A_107 : memref<10240x64xf32, #tpu.memory_space<hbm>>) target(%dma_start3A_101 : memref<128x64xf32, #tpu.memory_space<vmem>>) offsets(%dma_start3A_104 : memref<128xi32, #tpu.memory_space<vmem>>) semaphore(%arg14 : memref<!tpu.dma_semaphore, #tpu.memory_space<semaphore_mem>>)
    %dma_start3A_108 = arith.constant 4 : i32
    %dma_start3A_109 = arith.constant 4 : i32
    %dma_start3A_110 = arith.constant 0 : i32
    %dma_start3A_111 = arith.constant 0 : i32
    %dma_start3A_112 = tpu.memref_slice %arg7[%dma_start3A_109, %dma_start3A_110, %dma_start3A_111] : memref<5x128x64xf32, #tpu.memory_space<vmem>> -> memref<1x128x64xf32, #tpu.memory_space<vmem>>
    %dma_start3A_113 = tpu.memref_squeeze %dma_start3A_112 : memref<1x128x64xf32, #tpu.memory_space<vmem>> -> memref<128x64xf32, #tpu.memory_space<vmem>>
    %dma_start3A_114 = arith.constant 0 : i32
    %dma_start3A_115 = tpu.memref_slice %arg5[%dma_start3A_108, %dma_start3A_114] : memref<80x128xi32, #tpu.memory_space<vmem>> -> memref<1x128xi32, #tpu.memory_space<vmem>>
    %dma_start3A_116 = tpu.memref_squeeze %dma_start3A_115 : memref<1x128xi32, #tpu.memory_space<vmem>> -> memref<128xi32, #tpu.memory_space<vmem>>
    %dma_start3A_117 = arith.constant 0 : i32
    %dma_start3A_118 = arith.constant 0 : i32
    %dma_start3A_119 = tpu.memref_slice %arg2[%dma_start3A_117, %dma_start3A_118] : memref<10240x64xf32, #tpu.memory_space<hbm>> -> memref<10240x64xf32, #tpu.memory_space<hbm>>
    tpu.enqueue_indirect_dma source(%dma_start3A_119 : memref<10240x64xf32, #tpu.memory_space<hbm>>) target(%dma_start3A_113 : memref<128x64xf32, #tpu.memory_space<vmem>>) offsets(%dma_start3A_116 : memref<128xi32, #tpu.memory_space<vmem>>) semaphore(%arg15 : memref<!tpu.dma_semaphore, #tpu.memory_space<semaphore_mem>>)
    %scan3A_120 = arith.constant 0 : i32
    %scan3A_121 = arith.constant 0 : i32
    %scan3A_122 = arith.constant 16 : i32
    %scan3A_123 = arith.addi %scan3A_121, %scan3A_122 : i32
    %scan3A_124 = arith.constant 1 : i32
    scf.for %scan3A_191 = %scan3A_121 to %scan3A_123 step %scan3A_124  : i32 {
      %mul3A_192 = arith.constant 5 : i32
      %mul3A_193 = arith.muli %mul3A_192, %scan3A_191 : i32
      %add3A_194 = arith.constant 0 : i32
      %add3A_195 = arith.addi %mul3A_193, %add3A_194 : i32
      %dma_wait3A_196 = arith.constant 0 : i32
      %dma_wait3A_197 = arith.constant 0 : i32
      %dma_wait3A_198 = arith.constant 0 : i32
      %dma_wait3A_199 = tpu.memref_slice %arg7[%dma_wait3A_196, %dma_wait3A_197, %dma_wait3A_198] : memref<5x128x64xf32, #tpu.memory_space<vmem>> -> memref<1x128x64xf32, #tpu.memory_space<vmem>>
      %dma_wait3A_200 = tpu.memref_squeeze %dma_wait3A_199 : memref<1x128x64xf32, #tpu.memory_space<vmem>> -> memref<128x64xf32, #tpu.memory_space<vmem>>
      %dma_wait3A_201 = arith.constant 0 : i32
      %dma_wait3A_202 = tpu.memref_slice %arg5[%add3A_195, %dma_wait3A_201] : memref<80x128xi32, #tpu.memory_space<vmem>> -> memref<1x128xi32, #tpu.memory_space<vmem>>
      %dma_wait3A_203 = tpu.memref_squeeze %dma_wait3A_202 : memref<1x128xi32, #tpu.memory_space<vmem>> -> memref<128xi32, #tpu.memory_space<vmem>>
      %dma_wait3A_204 = arith.constant 0 : i32
      %dma_wait3A_205 = arith.constant 0 : i32
      %dma_wait3A_206 = tpu.memref_slice %arg2[%dma_wait3A_204, %dma_wait3A_205] : memref<10240x64xf32, #tpu.memory_space<hbm>> -> memref<10240x64xf32, #tpu.memory_space<hbm>>
      tpu.wait_indirect_dma semaphore(%arg11 : memref<!tpu.dma_semaphore, #tpu.memory_space<semaphore_mem>>) src(%dma_wait3A_206 : memref<10240x64xf32, #tpu.memory_space<hbm>>) dst(%dma_wait3A_200 : memref<128x64xf32, #tpu.memory_space<vmem>>)
      %dma_start3A_207 = arith.constant 0 : i32
      %dma_start3A_208 = arith.constant 0 : i32
      %dma_start3A_209 = arith.constant 0 : i32
      %dma_start3A_210 = tpu.memref_slice %arg7[%dma_start3A_207, %dma_start3A_208, %dma_start3A_209] : memref<5x128x64xf32, #tpu.memory_space<vmem>> -> memref<1x128x64xf32, #tpu.memory_space<vmem>>
      %dma_start3A_211 = tpu.memref_squeeze %dma_start3A_210 : memref<1x128x64xf32, #tpu.memory_space<vmem>> -> memref<128x64xf32, #tpu.memory_space<vmem>>
      %dma_start3A_212 = arith.constant 0 : i32
      %dma_start3A_213 = tpu.memref_slice %arg6[%add3A_195, %dma_start3A_212] : memref<80x128xi32, #tpu.memory_space<vmem>> -> memref<1x128xi32, #tpu.memory_space<vmem>>
      %dma_start3A_214 = tpu.memref_squeeze %dma_start3A_213 : memref<1x128xi32, #tpu.memory_space<vmem>> -> memref<128xi32, #tpu.memory_space<vmem>>
      %dma_start3A_215 = arith.constant 0 : i32
      %dma_start3A_216 = arith.constant 0 : i32
      %dma_start3A_217 = tpu.memref_slice %arg9[%dma_start3A_215, %dma_start3A_216] : memref<10240x64xf32, #tpu.memory_space<vmem_shared>> -> memref<10240x64xf32, #tpu.memory_space<vmem_shared>>
      tpu.enqueue_indirect_dma source(%dma_start3A_211 : memref<128x64xf32, #tpu.memory_space<vmem>>) target(%dma_start3A_217 : memref<10240x64xf32, #tpu.memory_space<vmem_shared>>) offsets(%dma_start3A_214 : memref<128xi32, #tpu.memory_space<vmem>>) semaphore(%arg16 : memref<!tpu.dma_semaphore, #tpu.memory_space<semaphore_mem>>) {add = true}
      %mul3A_218 = arith.constant 5 : i32
      %mul3A_219 = arith.muli %mul3A_218, %scan3A_191 : i32
      %add3A_220 = arith.constant 1 : i32
      %add3A_221 = arith.addi %mul3A_219, %add3A_220 : i32
      %dma_wait3A_222 = arith.constant 1 : i32
      %dma_wait3A_223 = arith.constant 0 : i32
      %dma_wait3A_224 = arith.constant 0 : i32
      %dma_wait3A_225 = tpu.memref_slice %arg7[%dma_wait3A_222, %dma_wait3A_223, %dma_wait3A_224] : memref<5x128x64xf32, #tpu.memory_space<vmem>> -> memref<1x128x64xf32, #tpu.memory_space<vmem>>
      %dma_wait3A_226 = tpu.memref_squeeze %dma_wait3A_225 : memref<1x128x64xf32, #tpu.memory_space<vmem>> -> memref<128x64xf32, #tpu.memory_space<vmem>>
      %dma_wait3A_227 = arith.constant 0 : i32
      %dma_wait3A_228 = tpu.memref_slice %arg5[%add3A_221, %dma_wait3A_227] : memref<80x128xi32, #tpu.memory_space<vmem>> -> memref<1x128xi32, #tpu.memory_space<vmem>>
      %dma_wait3A_229 = tpu.memref_squeeze %dma_wait3A_228 : memref<1x128xi32, #tpu.memory_space<vmem>> -> memref<128xi32, #tpu.memory_space<vmem>>
      %dma_wait3A_230 = arith.constant 0 : i32
      %dma_wait3A_231 = arith.constant 0 : i32
      %dma_wait3A_232 = tpu.memref_slice %arg2[%dma_wait3A_230, %dma_wait3A_231] : memref<10240x64xf32, #tpu.memory_space<hbm>> -> memref<10240x64xf32, #tpu.memory_space<hbm>>
      tpu.wait_indirect_dma semaphore(%arg12 : memref<!tpu.dma_semaphore, #tpu.memory_space<semaphore_mem>>) src(%dma_wait3A_232 : memref<10240x64xf32, #tpu.memory_space<hbm>>) dst(%dma_wait3A_226 : memref<128x64xf32, #tpu.memory_space<vmem>>)
      %dma_start3A_233 = arith.constant 1 : i32
      %dma_start3A_234 = arith.constant 0 : i32
      %dma_start3A_235 = arith.constant 0 : i32
      %dma_start3A_236 = tpu.memref_slice %arg7[%dma_start3A_233, %dma_start3A_234, %dma_start3A_235] : memref<5x128x64xf32, #tpu.memory_space<vmem>> -> memref<1x128x64xf32, #tpu.memory_space<vmem>>
      %dma_start3A_237 = tpu.memref_squeeze %dma_start3A_236 : memref<1x128x64xf32, #tpu.memory_space<vmem>> -> memref<128x64xf32, #tpu.memory_space<vmem>>
      %dma_start3A_238 = arith.constant 0 : i32
      %dma_start3A_239 = tpu.memref_slice %arg6[%add3A_221, %dma_start3A_238] : memref<80x128xi32, #tpu.memory_space<vmem>> -> memref<1x128xi32, #tpu.memory_space<vmem>>
      %dma_start3A_240 = tpu.memref_squeeze %dma_start3A_239 : memref<1x128xi32, #tpu.memory_space<vmem>> -> memref<128xi32, #tpu.memory_space<vmem>>
      %dma_start3A_241 = arith.constant 0 : i32
      %dma_start3A_242 = arith.constant 0 : i32
      %dma_start3A_243 = tpu.memref_slice %arg9[%dma_start3A_241, %dma_start3A_242] : memref<10240x64xf32, #tpu.memory_space<vmem_shared>> -> memref<10240x64xf32, #tpu.memory_space<vmem_shared>>
      tpu.enqueue_indirect_dma source(%dma_start3A_237 : memref<128x64xf32, #tpu.memory_space<vmem>>) target(%dma_start3A_243 : memref<10240x64xf32, #tpu.memory_space<vmem_shared>>) offsets(%dma_start3A_240 : memref<128xi32, #tpu.memory_space<vmem>>) semaphore(%arg17 : memref<!tpu.dma_semaphore, #tpu.memory_space<semaphore_mem>>) {add = true}
      %mul3A_244 = arith.constant 5 : i32
      %mul3A_245 = arith.muli %mul3A_244, %scan3A_191 : i32
      %add3A_246 = arith.constant 2 : i32
      %add3A_247 = arith.addi %mul3A_245, %add3A_246 : i32
      %dma_wait3A_248 = arith.constant 2 : i32
      %dma_wait3A_249 = arith.constant 0 : i32
      %dma_wait3A_250 = arith.constant 0 : i32
      %dma_wait3A_251 = tpu.memref_slice %arg7[%dma_wait3A_248, %dma_wait3A_249, %dma_wait3A_250] : memref<5x128x64xf32, #tpu.memory_space<vmem>> -> memref<1x128x64xf32, #tpu.memory_space<vmem>>
      %dma_wait3A_252 = tpu.memref_squeeze %dma_wait3A_251 : memref<1x128x64xf32, #tpu.memory_space<vmem>> -> memref<128x64xf32, #tpu.memory_space<vmem>>
      %dma_wait3A_253 = arith.constant 0 : i32
      %dma_wait3A_254 = tpu.memref_slice %arg5[%add3A_247, %dma_wait3A_253] : memref<80x128xi32, #tpu.memory_space<vmem>> -> memref<1x128xi32, #tpu.memory_space<vmem>>
      %dma_wait3A_255 = tpu.memref_squeeze %dma_wait3A_254 : memref<1x128xi32, #tpu.memory_space<vmem>> -> memref<128xi32, #tpu.memory_space<vmem>>
      %dma_wait3A_256 = arith.constant 0 : i32
      %dma_wait3A_257 = arith.constant 0 : i32
      %dma_wait3A_258 = tpu.memref_slice %arg2[%dma_wait3A_256, %dma_wait3A_257] : memref<10240x64xf32, #tpu.memory_space<hbm>> -> memref<10240x64xf32, #tpu.memory_space<hbm>>
      tpu.wait_indirect_dma semaphore(%arg13 : memref<!tpu.dma_semaphore, #tpu.memory_space<semaphore_mem>>) src(%dma_wait3A_258 : memref<10240x64xf32, #tpu.memory_space<hbm>>) dst(%dma_wait3A_252 : memref<128x64xf32, #tpu.memory_space<vmem>>)
      %dma_start3A_259 = arith.constant 2 : i32
      %dma_start3A_260 = arith.constant 0 : i32
      %dma_start3A_261 = arith.constant 0 : i32
      %dma_start3A_262 = tpu.memref_slice %arg7[%dma_start3A_259, %dma_start3A_260, %dma_start3A_261] : memref<5x128x64xf32, #tpu.memory_space<vmem>> -> memref<1x128x64xf32, #tpu.memory_space<vmem>>
      %dma_start3A_263 = tpu.memref_squeeze %dma_start3A_262 : memref<1x128x64xf32, #tpu.memory_space<vmem>> -> memref<128x64xf32, #tpu.memory_space<vmem>>
      %dma_start3A_264 = arith.constant 0 : i32
      %dma_start3A_265 = tpu.memref_slice %arg6[%add3A_247, %dma_start3A_264] : memref<80x128xi32, #tpu.memory_space<vmem>> -> memref<1x128xi32, #tpu.memory_space<vmem>>
      %dma_start3A_266 = tpu.memref_squeeze %dma_start3A_265 : memref<1x128xi32, #tpu.memory_space<vmem>> -> memref<128xi32, #tpu.memory_space<vmem>>
      %dma_start3A_267 = arith.constant 0 : i32
      %dma_start3A_268 = arith.constant 0 : i32
      %dma_start3A_269 = tpu.memref_slice %arg9[%dma_start3A_267, %dma_start3A_268] : memref<10240x64xf32, #tpu.memory_space<vmem_shared>> -> memref<10240x64xf32, #tpu.memory_space<vmem_shared>>
      tpu.enqueue_indirect_dma source(%dma_start3A_263 : memref<128x64xf32, #tpu.memory_space<vmem>>) target(%dma_start3A_269 : memref<10240x64xf32, #tpu.memory_space<vmem_shared>>) offsets(%dma_start3A_266 : memref<128xi32, #tpu.memory_space<vmem>>) semaphore(%arg18 : memref<!tpu.dma_semaphore, #tpu.memory_space<semaphore_mem>>) {add = true}
      %mul3A_270 = arith.constant 5 : i32
      %mul3A_271 = arith.muli %mul3A_270, %scan3A_191 : i32
      %add3A_272 = arith.constant 3 : i32
      %add3A_273 = arith.addi %mul3A_271, %add3A_272 : i32
      %dma_wait3A_274 = arith.constant 3 : i32
      %dma_wait3A_275 = arith.constant 0 : i32
      %dma_wait3A_276 = arith.constant 0 : i32
      %dma_wait3A_277 = tpu.memref_slice %arg7[%dma_wait3A_274, %dma_wait3A_275, %dma_wait3A_276] : memref<5x128x64xf32, #tpu.memory_space<vmem>> -> memref<1x128x64xf32, #tpu.memory_space<vmem>>
      %dma_wait3A_278 = tpu.memref_squeeze %dma_wait3A_277 : memref<1x128x64xf32, #tpu.memory_space<vmem>> -> memref<128x64xf32, #tpu.memory_space<vmem>>
      %dma_wait3A_279 = arith.constant 0 : i32
      %dma_wait3A_280 = tpu.memref_slice %arg5[%add3A_273, %dma_wait3A_279] : memref<80x128xi32, #tpu.memory_space<vmem>> -> memref<1x128xi32, #tpu.memory_space<vmem>>
      %dma_wait3A_281 = tpu.memref_squeeze %dma_wait3A_280 : memref<1x128xi32, #tpu.memory_space<vmem>> -> memref<128xi32, #tpu.memory_space<vmem>>
      %dma_wait3A_282 = arith.constant 0 : i32
      %dma_wait3A_283 = arith.constant 0 : i32
      %dma_wait3A_284 = tpu.memref_slice %arg2[%dma_wait3A_282, %dma_wait3A_283] : memref<10240x64xf32, #tpu.memory_space<hbm>> -> memref<10240x64xf32, #tpu.memory_space<hbm>>
      tpu.wait_indirect_dma semaphore(%arg14 : memref<!tpu.dma_semaphore, #tpu.memory_space<semaphore_mem>>) src(%dma_wait3A_284 : memref<10240x64xf32, #tpu.memory_space<hbm>>) dst(%dma_wait3A_278 : memref<128x64xf32, #tpu.memory_space<vmem>>)
      %dma_start3A_285 = arith.constant 3 : i32
      %dma_start3A_286 = arith.constant 0 : i32
      %dma_start3A_287 = arith.constant 0 : i32
      %dma_start3A_288 = tpu.memref_slice %arg7[%dma_start3A_285, %dma_start3A_286, %dma_start3A_287] : memref<5x128x64xf32, #tpu.memory_space<vmem>> -> memref<1x128x64xf32, #tpu.memory_space<vmem>>
      %dma_start3A_289 = tpu.memref_squeeze %dma_start3A_288 : memref<1x128x64xf32, #tpu.memory_space<vmem>> -> memref<128x64xf32, #tpu.memory_space<vmem>>
      %dma_start3A_290 = arith.constant 0 : i32
      %dma_start3A_291 = tpu.memref_slice %arg6[%add3A_273, %dma_start3A_290] : memref<80x128xi32, #tpu.memory_space<vmem>> -> memref<1x128xi32, #tpu.memory_space<vmem>>
      %dma_start3A_292 = tpu.memref_squeeze %dma_start3A_291 : memref<1x128xi32, #tpu.memory_space<vmem>> -> memref<128xi32, #tpu.memory_space<vmem>>
      %dma_start3A_293 = arith.constant 0 : i32
      %dma_start3A_294 = arith.constant 0 : i32
      %dma_start3A_295 = tpu.memref_slice %arg9[%dma_start3A_293, %dma_start3A_294] : memref<10240x64xf32, #tpu.memory_space<vmem_shared>> -> memref<10240x64xf32, #tpu.memory_space<vmem_shared>>
      tpu.enqueue_indirect_dma source(%dma_start3A_289 : memref<128x64xf32, #tpu.memory_space<vmem>>) target(%dma_start3A_295 : memref<10240x64xf32, #tpu.memory_space<vmem_shared>>) offsets(%dma_start3A_292 : memref<128xi32, #tpu.memory_space<vmem>>) semaphore(%arg19 : memref<!tpu.dma_semaphore, #tpu.memory_space<semaphore_mem>>) {add = true}
      %mul3A_296 = arith.constant 5 : i32
      %mul3A_297 = arith.muli %mul3A_296, %scan3A_191 : i32
      %add3A_298 = arith.constant 4 : i32
      %add3A_299 = arith.addi %mul3A_297, %add3A_298 : i32
      %dma_wait3A_300 = arith.constant 4 : i32
      %dma_wait3A_301 = arith.constant 0 : i32
      %dma_wait3A_302 = arith.constant 0 : i32
      %dma_wait3A_303 = tpu.memref_slice %arg7[%dma_wait3A_300, %dma_wait3A_301, %dma_wait3A_302] : memref<5x128x64xf32, #tpu.memory_space<vmem>> -> memref<1x128x64xf32, #tpu.memory_space<vmem>>
      %dma_wait3A_304 = tpu.memref_squeeze %dma_wait3A_303 : memref<1x128x64xf32, #tpu.memory_space<vmem>> -> memref<128x64xf32, #tpu.memory_space<vmem>>
      %dma_wait3A_305 = arith.constant 0 : i32
      %dma_wait3A_306 = tpu.memref_slice %arg5[%add3A_299, %dma_wait3A_305] : memref<80x128xi32, #tpu.memory_space<vmem>> -> memref<1x128xi32, #tpu.memory_space<vmem>>
      %dma_wait3A_307 = tpu.memref_squeeze %dma_wait3A_306 : memref<1x128xi32, #tpu.memory_space<vmem>> -> memref<128xi32, #tpu.memory_space<vmem>>
      %dma_wait3A_308 = arith.constant 0 : i32
      %dma_wait3A_309 = arith.constant 0 : i32
      %dma_wait3A_310 = tpu.memref_slice %arg2[%dma_wait3A_308, %dma_wait3A_309] : memref<10240x64xf32, #tpu.memory_space<hbm>> -> memref<10240x64xf32, #tpu.memory_space<hbm>>
      tpu.wait_indirect_dma semaphore(%arg15 : memref<!tpu.dma_semaphore, #tpu.memory_space<semaphore_mem>>) src(%dma_wait3A_310 : memref<10240x64xf32, #tpu.memory_space<hbm>>) dst(%dma_wait3A_304 : memref<128x64xf32, #tpu.memory_space<vmem>>)
      %dma_start3A_311 = arith.constant 4 : i32
      %dma_start3A_312 = arith.constant 0 : i32
      %dma_start3A_313 = arith.constant 0 : i32
      %dma_start3A_314 = tpu.memref_slice %arg7[%dma_start3A_311, %dma_start3A_312, %dma_start3A_313] : memref<5x128x64xf32, #tpu.memory_space<vmem>> -> memref<1x128x64xf32, #tpu.memory_space<vmem>>
      %dma_start3A_315 = tpu.memref_squeeze %dma_start3A_314 : memref<1x128x64xf32, #tpu.memory_space<vmem>> -> memref<128x64xf32, #tpu.memory_space<vmem>>
      %dma_start3A_316 = arith.constant 0 : i32
      %dma_start3A_317 = tpu.memref_slice %arg6[%add3A_299, %dma_start3A_316] : memref<80x128xi32, #tpu.memory_space<vmem>> -> memref<1x128xi32, #tpu.memory_space<vmem>>
      %dma_start3A_318 = tpu.memref_squeeze %dma_start3A_317 : memref<1x128xi32, #tpu.memory_space<vmem>> -> memref<128xi32, #tpu.memory_space<vmem>>
      %dma_start3A_319 = arith.constant 0 : i32
      %dma_start3A_320 = arith.constant 0 : i32
      %dma_start3A_321 = tpu.memref_slice %arg9[%dma_start3A_319, %dma_start3A_320] : memref<10240x64xf32, #tpu.memory_space<vmem_shared>> -> memref<10240x64xf32, #tpu.memory_space<vmem_shared>>
      tpu.enqueue_indirect_dma source(%dma_start3A_315 : memref<128x64xf32, #tpu.memory_space<vmem>>) target(%dma_start3A_321 : memref<10240x64xf32, #tpu.memory_space<vmem_shared>>) offsets(%dma_start3A_318 : memref<128xi32, #tpu.memory_space<vmem>>) semaphore(%arg20 : memref<!tpu.dma_semaphore, #tpu.memory_space<semaphore_mem>>) {add = true}
      %mul3A_322 = arith.constant 5 : i32
      %mul3A_323 = arith.muli %mul3A_322, %scan3A_191 : i32
      %add3A_324 = arith.constant 0 : i32
      %add3A_325 = arith.addi %mul3A_323, %add3A_324 : i32
      %add3A_326 = arith.constant 5 : i32
      %add3A_327 = arith.addi %add3A_325, %add3A_326 : i32
      %lt3A = arith.constant 80 : i32
      %lt3A_328 = arith.cmpi slt, %add3A_327, %lt3A : i32
      %convert_element_type3A = arith.extui %lt3A_328 : i1 to i32
      %cond3A = arith.constant 0 : i32
      %cond3A_329 = arith.cmpi ne, %convert_element_type3A, %cond3A : i32
      scf.if %cond3A_329 {
        %dma_wait3A_374 = arith.constant 0 : i32
        %dma_wait3A_375 = arith.constant 0 : i32
        %dma_wait3A_376 = arith.constant 0 : i32
        %dma_wait3A_377 = tpu.memref_slice %arg7[%dma_wait3A_374, %dma_wait3A_375, %dma_wait3A_376] : memref<5x128x64xf32, #tpu.memory_space<vmem>> -> memref<1x128x64xf32, #tpu.memory_space<vmem>>
        %dma_wait3A_378 = tpu.memref_squeeze %dma_wait3A_377 : memref<1x128x64xf32, #tpu.memory_space<vmem>> -> memref<128x64xf32, #tpu.memory_space<vmem>>
        %dma_wait3A_379 = arith.constant 0 : i32
        %dma_wait3A_380 = tpu.memref_slice %arg6[%add3A_325, %dma_wait3A_379] : memref<80x128xi32, #tpu.memory_space<vmem>> -> memref<1x128xi32, #tpu.memory_space<vmem>>
        %dma_wait3A_381 = tpu.memref_squeeze %dma_wait3A_380 : memref<1x128xi32, #tpu.memory_space<vmem>> -> memref<128xi32, #tpu.memory_space<vmem>>
        %dma_wait3A_382 = arith.constant 0 : i32
        %dma_wait3A_383 = arith.constant 0 : i32
        %dma_wait3A_384 = tpu.memref_slice %arg9[%dma_wait3A_382, %dma_wait3A_383] : memref<10240x64xf32, #tpu.memory_space<vmem_shared>> -> memref<10240x64xf32, #tpu.memory_space<vmem_shared>>
        tpu.wait_indirect_dma semaphore(%arg16 : memref<!tpu.dma_semaphore, #tpu.memory_space<semaphore_mem>>) src(%dma_wait3A_378 : memref<128x64xf32, #tpu.memory_space<vmem>>) dst(%dma_wait3A_384 : memref<10240x64xf32, #tpu.memory_space<vmem_shared>>)
        %add3A_385 = arith.constant 5 : i32
        %add3A_386 = arith.addi %add3A_325, %add3A_385 : i32
        %dma_start3A_387 = arith.constant 0 : i32
        %dma_start3A_388 = arith.constant 0 : i32
        %dma_start3A_389 = arith.constant 0 : i32
        %dma_start3A_390 = tpu.memref_slice %arg7[%dma_start3A_387, %dma_start3A_388, %dma_start3A_389] : memref<5x128x64xf32, #tpu.memory_space<vmem>> -> memref<1x128x64xf32, #tpu.memory_space<vmem>>
        %dma_start3A_391 = tpu.memref_squeeze %dma_start3A_390 : memref<1x128x64xf32, #tpu.memory_space<vmem>> -> memref<128x64xf32, #tpu.memory_space<vmem>>
        %dma_start3A_392 = arith.constant 0 : i32
        %dma_start3A_393 = tpu.memref_slice %arg5[%add3A_386, %dma_start3A_392] : memref<80x128xi32, #tpu.memory_space<vmem>> -> memref<1x128xi32, #tpu.memory_space<vmem>>
        %dma_start3A_394 = tpu.memref_squeeze %dma_start3A_393 : memref<1x128xi32, #tpu.memory_space<vmem>> -> memref<128xi32, #tpu.memory_space<vmem>>
        %dma_start3A_395 = arith.constant 0 : i32
        %dma_start3A_396 = arith.constant 0 : i32
        %dma_start3A_397 = tpu.memref_slice %arg2[%dma_start3A_395, %dma_start3A_396] : memref<10240x64xf32, #tpu.memory_space<hbm>> -> memref<10240x64xf32, #tpu.memory_space<hbm>>
        tpu.enqueue_indirect_dma source(%dma_start3A_397 : memref<10240x64xf32, #tpu.memory_space<hbm>>) target(%dma_start3A_391 : memref<128x64xf32, #tpu.memory_space<vmem>>) offsets(%dma_start3A_394 : memref<128xi32, #tpu.memory_space<vmem>>) semaphore(%arg11 : memref<!tpu.dma_semaphore, #tpu.memory_space<semaphore_mem>>)
      } else {
      }
      %mul3A_330 = arith.constant 5 : i32
      %mul3A_331 = arith.muli %mul3A_330, %scan3A_191 : i32
      %add3A_332 = arith.constant 1 : i32
      %add3A_333 = arith.addi %mul3A_331, %add3A_332 : i32
      %add3A_334 = arith.constant 5 : i32
      %add3A_335 = arith.addi %add3A_333, %add3A_334 : i32
      %lt3A_336 = arith.constant 80 : i32
      %lt3A_337 = arith.cmpi slt, %add3A_335, %lt3A_336 : i32
      %convert_element_type3A_338 = arith.extui %lt3A_337 : i1 to i32
      %cond3A_339 = arith.constant 0 : i32
      %cond3A_340 = arith.cmpi ne, %convert_element_type3A_338, %cond3A_339 : i32
      scf.if %cond3A_340 {
        %dma_wait3A_374 = arith.constant 1 : i32
        %dma_wait3A_375 = arith.constant 0 : i32
        %dma_wait3A_376 = arith.constant 0 : i32
        %dma_wait3A_377 = tpu.memref_slice %arg7[%dma_wait3A_374, %dma_wait3A_375, %dma_wait3A_376] : memref<5x128x64xf32, #tpu.memory_space<vmem>> -> memref<1x128x64xf32, #tpu.memory_space<vmem>>
        %dma_wait3A_378 = tpu.memref_squeeze %dma_wait3A_377 : memref<1x128x64xf32, #tpu.memory_space<vmem>> -> memref<128x64xf32, #tpu.memory_space<vmem>>
        %dma_wait3A_379 = arith.constant 0 : i32
        %dma_wait3A_380 = tpu.memref_slice %arg6[%add3A_333, %dma_wait3A_379] : memref<80x128xi32, #tpu.memory_space<vmem>> -> memref<1x128xi32, #tpu.memory_space<vmem>>
        %dma_wait3A_381 = tpu.memref_squeeze %dma_wait3A_380 : memref<1x128xi32, #tpu.memory_space<vmem>> -> memref<128xi32, #tpu.memory_space<vmem>>
        %dma_wait3A_382 = arith.constant 0 : i32
        %dma_wait3A_383 = arith.constant 0 : i32
        %dma_wait3A_384 = tpu.memref_slice %arg9[%dma_wait3A_382, %dma_wait3A_383] : memref<10240x64xf32, #tpu.memory_space<vmem_shared>> -> memref<10240x64xf32, #tpu.memory_space<vmem_shared>>
        tpu.wait_indirect_dma semaphore(%arg17 : memref<!tpu.dma_semaphore, #tpu.memory_space<semaphore_mem>>) src(%dma_wait3A_378 : memref<128x64xf32, #tpu.memory_space<vmem>>) dst(%dma_wait3A_384 : memref<10240x64xf32, #tpu.memory_space<vmem_shared>>)
        %add3A_385 = arith.constant 5 : i32
        %add3A_386 = arith.addi %add3A_333, %add3A_385 : i32
        %dma_start3A_387 = arith.constant 1 : i32
        %dma_start3A_388 = arith.constant 0 : i32
        %dma_start3A_389 = arith.constant 0 : i32
        %dma_start3A_390 = tpu.memref_slice %arg7[%dma_start3A_387, %dma_start3A_388, %dma_start3A_389] : memref<5x128x64xf32, #tpu.memory_space<vmem>> -> memref<1x128x64xf32, #tpu.memory_space<vmem>>
        %dma_start3A_391 = tpu.memref_squeeze %dma_start3A_390 : memref<1x128x64xf32, #tpu.memory_space<vmem>> -> memref<128x64xf32, #tpu.memory_space<vmem>>
        %dma_start3A_392 = arith.constant 0 : i32
        %dma_start3A_393 = tpu.memref_slice %arg5[%add3A_386, %dma_start3A_392] : memref<80x128xi32, #tpu.memory_space<vmem>> -> memref<1x128xi32, #tpu.memory_space<vmem>>
        %dma_start3A_394 = tpu.memref_squeeze %dma_start3A_393 : memref<1x128xi32, #tpu.memory_space<vmem>> -> memref<128xi32, #tpu.memory_space<vmem>>
        %dma_start3A_395 = arith.constant 0 : i32
        %dma_start3A_396 = arith.constant 0 : i32
        %dma_start3A_397 = tpu.memref_slice %arg2[%dma_start3A_395, %dma_start3A_396] : memref<10240x64xf32, #tpu.memory_space<hbm>> -> memref<10240x64xf32, #tpu.memory_space<hbm>>
        tpu.enqueue_indirect_dma source(%dma_start3A_397 : memref<10240x64xf32, #tpu.memory_space<hbm>>) target(%dma_start3A_391 : memref<128x64xf32, #tpu.memory_space<vmem>>) offsets(%dma_start3A_394 : memref<128xi32, #tpu.memory_space<vmem>>) semaphore(%arg12 : memref<!tpu.dma_semaphore, #tpu.memory_space<semaphore_mem>>)
      } else {
      }
      %mul3A_341 = arith.constant 5 : i32
      %mul3A_342 = arith.muli %mul3A_341, %scan3A_191 : i32
      %add3A_343 = arith.constant 2 : i32
      %add3A_344 = arith.addi %mul3A_342, %add3A_343 : i32
      %add3A_345 = arith.constant 5 : i32
      %add3A_346 = arith.addi %add3A_344, %add3A_345 : i32
      %lt3A_347 = arith.constant 80 : i32
      %lt3A_348 = arith.cmpi slt, %add3A_346, %lt3A_347 : i32
      %convert_element_type3A_349 = arith.extui %lt3A_348 : i1 to i32
      %cond3A_350 = arith.constant 0 : i32
      %cond3A_351 = arith.cmpi ne, %convert_element_type3A_349, %cond3A_350 : i32
      scf.if %cond3A_351 {
        %dma_wait3A_374 = arith.constant 2 : i32
        %dma_wait3A_375 = arith.constant 0 : i32
        %dma_wait3A_376 = arith.constant 0 : i32
        %dma_wait3A_377 = tpu.memref_slice %arg7[%dma_wait3A_374, %dma_wait3A_375, %dma_wait3A_376] : memref<5x128x64xf32, #tpu.memory_space<vmem>> -> memref<1x128x64xf32, #tpu.memory_space<vmem>>
        %dma_wait3A_378 = tpu.memref_squeeze %dma_wait3A_377 : memref<1x128x64xf32, #tpu.memory_space<vmem>> -> memref<128x64xf32, #tpu.memory_space<vmem>>
        %dma_wait3A_379 = arith.constant 0 : i32
        %dma_wait3A_380 = tpu.memref_slice %arg6[%add3A_344, %dma_wait3A_379] : memref<80x128xi32, #tpu.memory_space<vmem>> -> memref<1x128xi32, #tpu.memory_space<vmem>>
        %dma_wait3A_381 = tpu.memref_squeeze %dma_wait3A_380 : memref<1x128xi32, #tpu.memory_space<vmem>> -> memref<128xi32, #tpu.memory_space<vmem>>
        %dma_wait3A_382 = arith.constant 0 : i32
        %dma_wait3A_383 = arith.constant 0 : i32
        %dma_wait3A_384 = tpu.memref_slice %arg9[%dma_wait3A_382, %dma_wait3A_383] : memref<10240x64xf32, #tpu.memory_space<vmem_shared>> -> memref<10240x64xf32, #tpu.memory_space<vmem_shared>>
        tpu.wait_indirect_dma semaphore(%arg18 : memref<!tpu.dma_semaphore, #tpu.memory_space<semaphore_mem>>) src(%dma_wait3A_378 : memref<128x64xf32, #tpu.memory_space<vmem>>) dst(%dma_wait3A_384 : memref<10240x64xf32, #tpu.memory_space<vmem_shared>>)
        %add3A_385 = arith.constant 5 : i32
        %add3A_386 = arith.addi %add3A_344, %add3A_385 : i32
        %dma_start3A_387 = arith.constant 2 : i32
        %dma_start3A_388 = arith.constant 0 : i32
        %dma_start3A_389 = arith.constant 0 : i32
        %dma_start3A_390 = tpu.memref_slice %arg7[%dma_start3A_387, %dma_start3A_388, %dma_start3A_389] : memref<5x128x64xf32, #tpu.memory_space<vmem>> -> memref<1x128x64xf32, #tpu.memory_space<vmem>>
        %dma_start3A_391 = tpu.memref_squeeze %dma_start3A_390 : memref<1x128x64xf32, #tpu.memory_space<vmem>> -> memref<128x64xf32, #tpu.memory_space<vmem>>
        %dma_start3A_392 = arith.constant 0 : i32
        %dma_start3A_393 = tpu.memref_slice %arg5[%add3A_386, %dma_start3A_392] : memref<80x128xi32, #tpu.memory_space<vmem>> -> memref<1x128xi32, #tpu.memory_space<vmem>>
        %dma_start3A_394 = tpu.memref_squeeze %dma_start3A_393 : memref<1x128xi32, #tpu.memory_space<vmem>> -> memref<128xi32, #tpu.memory_space<vmem>>
        %dma_start3A_395 = arith.constant 0 : i32
        %dma_start3A_396 = arith.constant 0 : i32
        %dma_start3A_397 = tpu.memref_slice %arg2[%dma_start3A_395, %dma_start3A_396] : memref<10240x64xf32, #tpu.memory_space<hbm>> -> memref<10240x64xf32, #tpu.memory_space<hbm>>
        tpu.enqueue_indirect_dma source(%dma_start3A_397 : memref<10240x64xf32, #tpu.memory_space<hbm>>) target(%dma_start3A_391 : memref<128x64xf32, #tpu.memory_space<vmem>>) offsets(%dma_start3A_394 : memref<128xi32, #tpu.memory_space<vmem>>) semaphore(%arg13 : memref<!tpu.dma_semaphore, #tpu.memory_space<semaphore_mem>>)
      } else {
      }
      %mul3A_352 = arith.constant 5 : i32
      %mul3A_353 = arith.muli %mul3A_352, %scan3A_191 : i32
      %add3A_354 = arith.constant 3 : i32
      %add3A_355 = arith.addi %mul3A_353, %add3A_354 : i32
      %add3A_356 = arith.constant 5 : i32
      %add3A_357 = arith.addi %add3A_355, %add3A_356 : i32
      %lt3A_358 = arith.constant 80 : i32
      %lt3A_359 = arith.cmpi slt, %add3A_357, %lt3A_358 : i32
      %convert_element_type3A_360 = arith.extui %lt3A_359 : i1 to i32
      %cond3A_361 = arith.constant 0 : i32
      %cond3A_362 = arith.cmpi ne, %convert_element_type3A_360, %cond3A_361 : i32
      scf.if %cond3A_362 {
        %dma_wait3A_374 = arith.constant 3 : i32
        %dma_wait3A_375 = arith.constant 0 : i32
        %dma_wait3A_376 = arith.constant 0 : i32
        %dma_wait3A_377 = tpu.memref_slice %arg7[%dma_wait3A_374, %dma_wait3A_375, %dma_wait3A_376] : memref<5x128x64xf32, #tpu.memory_space<vmem>> -> memref<1x128x64xf32, #tpu.memory_space<vmem>>
        %dma_wait3A_378 = tpu.memref_squeeze %dma_wait3A_377 : memref<1x128x64xf32, #tpu.memory_space<vmem>> -> memref<128x64xf32, #tpu.memory_space<vmem>>
        %dma_wait3A_379 = arith.constant 0 : i32
        %dma_wait3A_380 = tpu.memref_slice %arg6[%add3A_355, %dma_wait3A_379] : memref<80x128xi32, #tpu.memory_space<vmem>> -> memref<1x128xi32, #tpu.memory_space<vmem>>
        %dma_wait3A_381 = tpu.memref_squeeze %dma_wait3A_380 : memref<1x128xi32, #tpu.memory_space<vmem>> -> memref<128xi32, #tpu.memory_space<vmem>>
        %dma_wait3A_382 = arith.constant 0 : i32
        %dma_wait3A_383 = arith.constant 0 : i32
        %dma_wait3A_384 = tpu.memref_slice %arg9[%dma_wait3A_382, %dma_wait3A_383] : memref<10240x64xf32, #tpu.memory_space<vmem_shared>> -> memref<10240x64xf32, #tpu.memory_space<vmem_shared>>
        tpu.wait_indirect_dma semaphore(%arg19 : memref<!tpu.dma_semaphore, #tpu.memory_space<semaphore_mem>>) src(%dma_wait3A_378 : memref<128x64xf32, #tpu.memory_space<vmem>>) dst(%dma_wait3A_384 : memref<10240x64xf32, #tpu.memory_space<vmem_shared>>)
        %add3A_385 = arith.constant 5 : i32
        %add3A_386 = arith.addi %add3A_355, %add3A_385 : i32
        %dma_start3A_387 = arith.constant 3 : i32
        %dma_start3A_388 = arith.constant 0 : i32
        %dma_start3A_389 = arith.constant 0 : i32
        %dma_start3A_390 = tpu.memref_slice %arg7[%dma_start3A_387, %dma_start3A_388, %dma_start3A_389] : memref<5x128x64xf32, #tpu.memory_space<vmem>> -> memref<1x128x64xf32, #tpu.memory_space<vmem>>
        %dma_start3A_391 = tpu.memref_squeeze %dma_start3A_390 : memref<1x128x64xf32, #tpu.memory_space<vmem>> -> memref<128x64xf32, #tpu.memory_space<vmem>>
        %dma_start3A_392 = arith.constant 0 : i32
        %dma_start3A_393 = tpu.memref_slice %arg5[%add3A_386, %dma_start3A_392] : memref<80x128xi32, #tpu.memory_space<vmem>> -> memref<1x128xi32, #tpu.memory_space<vmem>>
        %dma_start3A_394 = tpu.memref_squeeze %dma_start3A_393 : memref<1x128xi32, #tpu.memory_space<vmem>> -> memref<128xi32, #tpu.memory_space<vmem>>
        %dma_start3A_395 = arith.constant 0 : i32
        %dma_start3A_396 = arith.constant 0 : i32
        %dma_start3A_397 = tpu.memref_slice %arg2[%dma_start3A_395, %dma_start3A_396] : memref<10240x64xf32, #tpu.memory_space<hbm>> -> memref<10240x64xf32, #tpu.memory_space<hbm>>
        tpu.enqueue_indirect_dma source(%dma_start3A_397 : memref<10240x64xf32, #tpu.memory_space<hbm>>) target(%dma_start3A_391 : memref<128x64xf32, #tpu.memory_space<vmem>>) offsets(%dma_start3A_394 : memref<128xi32, #tpu.memory_space<vmem>>) semaphore(%arg14 : memref<!tpu.dma_semaphore, #tpu.memory_space<semaphore_mem>>)
      } else {
      }
      %mul3A_363 = arith.constant 5 : i32
      %mul3A_364 = arith.muli %mul3A_363, %scan3A_191 : i32
      %add3A_365 = arith.constant 4 : i32
      %add3A_366 = arith.addi %mul3A_364, %add3A_365 : i32
      %add3A_367 = arith.constant 5 : i32
      %add3A_368 = arith.addi %add3A_366, %add3A_367 : i32
      %lt3A_369 = arith.constant 80 : i32
      %lt3A_370 = arith.cmpi slt, %add3A_368, %lt3A_369 : i32
      %convert_element_type3A_371 = arith.extui %lt3A_370 : i1 to i32
      %cond3A_372 = arith.constant 0 : i32
      %cond3A_373 = arith.cmpi ne, %convert_element_type3A_371, %cond3A_372 : i32
      scf.if %cond3A_373 {
        %dma_wait3A_374 = arith.constant 4 : i32
        %dma_wait3A_375 = arith.constant 0 : i32
        %dma_wait3A_376 = arith.constant 0 : i32
        %dma_wait3A_377 = tpu.memref_slice %arg7[%dma_wait3A_374, %dma_wait3A_375, %dma_wait3A_376] : memref<5x128x64xf32, #tpu.memory_space<vmem>> -> memref<1x128x64xf32, #tpu.memory_space<vmem>>
        %dma_wait3A_378 = tpu.memref_squeeze %dma_wait3A_377 : memref<1x128x64xf32, #tpu.memory_space<vmem>> -> memref<128x64xf32, #tpu.memory_space<vmem>>
        %dma_wait3A_379 = arith.constant 0 : i32
        %dma_wait3A_380 = tpu.memref_slice %arg6[%add3A_366, %dma_wait3A_379] : memref<80x128xi32, #tpu.memory_space<vmem>> -> memref<1x128xi32, #tpu.memory_space<vmem>>
        %dma_wait3A_381 = tpu.memref_squeeze %dma_wait3A_380 : memref<1x128xi32, #tpu.memory_space<vmem>> -> memref<128xi32, #tpu.memory_space<vmem>>
        %dma_wait3A_382 = arith.constant 0 : i32
        %dma_wait3A_383 = arith.constant 0 : i32
        %dma_wait3A_384 = tpu.memref_slice %arg9[%dma_wait3A_382, %dma_wait3A_383] : memref<10240x64xf32, #tpu.memory_space<vmem_shared>> -> memref<10240x64xf32, #tpu.memory_space<vmem_shared>>
        tpu.wait_indirect_dma semaphore(%arg20 : memref<!tpu.dma_semaphore, #tpu.memory_space<semaphore_mem>>) src(%dma_wait3A_378 : memref<128x64xf32, #tpu.memory_space<vmem>>) dst(%dma_wait3A_384 : memref<10240x64xf32, #tpu.memory_space<vmem_shared>>)
        %add3A_385 = arith.constant 5 : i32
        %add3A_386 = arith.addi %add3A_366, %add3A_385 : i32
        %dma_start3A_387 = arith.constant 4 : i32
        %dma_start3A_388 = arith.constant 0 : i32
        %dma_start3A_389 = arith.constant 0 : i32
        %dma_start3A_390 = tpu.memref_slice %arg7[%dma_start3A_387, %dma_start3A_388, %dma_start3A_389] : memref<5x128x64xf32, #tpu.memory_space<vmem>> -> memref<1x128x64xf32, #tpu.memory_space<vmem>>
        %dma_start3A_391 = tpu.memref_squeeze %dma_start3A_390 : memref<1x128x64xf32, #tpu.memory_space<vmem>> -> memref<128x64xf32, #tpu.memory_space<vmem>>
        %dma_start3A_392 = arith.constant 0 : i32
        %dma_start3A_393 = tpu.memref_slice %arg5[%add3A_386, %dma_start3A_392] : memref<80x128xi32, #tpu.memory_space<vmem>> -> memref<1x128xi32, #tpu.memory_space<vmem>>
        %dma_start3A_394 = tpu.memref_squeeze %dma_start3A_393 : memref<1x128xi32, #tpu.memory_space<vmem>> -> memref<128xi32, #tpu.memory_space<vmem>>
        %dma_start3A_395 = arith.constant 0 : i32
        %dma_start3A_396 = arith.constant 0 : i32
        %dma_start3A_397 = tpu.memref_slice %arg2[%dma_start3A_395, %dma_start3A_396] : memref<10240x64xf32, #tpu.memory_space<hbm>> -> memref<10240x64xf32, #tpu.memory_space<hbm>>
        tpu.enqueue_indirect_dma source(%dma_start3A_397 : memref<10240x64xf32, #tpu.memory_space<hbm>>) target(%dma_start3A_391 : memref<128x64xf32, #tpu.memory_space<vmem>>) offsets(%dma_start3A_394 : memref<128xi32, #tpu.memory_space<vmem>>) semaphore(%arg15 : memref<!tpu.dma_semaphore, #tpu.memory_space<semaphore_mem>>)
      } else {
      }
    }
    %scan3A_125 = arith.constant 16 : i32
    %dma_wait3A_126 = arith.constant 0 : i32
    %dma_wait3A_127 = arith.constant 75 : i32
    %dma_wait3A_128 = arith.constant 0 : i32
    %dma_wait3A_129 = arith.constant 0 : i32
    %dma_wait3A_130 = tpu.memref_slice %arg7[%dma_wait3A_126, %dma_wait3A_128, %dma_wait3A_129] : memref<5x128x64xf32, #tpu.memory_space<vmem>> -> memref<1x128x64xf32, #tpu.memory_space<vmem>>
    %dma_wait3A_131 = tpu.memref_squeeze %dma_wait3A_130 : memref<1x128x64xf32, #tpu.memory_space<vmem>> -> memref<128x64xf32, #tpu.memory_space<vmem>>
    %dma_wait3A_132 = arith.constant 0 : i32
    %dma_wait3A_133 = tpu.memref_slice %arg6[%dma_wait3A_127, %dma_wait3A_132] : memref<80x128xi32, #tpu.memory_space<vmem>> -> memref<1x128xi32, #tpu.memory_space<vmem>>
    %dma_wait3A_134 = tpu.memref_squeeze %dma_wait3A_133 : memref<1x128xi32, #tpu.memory_space<vmem>> -> memref<128xi32, #tpu.memory_space<vmem>>
    %dma_wait3A_135 = arith.constant 0 : i32
    %dma_wait3A_136 = arith.constant 0 : i32
    %dma_wait3A_137 = tpu.memref_slice %arg9[%dma_wait3A_135, %dma_wait3A_136] : memref<10240x64xf32, #tpu.memory_space<vmem_shared>> -> memref<10240x64xf32, #tpu.memory_space<vmem_shared>>
    tpu.wait_indirect_dma semaphore(%arg16 : memref<!tpu.dma_semaphore, #tpu.memory_space<semaphore_mem>>) src(%dma_wait3A_131 : memref<128x64xf32, #tpu.memory_space<vmem>>) dst(%dma_wait3A_137 : memref<10240x64xf32, #tpu.memory_space<vmem_shared>>)
    %dma_wait3A_138 = arith.constant 1 : i32
    %dma_wait3A_139 = arith.constant 76 : i32
    %dma_wait3A_140 = arith.constant 0 : i32
    %dma_wait3A_141 = arith.constant 0 : i32
    %dma_wait3A_142 = tpu.memref_slice %arg7[%dma_wait3A_138, %dma_wait3A_140, %dma_wait3A_141] : memref<5x128x64xf32, #tpu.memory_space<vmem>> -> memref<1x128x64xf32, #tpu.memory_space<vmem>>
    %dma_wait3A_143 = tpu.memref_squeeze %dma_wait3A_142 : memref<1x128x64xf32, #tpu.memory_space<vmem>> -> memref<128x64xf32, #tpu.memory_space<vmem>>
    %dma_wait3A_144 = arith.constant 0 : i32
    %dma_wait3A_145 = tpu.memref_slice %arg6[%dma_wait3A_139, %dma_wait3A_144] : memref<80x128xi32, #tpu.memory_space<vmem>> -> memref<1x128xi32, #tpu.memory_space<vmem>>
    %dma_wait3A_146 = tpu.memref_squeeze %dma_wait3A_145 : memref<1x128xi32, #tpu.memory_space<vmem>> -> memref<128xi32, #tpu.memory_space<vmem>>
    %dma_wait3A_147 = arith.constant 0 : i32
    %dma_wait3A_148 = arith.constant 0 : i32
    %dma_wait3A_149 = tpu.memref_slice %arg9[%dma_wait3A_147, %dma_wait3A_148] : memref<10240x64xf32, #tpu.memory_space<vmem_shared>> -> memref<10240x64xf32, #tpu.memory_space<vmem_shared>>
    tpu.wait_indirect_dma semaphore(%arg17 : memref<!tpu.dma_semaphore, #tpu.memory_space<semaphore_mem>>) src(%dma_wait3A_143 : memref<128x64xf32, #tpu.memory_space<vmem>>) dst(%dma_wait3A_149 : memref<10240x64xf32, #tpu.memory_space<vmem_shared>>)
    %dma_wait3A_150 = arith.constant 2 : i32
    %dma_wait3A_151 = arith.constant 77 : i32
    %dma_wait3A_152 = arith.constant 0 : i32
    %dma_wait3A_153 = arith.constant 0 : i32
    %dma_wait3A_154 = tpu.memref_slice %arg7[%dma_wait3A_150, %dma_wait3A_152, %dma_wait3A_153] : memref<5x128x64xf32, #tpu.memory_space<vmem>> -> memref<1x128x64xf32, #tpu.memory_space<vmem>>
    %dma_wait3A_155 = tpu.memref_squeeze %dma_wait3A_154 : memref<1x128x64xf32, #tpu.memory_space<vmem>> -> memref<128x64xf32, #tpu.memory_space<vmem>>
    %dma_wait3A_156 = arith.constant 0 : i32
    %dma_wait3A_157 = tpu.memref_slice %arg6[%dma_wait3A_151, %dma_wait3A_156] : memref<80x128xi32, #tpu.memory_space<vmem>> -> memref<1x128xi32, #tpu.memory_space<vmem>>
    %dma_wait3A_158 = tpu.memref_squeeze %dma_wait3A_157 : memref<1x128xi32, #tpu.memory_space<vmem>> -> memref<128xi32, #tpu.memory_space<vmem>>
    %dma_wait3A_159 = arith.constant 0 : i32
    %dma_wait3A_160 = arith.constant 0 : i32
    %dma_wait3A_161 = tpu.memref_slice %arg9[%dma_wait3A_159, %dma_wait3A_160] : memref<10240x64xf32, #tpu.memory_space<vmem_shared>> -> memref<10240x64xf32, #tpu.memory_space<vmem_shared>>
    tpu.wait_indirect_dma semaphore(%arg18 : memref<!tpu.dma_semaphore, #tpu.memory_space<semaphore_mem>>) src(%dma_wait3A_155 : memref<128x64xf32, #tpu.memory_space<vmem>>) dst(%dma_wait3A_161 : memref<10240x64xf32, #tpu.memory_space<vmem_shared>>)
    %dma_wait3A_162 = arith.constant 3 : i32
    %dma_wait3A_163 = arith.constant 78 : i32
    %dma_wait3A_164 = arith.constant 0 : i32
    %dma_wait3A_165 = arith.constant 0 : i32
    %dma_wait3A_166 = tpu.memref_slice %arg7[%dma_wait3A_162, %dma_wait3A_164, %dma_wait3A_165] : memref<5x128x64xf32, #tpu.memory_space<vmem>> -> memref<1x128x64xf32, #tpu.memory_space<vmem>>
    %dma_wait3A_167 = tpu.memref_squeeze %dma_wait3A_166 : memref<1x128x64xf32, #tpu.memory_space<vmem>> -> memref<128x64xf32, #tpu.memory_space<vmem>>
    %dma_wait3A_168 = arith.constant 0 : i32
    %dma_wait3A_169 = tpu.memref_slice %arg6[%dma_wait3A_163, %dma_wait3A_168] : memref<80x128xi32, #tpu.memory_space<vmem>> -> memref<1x128xi32, #tpu.memory_space<vmem>>
    %dma_wait3A_170 = tpu.memref_squeeze %dma_wait3A_169 : memref<1x128xi32, #tpu.memory_space<vmem>> -> memref<128xi32, #tpu.memory_space<vmem>>
    %dma_wait3A_171 = arith.constant 0 : i32
    %dma_wait3A_172 = arith.constant 0 : i32
    %dma_wait3A_173 = tpu.memref_slice %arg9[%dma_wait3A_171, %dma_wait3A_172] : memref<10240x64xf32, #tpu.memory_space<vmem_shared>> -> memref<10240x64xf32, #tpu.memory_space<vmem_shared>>
    tpu.wait_indirect_dma semaphore(%arg19 : memref<!tpu.dma_semaphore, #tpu.memory_space<semaphore_mem>>) src(%dma_wait3A_167 : memref<128x64xf32, #tpu.memory_space<vmem>>) dst(%dma_wait3A_173 : memref<10240x64xf32, #tpu.memory_space<vmem_shared>>)
    %dma_wait3A_174 = arith.constant 4 : i32
    %dma_wait3A_175 = arith.constant 79 : i32
    %dma_wait3A_176 = arith.constant 0 : i32
    %dma_wait3A_177 = arith.constant 0 : i32
    %dma_wait3A_178 = tpu.memref_slice %arg7[%dma_wait3A_174, %dma_wait3A_176, %dma_wait3A_177] : memref<5x128x64xf32, #tpu.memory_space<vmem>> -> memref<1x128x64xf32, #tpu.memory_space<vmem>>
    %dma_wait3A_179 = tpu.memref_squeeze %dma_wait3A_178 : memref<1x128x64xf32, #tpu.memory_space<vmem>> -> memref<128x64xf32, #tpu.memory_space<vmem>>
    %dma_wait3A_180 = arith.constant 0 : i32
    %dma_wait3A_181 = tpu.memref_slice %arg6[%dma_wait3A_175, %dma_wait3A_180] : memref<80x128xi32, #tpu.memory_space<vmem>> -> memref<1x128xi32, #tpu.memory_space<vmem>>
    %dma_wait3A_182 = tpu.memref_squeeze %dma_wait3A_181 : memref<1x128xi32, #tpu.memory_space<vmem>> -> memref<128xi32, #tpu.memory_space<vmem>>
    %dma_wait3A_183 = arith.constant 0 : i32
    %dma_wait3A_184 = arith.constant 0 : i32
    %dma_wait3A_185 = tpu.memref_slice %arg9[%dma_wait3A_183, %dma_wait3A_184] : memref<10240x64xf32, #tpu.memory_space<vmem_shared>> -> memref<10240x64xf32, #tpu.memory_space<vmem_shared>>
    tpu.wait_indirect_dma semaphore(%arg20 : memref<!tpu.dma_semaphore, #tpu.memory_space<semaphore_mem>>) src(%dma_wait3A_179 : memref<128x64xf32, #tpu.memory_space<vmem>>) dst(%dma_wait3A_185 : memref<10240x64xf32, #tpu.memory_space<vmem_shared>>)
    %barrier3A_186 = arith.constant 0 : index
    tpu.barrier barrier_id(%barrier3A_186)
    %mul3A_187 = arith.constant 640 : i32
    %mul3A_188 = arith.muli %arg1, %mul3A_187 : i32
    %mul3A_189 = arith.constant 640 : i32
    %mul3A_190 = arith.muli %arg1, %mul3A_189 : i32
    "tpu.region"() ({
      %run_scoped3A = tpu.sem_alloc : memref<!tpu.dma_semaphore, #tpu.memory_space<semaphore_mem>>
      %dma_start3A_191 = arith.constant 0 : i32
      %dma_start3A_192 = tpu.memref_slice %arg4[%arg0, %mul3A_190, %dma_start3A_191] : memref<2x10240x64xf32, #tpu.memory_space<hbm>> -> memref<1x640x64xf32, #tpu.memory_space<hbm>>
      %dma_start3A_193 = tpu.memref_squeeze %dma_start3A_192 : memref<1x640x64xf32, #tpu.memory_space<hbm>> -> memref<640x64xf32, #tpu.memory_space<hbm>>
      %dma_start3A_194 = arith.constant 0 : i32
      %dma_start3A_195 = tpu.memref_slice %arg9[%mul3A_188, %dma_start3A_194] : memref<10240x64xf32, #tpu.memory_space<vmem_shared>> -> memref<640x64xf32, #tpu.memory_space<vmem_shared>>
      tpu.enqueue_dma source(%dma_start3A_195 : memref<640x64xf32, #tpu.memory_space<vmem_shared>>) target(%dma_start3A_193 : memref<640x64xf32, #tpu.memory_space<hbm>>) target_semaphore(%run_scoped3A : memref<!tpu.dma_semaphore, #tpu.memory_space<semaphore_mem>>)
      %dma_wait3A_196 = arith.constant 0 : i32
      %dma_wait3A_197 = tpu.memref_slice %arg4[%arg0, %mul3A_190, %dma_wait3A_196] : memref<2x10240x64xf32, #tpu.memory_space<hbm>> -> memref<1x640x64xf32, #tpu.memory_space<hbm>>
      %dma_wait3A_198 = tpu.memref_squeeze %dma_wait3A_197 : memref<1x640x64xf32, #tpu.memory_space<hbm>> -> memref<640x64xf32, #tpu.memory_space<hbm>>
      %dma_wait3A_199 = arith.constant 0 : i32
      %dma_wait3A_200 = tpu.memref_slice %arg9[%mul3A_188, %dma_wait3A_199] : memref<10240x64xf32, #tpu.memory_space<vmem_shared>> -> memref<640x64xf32, #tpu.memory_space<vmem_shared>>
      tpu.wait_dma2 semaphore(%run_scoped3A : memref<!tpu.dma_semaphore, #tpu.memory_space<semaphore_mem>>) src(%dma_wait3A_200 : memref<640x64xf32, #tpu.memory_space<vmem_shared>>) dst(%dma_wait3A_198 : memref<640x64xf32, #tpu.memory_space<hbm>>)
      tpu.yield
    }) : () -> ()
    return
  }
}

module attributes {stable_mosaic.version = 14 : i64} {
  func.func @_tc1_body(%arg0: i32, %arg1: memref<2048x128xf32, #tpu.memory_space<vmem>>, %arg2: memref<128x64xf32, #tpu.memory_space<vmem>>, %arg3: memref<2048x64xf32, #tpu.memory_space<vmem>>) attributes {dimension_semantics = [#tpu.dimension_semantics<arbitrary>], iteration_bounds = array<i64: 5>, scalar_prefetch = 0 : i64, scratch_operands = 0 : i64, tpu.core_type = #tpu.core_type<tc>, window_params = [{transform_indices = @transform_0, window_bounds = array<i64: 2048, 128>}, {pipeline_mode = #tpu.pipeline_mode<synchronous>, transform_indices = @transform_1, window_bounds = array<i64: 128, 64>}, {transform_indices = @transform_2, window_bounds = array<i64: 2048, 64>}]} {
    %get3A = arith.constant 0 : index
    %get3A_0 = arith.constant 0 : index
    %get3A_1 = vector.load %arg1[%get3A, %get3A_0] : memref<2048x128xf32, #tpu.memory_space<vmem>>, vector<2048x128xf32>
    %get3A_2 = arith.constant 0 : index
    %get3A_3 = arith.constant 0 : index
    %get3A_4 = vector.load %arg2[%get3A_2, %get3A_3] : memref<128x64xf32, #tpu.memory_space<vmem>>, vector<128x64xf32>
    %dot_general3A = arith.constant dense<0.000000e+00> : vector<2048x64xf32>
    %dot_general3A_5 = tpu.matmul %get3A_1, %get3A_4, %dot_general3A {dimension_numbers = #tpu.dot_dimension_numbers<[1], [0], [0], [1], [0, 0, 1, 1], [], []>, transpose_lhs_hint = false} : vector<2048x128xf32>, vector<128x64xf32>, vector<2048x64xf32> -> vector<2048x64xf32>
    %swap3A = arith.constant 0 : index
    %swap3A_6 = arith.constant 0 : index
    %swap3A_7 = vector.load %arg3[%swap3A, %swap3A_6] : memref<2048x64xf32, #tpu.memory_space<vmem>>, vector<2048x64xf32>
    tpu.vector_store %arg3[%swap3A, %swap3A_6], %dot_general3A_5 {strides = array<i32>} : memref<2048x64xf32, #tpu.memory_space<vmem>>, vector<2048x64xf32>,
    return
  }
  func.func @transform_0(%arg0: i32) -> (i32, i32) {
    %c0_i32 = arith.constant 0 : i32
    %c0_i32_0 = arith.constant 0 : i32
    return %arg0, %c0_i32 : i32, i32
  }
  func.func @transform_1(%arg0: i32) -> (i32, i32) {
    %c0_i32 = arith.constant 0 : i32
    %c0_i32_0 = arith.constant 0 : i32
    %c0_i32_1 = arith.constant 0 : i32
    return %c0_i32, %c0_i32_0 : i32, i32
  }
  func.func @transform_2(%arg0: i32) -> (i32, i32) {
    %c0_i32 = arith.constant 0 : i32
    %c0_i32_0 = arith.constant 0 : i32
    return %arg0, %c0_i32 : i32, i32
  }
}

module attributes {stable_mosaic.version = 14 : i64} {
  func.func @_tcs_body(%arg0: i32, %arg1: memref<2048x64xf32, #tpu.memory_space<vmem>>, %arg2: memref<2048x16xf32, #tpu.memory_space<vmem>>, %arg3: memref<2048x16xf32, #tpu.memory_space<vmem>>, %arg4: memref<2048x64xf32, #tpu.memory_space<vmem>>) attributes {dimension_semantics = [#tpu.dimension_semantics<arbitrary>], iteration_bounds = array<i64: 5>, scalar_prefetch = 0 : i64, scratch_operands = 0 : i64, tpu.core_type = #tpu.core_type<tc>, window_params = [{transform_indices = @transform_0, window_bounds = array<i64: 2048, 64>}, {transform_indices = @transform_1, window_bounds = array<i64: 2048, 16>}, {transform_indices = @transform_2, window_bounds = array<i64: 2048, 16>}, {transform_indices = @transform_3, window_bounds = array<i64: 2048, 64>}]} {
    %get3A = arith.constant 0 : index
    %get3A_0 = arith.constant 0 : index
    %get3A_1 = vector.load %arg2[%get3A, %get3A_0] : memref<2048x16xf32, #tpu.memory_space<vmem>>, vector<2048x1xf32>
    %get3A_2 = arith.constant 0 : index
    %get3A_3 = arith.constant 0 : index
    %get3A_4 = vector.load %arg3[%get3A_2, %get3A_3] : memref<2048x16xf32, #tpu.memory_space<vmem>>, vector<2048x1xf32>
    %add3A = arith.addf %get3A_1, %get3A_4 : vector<2048x1xf32>
    %add3A_5 = arith.constant 1.000000e+00 : f32
    %add3A_6 = vector.broadcast %add3A_5 : f32 to vector<2048x1xf32>
    %add3A_7 = arith.addf %add3A, %add3A_6 : vector<2048x1xf32>
    %rsqrt3A = math.rsqrt %add3A_7 : vector<2048x1xf32>
    %get3A_8 = arith.constant 0 : index
    %get3A_9 = arith.constant 0 : index
    %get3A_10 = vector.load %arg1[%get3A_8, %get3A_9] : memref<2048x64xf32, #tpu.memory_space<vmem>>, vector<2048x64xf32>
    %mul3A = vector.broadcast %rsqrt3A : vector<2048x1xf32> to vector<2048x64xf32>
    %mul3A_11 = arith.mulf %mul3A, %get3A_10 : vector<2048x64xf32>
    %swap3A = arith.constant 0 : index
    %swap3A_12 = arith.constant 0 : index
    %swap3A_13 = vector.load %arg4[%swap3A, %swap3A_12] : memref<2048x64xf32, #tpu.memory_space<vmem>>, vector<2048x64xf32>
    tpu.vector_store %arg4[%swap3A, %swap3A_12], %mul3A_11 {strides = array<i32>} : memref<2048x64xf32, #tpu.memory_space<vmem>>, vector<2048x64xf32>,
    return
  }
  func.func @transform_0(%arg0: i32) -> (i32, i32) {
    %c0_i32 = arith.constant 0 : i32
    %c0_i32_0 = arith.constant 0 : i32
    return %arg0, %c0_i32 : i32, i32
  }
  func.func @transform_1(%arg0: i32) -> (i32, i32) {
    %c0_i32 = arith.constant 0 : i32
    %c0_i32_0 = arith.constant 0 : i32
    return %arg0, %c0_i32 : i32, i32
  }
  func.func @transform_2(%arg0: i32) -> (i32, i32) {
    %c0_i32 = arith.constant 0 : i32
    %c0_i32_0 = arith.constant 0 : i32
    return %arg0, %c0_i32 : i32, i32
  }
  func.func @transform_3(%arg0: i32) -> (i32, i32) {
    %c0_i32 = arith.constant 0 : i32
    %c0_i32_0 = arith.constant 0 : i32
    return %arg0, %c0_i32 : i32, i32
  }
}

module attributes {stable_mosaic.version = 14 : i64} {
  func.func @_tcb_body(%arg0: i32, %arg1: memref<2048x64xf32, #tpu.memory_space<vmem>>, %arg2: memref<2048x64xf32, #tpu.memory_space<vmem>>, %arg3: memref<2048x64xf32, #tpu.memory_space<vmem>>, %arg4: memref<2048x16xf32, #tpu.memory_space<vmem>>, %arg5: memref<2048x16xf32, #tpu.memory_space<vmem>>, %arg6: memref<1x64xf32, #tpu.memory_space<vmem>>, %arg7: memref<2048x64xf32, #tpu.memory_space<vmem>>) attributes {dimension_semantics = [#tpu.dimension_semantics<arbitrary>], iteration_bounds = array<i64: 5>, scalar_prefetch = 0 : i64, scratch_operands = 0 : i64, tpu.core_type = #tpu.core_type<tc>, window_params = [{transform_indices = @transform_0, window_bounds = array<i64: 2048, 64>}, {transform_indices = @transform_1, window_bounds = array<i64: 2048, 64>}, {transform_indices = @transform_2, window_bounds = array<i64: 2048, 64>}, {transform_indices = @transform_3, window_bounds = array<i64: 2048, 16>}, {transform_indices = @transform_4, window_bounds = array<i64: 2048, 16>}, {pipeline_mode = #tpu.pipeline_mode<synchronous>, transform_indices = @transform_5, window_bounds = array<i64: 1, 64>}, {transform_indices = @transform_6, window_bounds = array<i64: 2048, 64>}]} {
    %get3A = arith.constant 0 : index
    %get3A_0 = arith.constant 0 : index
    %get3A_1 = vector.load %arg4[%get3A, %get3A_0] : memref<2048x16xf32, #tpu.memory_space<vmem>>, vector<2048x1xf32>
    %get3A_2 = arith.constant 0 : index
    %get3A_3 = arith.constant 0 : index
    %get3A_4 = vector.load %arg5[%get3A_2, %get3A_3] : memref<2048x16xf32, #tpu.memory_space<vmem>>, vector<2048x1xf32>
    %add3A = arith.addf %get3A_1, %get3A_4 : vector<2048x1xf32>
    %add3A_5 = arith.constant 1.000000e+00 : f32
    %add3A_6 = vector.broadcast %add3A_5 : f32 to vector<2048x1xf32>
    %add3A_7 = arith.addf %add3A, %add3A_6 : vector<2048x1xf32>
    %rsqrt3A = math.rsqrt %add3A_7 : vector<2048x1xf32>
    %get3A_8 = arith.constant 0 : index
    %get3A_9 = arith.constant 0 : index
    %get3A_10 = vector.load %arg1[%get3A_8, %get3A_9] : memref<2048x64xf32, #tpu.memory_space<vmem>>, vector<2048x64xf32>
    %get3A_11 = arith.constant 0 : index
    %get3A_12 = arith.constant 0 : index
    %get3A_13 = vector.load %arg2[%get3A_11, %get3A_12] : memref<2048x64xf32, #tpu.memory_space<vmem>>, vector<2048x64xf32>
    %add3A_14 = arith.addf %get3A_10, %get3A_13 : vector<2048x64xf32>
    %get3A_15 = arith.constant 0 : index
    %get3A_16 = arith.constant 0 : index
    %get3A_17 = vector.load %arg3[%get3A_15, %get3A_16] : memref<2048x64xf32, #tpu.memory_space<vmem>>, vector<2048x64xf32>
    %add3A_18 = arith.addf %add3A_14, %get3A_17 : vector<2048x64xf32>
    %mul3A = vector.broadcast %rsqrt3A : vector<2048x1xf32> to vector<2048x64xf32>
    %mul3A_19 = arith.mulf %mul3A, %add3A_18 : vector<2048x64xf32>
    %get3A_20 = arith.constant 0 : index
    %get3A_21 = arith.constant 0 : index
    %get3A_22 = vector.load %arg6[%get3A_20, %get3A_21] : memref<1x64xf32, #tpu.memory_space<vmem>>, vector<1x64xf32>
    %add3A_23 = vector.broadcast %get3A_22 : vector<1x64xf32> to vector<2048x64xf32>
    %add3A_24 = arith.addf %mul3A_19, %add3A_23 : vector<2048x64xf32>
    %max3A = arith.constant 0.000000e+00 : f32
    %max3A_25 = vector.broadcast %max3A : f32 to vector<2048x64xf32>
    %max3A_26 = arith.maximumf %add3A_24, %max3A_25 : vector<2048x64xf32>
    %mul3A_27 = vector.broadcast %rsqrt3A : vector<2048x1xf32> to vector<2048x64xf32>
    %mul3A_28 = arith.mulf %mul3A_27, %max3A_26 : vector<2048x64xf32>
    %swap3A = arith.constant 0 : index
    %swap3A_29 = arith.constant 0 : index
    %swap3A_30 = vector.load %arg7[%swap3A, %swap3A_29] : memref<2048x64xf32, #tpu.memory_space<vmem>>, vector<2048x64xf32>
    tpu.vector_store %arg7[%swap3A, %swap3A_29], %mul3A_28 {strides = array<i32>} : memref<2048x64xf32, #tpu.memory_space<vmem>>, vector<2048x64xf32>,
    return
  }
  func.func @transform_0(%arg0: i32) -> (i32, i32) {
    %c0_i32 = arith.constant 0 : i32
    %c0_i32_0 = arith.constant 0 : i32
    return %arg0, %c0_i32 : i32, i32
  }
  func.func @transform_1(%arg0: i32) -> (i32, i32) {
    %c0_i32 = arith.constant 0 : i32
    %c0_i32_0 = arith.constant 0 : i32
    return %arg0, %c0_i32 : i32, i32
  }
  func.func @transform_2(%arg0: i32) -> (i32, i32) {
    %c0_i32 = arith.constant 0 : i32
    %c0_i32_0 = arith.constant 0 : i32
    return %arg0, %c0_i32 : i32, i32
  }
  func.func @transform_3(%arg0: i32) -> (i32, i32) {
    %c0_i32 = arith.constant 0 : i32
    %c0_i32_0 = arith.constant 0 : i32
    return %arg0, %c0_i32 : i32, i32
  }
  func.func @transform_4(%arg0: i32) -> (i32, i32) {
    %c0_i32 = arith.constant 0 : i32
    %c0_i32_0 = arith.constant 0 : i32
    return %arg0, %c0_i32 : i32, i32
  }
  func.func @transform_5(%arg0: i32) -> (i32, i32) {
    %c0_i32 = arith.constant 0 : i32
    %c0_i32_0 = arith.constant 0 : i32
    %c0_i32_1 = arith.constant 0 : i32
    return %c0_i32, %c0_i32_0 : i32, i32
  }
  func.func @transform_6(%arg0: i32) -> (i32, i32) {
    %c0_i32 = arith.constant 0 : i32
    %c0_i32_0 = arith.constant 0 : i32
    return %arg0, %c0_i32 : i32, i32
  }
}

module attributes {stable_mosaic.version = 14 : i64} {
  func.func @_tcc_body(%arg0: i32, %arg1: memref<2048x64xf32, #tpu.memory_space<vmem>>, %arg2: memref<2048x64xf32, #tpu.memory_space<vmem>>, %arg3: memref<2048x64xf32, #tpu.memory_space<vmem>>, %arg4: memref<2048x16xf32, #tpu.memory_space<vmem>>, %arg5: memref<2048x16xf32, #tpu.memory_space<vmem>>, %arg6: memref<64x32xf32, #tpu.memory_space<vmem>>, %arg7: memref<1x32xf32, #tpu.memory_space<vmem>>, %arg8: memref<64x32xf32, #tpu.memory_space<vmem>>, %arg9: memref<1x32xf32, #tpu.memory_space<vmem>>, %arg10: memref<32x2048xf32, #tpu.memory_space<vmem>>, %arg11: memref<32x2048xf32, #tpu.memory_space<vmem>>) attributes {dimension_semantics = [#tpu.dimension_semantics<arbitrary>], iteration_bounds = array<i64: 5>, scalar_prefetch = 0 : i64, scratch_operands = 0 : i64, tpu.core_type = #tpu.core_type<tc>, window_params = [{transform_indices = @transform_0, window_bounds = array<i64: 2048, 64>}, {transform_indices = @transform_1, window_bounds = array<i64: 2048, 64>}, {transform_indices = @transform_2, window_bounds = array<i64: 2048, 64>}, {transform_indices = @transform_3, window_bounds = array<i64: 2048, 16>}, {transform_indices = @transform_4, window_bounds = array<i64: 2048, 16>}, {pipeline_mode = #tpu.pipeline_mode<synchronous>, transform_indices = @transform_5, window_bounds = array<i64: 64, 32>}, {pipeline_mode = #tpu.pipeline_mode<synchronous>, transform_indices = @transform_6, window_bounds = array<i64: 1, 32>}, {pipeline_mode = #tpu.pipeline_mode<synchronous>, transform_indices = @transform_7, window_bounds = array<i64: 64, 32>}, {pipeline_mode = #tpu.pipeline_mode<synchronous>, transform_indices = @transform_8, window_bounds = array<i64: 1, 32>}, {transform_indices = @transform_9, window_bounds = array<i64: 32, 2048>}, {transform_indices = @transform_10, window_bounds = array<i64: 32, 2048>}]} {
    %get3A = arith.constant 0 : index
    %get3A_0 = arith.constant 0 : index
    %get3A_1 = vector.load %arg4[%get3A, %get3A_0] : memref<2048x16xf32, #tpu.memory_space<vmem>>, vector<2048x1xf32>
    %get3A_2 = arith.constant 0 : index
    %get3A_3 = arith.constant 0 : index
    %get3A_4 = vector.load %arg5[%get3A_2, %get3A_3] : memref<2048x16xf32, #tpu.memory_space<vmem>>, vector<2048x1xf32>
    %add3A = arith.addf %get3A_1, %get3A_4 : vector<2048x1xf32>
    %add3A_5 = arith.constant 1.000000e+00 : f32
    %add3A_6 = vector.broadcast %add3A_5 : f32 to vector<2048x1xf32>
    %add3A_7 = arith.addf %add3A, %add3A_6 : vector<2048x1xf32>
    %rsqrt3A = math.rsqrt %add3A_7 : vector<2048x1xf32>
    %get3A_8 = arith.constant 0 : index
    %get3A_9 = arith.constant 0 : index
    %get3A_10 = vector.load %arg1[%get3A_8, %get3A_9] : memref<2048x64xf32, #tpu.memory_space<vmem>>, vector<2048x64xf32>
    %get3A_11 = arith.constant 0 : index
    %get3A_12 = arith.constant 0 : index
    %get3A_13 = vector.load %arg2[%get3A_11, %get3A_12] : memref<2048x64xf32, #tpu.memory_space<vmem>>, vector<2048x64xf32>
    %add3A_14 = arith.addf %get3A_10, %get3A_13 : vector<2048x64xf32>
    %get3A_15 = arith.constant 0 : index
    %get3A_16 = arith.constant 0 : index
    %get3A_17 = vector.load %arg3[%get3A_15, %get3A_16] : memref<2048x64xf32, #tpu.memory_space<vmem>>, vector<2048x64xf32>
    %add3A_18 = arith.addf %add3A_14, %get3A_17 : vector<2048x64xf32>
    %mul3A = vector.broadcast %rsqrt3A : vector<2048x1xf32> to vector<2048x64xf32>
    %mul3A_19 = arith.mulf %mul3A, %add3A_18 : vector<2048x64xf32>
    %get3A_20 = arith.constant 0 : index
    %get3A_21 = arith.constant 0 : index
    %get3A_22 = vector.load %arg6[%get3A_20, %get3A_21] : memref<64x32xf32, #tpu.memory_space<vmem>>, vector<64x32xf32>
    %dot_general3A = arith.constant dense<0.000000e+00> : vector<2048x32xf32>
    %dot_general3A_23 = tpu.matmul %mul3A_19, %get3A_22, %dot_general3A {dimension_numbers = #tpu.dot_dimension_numbers<[1], [0], [0], [1], [0, 0, 1, 1], [], []>, transpose_lhs_hint = false} : vector<2048x64xf32>, vector<64x32xf32>, vector<2048x32xf32> -> vector<2048x32xf32>
    %get3A_24 = arith.constant 0 : index
    %get3A_25 = arith.constant 0 : index
    %get3A_26 = vector.load %arg8[%get3A_24, %get3A_25] : memref<64x32xf32, #tpu.memory_space<vmem>>, vector<64x32xf32>
    %dot_general3A_27 = arith.constant dense<0.000000e+00> : vector<2048x32xf32>
    %dot_general3A_28 = tpu.matmul %mul3A_19, %get3A_26, %dot_general3A_27 {dimension_numbers = #tpu.dot_dimension_numbers<[1], [0], [0], [1], [0, 0, 1, 1], [], []>, transpose_lhs_hint = false} : vector<2048x64xf32>, vector<64x32xf32>, vector<2048x32xf32> -> vector<2048x32xf32>
    %get3A_29 = arith.constant 0 : index
    %get3A_30 = arith.constant 0 : index
    %get3A_31 = vector.load %arg7[%get3A_29, %get3A_30] : memref<1x32xf32, #tpu.memory_space<vmem>>, vector<1x32xf32>
    %add3A_32 = vector.broadcast %get3A_31 : vector<1x32xf32> to vector<2048x32xf32>
    %add3A_33 = arith.addf %dot_general3A_23, %add3A_32 : vector<2048x32xf32>
    %transpose3A = tpu.transpose %add3A_33, [1, 0] : vector<2048x32xf32> -> vector<32x2048xf32>
    %swap3A = arith.constant 0 : index
    %swap3A_34 = arith.constant 0 : index
    %swap3A_35 = vector.load %arg10[%swap3A, %swap3A_34] : memref<32x2048xf32, #tpu.memory_space<vmem>>, vector<32x2048xf32>
    tpu.vector_store %arg10[%swap3A, %swap3A_34], %transpose3A {strides = array<i32>} : memref<32x2048xf32, #tpu.memory_space<vmem>>, vector<32x2048xf32>,
    %get3A_36 = arith.constant 0 : index
    %get3A_37 = arith.constant 0 : index
    %get3A_38 = vector.load %arg9[%get3A_36, %get3A_37] : memref<1x32xf32, #tpu.memory_space<vmem>>, vector<1x32xf32>
    %add3A_39 = vector.broadcast %get3A_38 : vector<1x32xf32> to vector<2048x32xf32>
    %add3A_40 = arith.addf %dot_general3A_28, %add3A_39 : vector<2048x32xf32>
    %transpose3A_41 = tpu.transpose %add3A_40, [1, 0] : vector<2048x32xf32> -> vector<32x2048xf32>
    %swap3A_42 = arith.constant 0 : index
    %swap3A_43 = arith.constant 0 : index
    %swap3A_44 = vector.load %arg11[%swap3A_42, %swap3A_43] : memref<32x2048xf32, #tpu.memory_space<vmem>>, vector<32x2048xf32>
    tpu.vector_store %arg11[%swap3A_42, %swap3A_43], %transpose3A_41 {strides = array<i32>} : memref<32x2048xf32, #tpu.memory_space<vmem>>, vector<32x2048xf32>,
    return
  }
  func.func @transform_0(%arg0: i32) -> (i32, i32) {
    %c0_i32 = arith.constant 0 : i32
    %c0_i32_0 = arith.constant 0 : i32
    return %arg0, %c0_i32 : i32, i32
  }
  func.func @transform_1(%arg0: i32) -> (i32, i32) {
    %c0_i32 = arith.constant 0 : i32
    %c0_i32_0 = arith.constant 0 : i32
    return %arg0, %c0_i32 : i32, i32
  }
  func.func @transform_2(%arg0: i32) -> (i32, i32) {
    %c0_i32 = arith.constant 0 : i32
    %c0_i32_0 = arith.constant 0 : i32
    return %arg0, %c0_i32 : i32, i32
  }
  func.func @transform_3(%arg0: i32) -> (i32, i32) {
    %c0_i32 = arith.constant 0 : i32
    %c0_i32_0 = arith.constant 0 : i32
    return %arg0, %c0_i32 : i32, i32
  }
  func.func @transform_4(%arg0: i32) -> (i32, i32) {
    %c0_i32 = arith.constant 0 : i32
    %c0_i32_0 = arith.constant 0 : i32
    return %arg0, %c0_i32 : i32, i32
  }
  func.func @transform_5(%arg0: i32) -> (i32, i32) {
    %c0_i32 = arith.constant 0 : i32
    %c0_i32_0 = arith.constant 0 : i32
    %c0_i32_1 = arith.constant 0 : i32
    return %c0_i32, %c0_i32_0 : i32, i32
  }
  func.func @transform_6(%arg0: i32) -> (i32, i32) {
    %c0_i32 = arith.constant 0 : i32
    %c0_i32_0 = arith.constant 0 : i32
    %c0_i32_1 = arith.constant 0 : i32
    return %c0_i32, %c0_i32_0 : i32, i32
  }
  func.func @transform_7(%arg0: i32) -> (i32, i32) {
    %c0_i32 = arith.constant 0 : i32
    %c0_i32_0 = arith.constant 0 : i32
    %c0_i32_1 = arith.constant 0 : i32
    return %c0_i32, %c0_i32_0 : i32, i32
  }
  func.func @transform_8(%arg0: i32) -> (i32, i32) {
    %c0_i32 = arith.constant 0 : i32
    %c0_i32_0 = arith.constant 0 : i32
    %c0_i32_1 = arith.constant 0 : i32
    return %c0_i32, %c0_i32_0 : i32, i32
  }
  func.func @transform_9(%arg0: i32) -> (i32, i32) {
    %c0_i32 = arith.constant 0 : i32
    %c0_i32_0 = arith.constant 0 : i32
    return %c0_i32, %arg0 : i32, i32
  }
  func.func @transform_10(%arg0: i32) -> (i32, i32) {
    %c0_i32 = arith.constant 0 : i32
    %c0_i32_0 = arith.constant 0 : i32
    return %c0_i32, %arg0 : i32, i32
  }
}

</mosaic_0001>

<sc_bundles>
// kernel: kernel.12.cloned.1.call-start
scs
__scs_entry_jumppad:
0x0: {  	(pc) =	sbr.rel $0x88, $3  }
0x1: {  	(tag) =	ssettag $0x0;
	lr =	simm.s32 $0x1  }
0x2: {  	[smem:$0x3F99] =	sst lr;
	_ =	strace $0xD0000000  }
0x3: {  	_ = 	snop  }
0x4: {  	_ = 	snop  }
0x5: {  	_ = 	snop  }
0x6: {  	_ = 	snop  }
0x7: {  	_ = 	snop  }
__scs_overlays_trampoline_lowered:
0x8: {  	[smem:$0x3FA8] =	sst s0  }
0x9: {  	[smem:$0x3FA9] =	sst s1  }
0xa: {  	[smem:$0x3FAA] =	sst s2  }
0xb: {  	[smem:$0x3FAB] =	sst s3  }
0xc: {  	[smem:$0x3FAC] =	sst s4  }
0xd: {  	[smem:$0x3FAD] =	sst s5  }
0xe: {  	[smem:$0x3FAE] =	sst s6  }
0xf: {  	[smem:$0x3FAF] =	sst s7  }
0x10: {  	[smem:$0x3FB0] =	sst s8  }
0x11: {  	[smem:$0x3FB1] =	sst s9;
	s0 =	simm.s32 @!p0 $0x0  }
0x12: {  	s1 =	sld [smem:$0x3F97];
	s0 =	simm.s32 @p0 $0x1  }
0x13: {  	[smem:$0x3FB2] =	sst s0;
	s0 =	simm.s32 @!p1 $0x0  }
0x14: {  	s2 =	sld [smem:$0x3F96];
	s0 =	simm.s32 @p1 $0x1  }
0x15: {  	[smem:$0x3FB3] =	sst s0;
	s0 =	simm.s32 @!p2 $0x0  }
0x16: {  	s3 =	sld [smem:$0x3FDB];
	s0 =	simm.s32 @p2 $0x1  }
0x17: {  	s4 =	simm.s32 $0x1BF5;
	[smem:$0x3FB5] =	sst s0  }
0x18: {  	s0 =	sld [smem:$0x3F98];
	_ =	swait.ge [sflag:s4], $0x0  }
0x19: {  	s7 =	sld [smem:$0x3F99]  }
0x1a: {  	s8 =	sadd.s32 $0xFFFFE003, lr  }
0x1b: {  	s9 =	sadd.s32 $0xFFFFFEF7, lr;
	s5 =	simm.s32 $0xFFFFFFFF;
	p2 =	slt.u32 s8, $0xFFFFF086  }
0x1c: {  	p1 =	slt.u32 s9, $0xF7A;
	s5 =	simm.s32 @!p2 $0x0  }
0x1d: {  	s5 =	simm.s32 @p1 $0x1;
	p0 =	seq.s32 s7, s2  }
0x1e: {  	s7 =	smul.u32 @!p0 $0xF7A, s2;
	p2 =	seq.s32 @!p0 s5, $0x0  }
0x1f: {  	s9 =	smul.u32 $0xF7A, s1;
	s8 =	simm.s32 @!p0 $0x1BF5;
	p2 =	por !p2, p0  }
0x20: {  	[sflag:s8] =	ssyncset.s32 @!p0 $0xFFFFF086;
	s6 =	sadd.s32 @!p0 s3, s7;
	s7 =	simm.s32 @!p0 $0x108  }
0x21: {  	s3 =	sadd.s32 s3, s9;
	s6 =	sadd.s32 @!p0 $0x88, s6;
	s7 =	simm.s32 @p2 $0x1082  }
0x22: {  	[simem:s7], [sflag:s8] =	dma.local @!p0 [hbm:s6], $0xF7A  }
0x23: {  	s9 =	sor.u32 $0xD0000000, s2;
	s6 =	simm.s32 $0x108;
	_ =	swait.ge @!p0 [sflag:s8], $0x0  }
0x24: {  	s3 =	sadd.s32 $0x88, s3;
	s6 =	simm.s32 @!p1 $0x1082;
	[sflag:s4] =	ssyncset.s32 $0xFFFFF086  }
0x25: {  	[simem:s6], [sflag:s4] =	dma.local [hbm:s3], $0xF7A  }
0x26: {  	[smem:$0x3F99] =	sst s1;
	(tag) =	ssettag s2;
	_ =	strace s9  }
0x27: {  	s1 =	sld [smem:$0x3FA9]  }
0x28: {  	s2 =	sld [smem:$0x3FAA]  }
0x29: {  	s4 =	sld [smem:$0x3FAC]  }
0x2a: {  	p0 =	seq.s32 s5, $0x0;
	s5 =	sld [smem:$0x3FAD]  }
0x2b: {  	s6 =	sld [smem:$0x3FAE]  }
0x2c: {  	s7 =	sld [smem:$0x3FAF]  }
0x2d: {  	s3 =	simm.s32 $0x108;
	s8 =	sld [smem:$0x3FB0]  }
0x2e: {  	s3 =	simm.s32 @!p0 $0x1082;
	s9 =	sld [smem:$0x3FB1]  }
0x2f: {  	lr =	sadd.s32 s0, s3;
	s0 =	sld [smem:$0x3FA8]  }
0x30: {  	s3 =	sld [smem:$0x3FAB]  }
0x31: {  	[smem:$0x3FB4] =	sst s10  }
0x32: {  	s10 =	sld [smem:$0x3FB2];
	_ =	sdelay $0x3  }
0x33: {  	p0 =	seq.s32 s10, $0x1;
	s10 =	sld [smem:$0x3FB4];
	_ =	sdelay $0x3  }
0x34: {  	[smem:$0x3FB4] =	sst s10  }
0x35: {  	s10 =	sld [smem:$0x3FB3];
	_ =	sdelay $0x3  }
0x36: {  	p1 =	seq.s32 s10, $0x1;
	s10 =	sld [smem:$0x3FB4];
	_ =	sdelay $0x3  }
0x37: {  	[smem:$0x3FB4] =	sst s10  }
0x38: {  	s10 =	sld [smem:$0x3FB5]  }
0x39: {  	_ = 	snop;
	(pc) =	sbr.ind lr, $3  }
0x3a: {  	_ = 	snop  }
0x3b: {  	_ = 	snop  }
0x3c: {  	p2 =	seq.s32 s10, $0x1;
	s10 =	sld [smem:$0x3FB4]  }
0x3d: {  	_ =	shalt  }
0x3e: {  	_ =	shalt  }
0x3f: {  	_ =	shalt  }
0x40: {  	_ =	shalt  }
0x41: {  	_ =	shalt  }
0x42: {  	_ =	shalt  }
0x43: {  	_ =	shalt  }
0x44: {  	_ =	shalt  }
0x45: {  	_ =	shalt  }
0x46: {  	_ =	shalt  }
0x47: {  	_ =	shalt  }
0x48: {  	_ =	shalt  }
0x49: {  	_ =	shalt  }
0x4a: {  	_ =	shalt  }
0x4b: {  	_ =	shalt  }
0x4c: {  	_ =	shalt  }
0x4d: {  	_ =	shalt  }
0x4e: {  	_ =	shalt  }
0x4f: {  	_ =	shalt  }
0x50: {  	_ =	shalt  }
0x51: {  	_ =	shalt  }
0x52: {  	_ =	shalt  }
0x53: {  	_ =	shalt  }
0x54: {  	_ =	shalt  }
0x55: {  	_ =	shalt  }
0x56: {  	_ =	shalt  }
0x57: {  	_ =	shalt  }
0x58: {  	_ =	shalt  }
0x59: {  	_ =	shalt  }
0x5a: {  	_ =	shalt  }
0x5b: {  	_ =	shalt  }
0x5c: {  	_ =	shalt  }
0x5d: {  	_ =	shalt  }
0x5e: {  	_ =	shalt  }
0x5f: {  	_ =	shalt  }
0x60: {  	_ =	shalt  }
0x61: {  	_ =	shalt  }
0x62: {  	_ =	shalt  }
0x63: {  	_ =	shalt  }
0x64: {  	_ =	shalt  }
0x65: {  	_ =	shalt  }
0x66: {  	_ =	shalt  }
0x67: {  	_ =	shalt  }
0x68: {  	_ =	shalt  }
0x69: {  	_ =	shalt  }
0x6a: {  	_ =	shalt  }
0x6b: {  	_ =	shalt  }
0x6c: {  	_ =	shalt  }
0x6d: {  	_ =	shalt  }
0x6e: {  	_ =	shalt  }
0x6f: {  	_ =	shalt  }
0x70: {  	_ =	shalt  }
0x71: {  	_ =	shalt  }
0x72: {  	_ =	shalt  }
0x73: {  	_ =	shalt  }
0x74: {  	_ =	shalt  }
0x75: {  	_ =	shalt  }
0x76: {  	_ =	shalt  }
0x77: {  	_ =	shalt  }
0x78: {  	_ =	shalt  }
0x79: {  	_ =	shalt  }
0x7a: {  	_ =	shalt  }
0x7b: {  	_ =	shalt  }
0x7c: {  	_ =	shalt  }
0x7d: {  	_ =	shalt  }
0x7e: {  	_ =	shalt  }
0x7f: {  	_ =	shalt  }
0x80: {  	_ =	shalt  }
0x81: {  	_ =	shalt  }
0x82: {  	_ =	shalt  }
0x83: {  	_ =	shalt  }
0x84: {  	_ =	shalt  }
0x85: {  	_ =	shalt  }
0x86: {  	_ =	shalt  }
0x87: {  	_ =	shalt  }
.Lfunc_end0:
.L_simem_size_0:
called_computation.1_lowered:
.L_overlay_start_0:
0x88: {  	s2 =	sld [smem:$0x3FD9]  }
0x89: {  	s3 =	sld [smem:$0x3FFE];
	_ =	sdelay $0x1  }
0x8a: {  	s1 =	srdreg.scid  }
0x8b: {  	s0 =	sand.u32 $0x1, s1  }
0x8c: {  	s16 =	sshll.u32 s0, $0xA;
	s2 =	sadd.s32 s3, s2  }
0x8d: {  	s2 =	sadd.s32 s2, s16  }
0x8e: {  	[smem:$0x3FC0] =	sst s2  }
0x8f: {  	_ = 	snop  }
0x90: {  	(tm) =	ssettm $0x1  }
0x91: {  	s17 =	sld [smem:$0x3FFB];
	_ =	sdelay $0x3  }
0x92: {  	_ =	strace s17  }
0x93: {  	s2 =	sld [smem:$0x3FFC];
	_ =	sdelay $0x3  }
0x94: {  	_ =	strace s2  }
0x95: {  	s2 =	sld [smem:$0x3FFD];
	_ =	sdelay $0x3  }
0x96: {  	_ =	strace s2  }
0x97: {  	_ =	strace $0x8FFFFFFF  }
0x98: {  	s18 =	sld [smem:$0x3FDB];
	_ =	sdelay $0x1  }
0x99: {  	s19 =	simm.s32 $_scs_section_size  }
0x9a: {  	s4 =	simm.s32 $_size__tile_overlayer_lowered;
	s5 =	simm.s32 $_tile_overlayer_lowered  }
0x9b: {  	s22 =	simm.s32 $0x1BFF;
	s21 =	sshll.u32 s5, $0x1;
	s2 =	sadd.s32 s19, s18  }
0x9c: {  	s6 =	simm.s32 $0x0;
	s20 =	sshll.u32 s4, $0x1;
	s4 =	sadd.s32 s21, s2  }
0x9d: {  	[timem:s6], [sflag:s22] =	dma.local [hbm:s4], s20  }
0x9e: {  	_ =	swait.ge [sflag:s22], s20  }
0x9f: {  	s3 =	ssub.s32 $0x0, s20;
	[sflag:s22] =	ssyncset.done $0x0  }
0xa0: {  	[sflag:s22] =	ssyncadd.s32 s3;
	_ =	sdelay $0x1  }
0xa1: {  	s23 =	simm.s32 $0x1B8B  }
0xa2: {  	_ =	swait.ge [sflag:s23], $0x1  }
0xa3: {  	[sflag:s23] =	ssyncset.done $0x0  }
0xa4: {  	s25 =	simm.s32 $0x1B8E;
	s24 =	sld [smem:$0x3FFE];
	[sflag:s23] =	ssyncadd.s32 $0xFFFFFFFF  }
0xa5: {  	s26 =	simm.s32 $execute0_lowered;
	[smem:$0x3FD2] =	sst s25  }
0xa6: {  	s4 =	sshll.u32 s26, $0x1;
	_ =	strace $0x80000049;
	[dreg:$0x1] =	wrdreg $0xFFFFFFFF  }
0xa7: {  	s28 =	simm.s32 $_size_execute0_lowered;
	s2 =	sadd.s32 s2, s4;
	[dreg:$0x0] =	wrdreg $0x0  }
0xa8: {  	s4 =	sshll.u32 s28, $0x1;
	[dreg:$0x2] =	wrdreg s2  }
0xa9: {  	[dreg:$0x3] =	wrdreg s4  }
0xaa: {  	[dreg:$0x4] =	wrdreg $0xC0  }
0xab: {  	_ =	task [dreg:s6], $0x5FFFF  }
0xac: {  	[dreg:$0x1] =	wrdreg $0xFFFFFFFF  }
0xad: {  	[dreg:$0x0] =	wrdreg $0x60  }
0xae: {  	[dreg:$0x2] =	wrdreg s24  }
0xaf: {  	[dreg:$0x3] =	wrdreg $0x110000  }
0xb0: {  	[dreg:$0x4] =	wrdreg $0x9  }
0xb1: {  	_ =	task.clear_ibuf [dreg:s6], $0x5FFFF;
	_ =	strace $0x90000049  }
0xb2: {  	s29 =	simm.s32 $0x9;
	_ =	strace $0x8000004B  }
0xb3: {  	_ =	swait.ge [sflag:s29], $0x1  }
0xb4: {  	[sflag:s29] =	ssyncadd.s32 $0xFFFFFFFF  }
0xb5: {  	_ =	strace $0x9000004B  }
0xb6: {  	_ =	sfence  }
0xb7: {  	s30 =	sld [smem:$0x0];
	_ =	sdelay $0x2  }
0xb8: {  	s31 =	sshll.u32 s1, $0xD;
	s1 =	sshrl.u32 s1, $0x2  }
0xb9: {  	s3 =	sand.u32 $0x4000, s31;
	s1 =	sadd.s32 s1, s30  }
0xba: {  	s0 =	sor.u32 s3, s0;
	s1 =	sshll.u32 s1, $0x11  }
0xbb: {  	s0 =	sor.u32 s1, s0  }
0xbc: {  	s0 =	sadd.s32 $0x8F2B, s0  }
0xbd: {  	[sflag:s0] =	ssyncadd.remote.s32 $0x1  }
0xbe: {  	_ =	sfence.sel $0xFFFF  }
0xbf: {  	[dreg:$0x0] =	wrdreg $0xFFFFFFFF;
	(pc) =	sbr.abs _section_cstart, $3  }
0xc0: {  	[dreg:$0x1] =	wrdreg $0xFFFFFFFF  }
0xc1: {  	_ =	task.clear_ibuf [dreg:s6], $0x2FFFF;
	_ =	strace $0x9FFFFFFF  }
0xc2: {  	(tm) =	ssettm $0x7FFFFFFF  }
0xc3: {  	_ =	shalt  }
tec
execute0_lowered:
.L_overlay_start_1:
0x0: {  	(tag) =	ssettag $0x1  }
0x1: {  	s0 =	srdreg.scid  }
0x2: {  	s7 =	stileid.u32;
	s3 =	rddreg [dreg:$0x0]  }
0x3: {  	s2 =	rddreg [dreg:$0x1];
	s4 =	simm.s32 $0x0;
	s15 =	simm.s32 $0xF000  }
0x4: {  	s16 =	simm.s32 $0xC;
	s17 =	simm.s32 $0x1;
	s18 =	simm.s32 $0x80  }
0x5: {  	s19 =	simm.s32 $0x5000;
	s20 =	simm.s32 $0x7000;
	s22 =	simm.s32 $0x9000  }
0x6: {  	s28 =	simm.s32 $0x2;
	s29 =	simm.s32 $0x3;
	s30 =	simm.s32 $0x4  }
0x7: {  	s31 =	simm.s32 $0x5;
	s14 =	simm.s32 $0x8;
	s21 =	simm.s32 $0x9  }
0x8: {  	s0 =	sand.u32 $0x1, s0;
	s1 =	sshll.u32 s7, $0x1;
	s5 =	smul.u32 $0xA000, s7  }
0x9: {  	[smem:$0x7FF] =	sst s4;
	s4 =	sadd.s32 $0x67400, s3;
	s7 =	smul.u32 $0x28000, s7  }
0xa: {  	s1 =	sor.u32 s0, s1;
	s6 =	smul.u32 $0xA0000, s0;
	s0 =	ssub.s32 $0x2, s0  }
0xb: {  	_ =	strace $0x8000004A;
	s1 =	smul.u32 $0x2800, s1;
	s8 =	sshrl.u32 s0, $0x1  }
0xc: {  	s23 =	sshrl.u32 s7, $0x2;
	s7 =	sadd.s32 s5, s2;
	s6 =	sadd.s32 s5, s6  }
0xd: {  	s0 =	ssub.s32 s0, s8;
	s25 =	sadd.s32 s23, s2;
	s23 =	simm.s32 $0xA  }
0xe: {  	s1 =	sshrl.u32 s1, $0x3;
	s6 =	sshrl.u32 s6, $0x3;
	s26 =	sadd.s32 $0x2000, s25  }
0xf: {  	s9 =	sadd.s32 $0x4000, s25;
	s10 =	sadd.s32 $0x6000, s25;
	s11 =	sadd.s32 $0x8000, s25  }
0x10: {  	s13 =	smax.u32 s0, $0x1;
	s0 =	simm.s32 $0x7;
	s25 =	simm.s32 $0xB  }
0x11: {  	s1 =	sadd.s32 s1, s3;
	s3 =	sadd.s32 s6, s3;
	[dreg:$0x5] =	wrdreg s26  }
0x12: {  	s26 =	simm.s32 $0xD000;
	s24 =	sadd.s32 $0x3400, s1;
	s1 =	sadd.s32 $0xD400, s1  }
0x13: {  	s12 =	sadd.s32 $0x7B400, s3;
	s3 =	simm.s32 $0x0;
	[dreg:$0x3] =	wrdreg s24  }
0x14: {  	v0 =	vimm.f32 $0.0e+00;
	[dreg:$0x4] =	wrdreg s1;
	s24 =	simm.s32 $0xB000;
	s1 =	simm.s32 $0x6  }
.LBB2_1:
0x15: {  	s5 =	simm.s32 $0x0;
	s6 =	rddreg [dreg:$0x3]  }
0x16: {  	[tilespmem:s5], [sflag:$0x1] =	stream.linear.gather [hbm4b:s6+s5], $0x2800, $0x38;
	[tilespmem:$0x1B000] =	vst v63  }
0x17: {  	s8 =	simm.s32 $0x2800;
	s6 =	rddreg [dreg:$0x4]  }
0x18: {  	[tilespmem:s8], [sflag:$0x1] =	stream.linear.gather [hbm4b:s6+s5], $0x2800, $0x38;
	[tilespmem:$0x1B000] =	vst v63  }
0x19: {  	s6 =	simm.s32 $0x100;
	s5 =	simm.s32 $0x0  }
.LBB2_2:
0x1a: {  	p0 =	sne.s32 s6, $0x7F00;
	[tilespmem:s5+$0xF030] =	vst v0;
	s8 =	smov.u32 s6;
	s6 =	sadd.s32 $0x100, s6  }
.Ltmp0:
0x1b: {  	[tilespmem:s5+$0xF020] =	vst v0;
	(pc) =	sbr.rel @p0 .LBB2_2-.Ltmp0, $3  }
0x1c: {  	[tilespmem:s5+$0xF000] =	vst v0  }
0x1d: {  	[tilespmem:s5+$0xF010] =	vst v0;
	_ =	sdelay $0x1  }
0x1e: {  	s5 =	sshra.s32 s8, $0x2  }
0x1f: {  	[tilespmem:s5+$0xF030] =	vst v0  }
0x20: {  	[tilespmem:s5+$0xF020] =	vst v0  }
0x21: {  	[tilespmem:s5+$0xF000] =	vst v0  }
0x22: {  	[tilespmem:s5+$0xF010] =	vst v0  }
0x23: {  	[spmem:s7] =	stream.linear.scatter [tilespmem:s15], [sflag:$0xC], $0x2000, $0x38;
	[tilespmem:$0x1B000] =	vst v63  }
0x24: {  	_ =	swait.ge [sflag:s16], $0x2000  }
0x25: {  	[sflag:s16] =	ssyncset.done $0x0  }
0x26: {  	s6 =	rddreg [dreg:$0x5];
	[sflag:s16] =	ssyncadd.s32 $0xFFFFE000  }
0x27: {  	[spmem:s6] =	stream.linear.scatter [tilespmem:s15], [sflag:$0xC], $0x2000, $0x38;
	[tilespmem:$0x1B000] =	vst v63  }
0x28: {  	_ =	swait.ge [sflag:s16], $0x2000  }
0x29: {  	[sflag:s16] =	ssyncset.done $0x0  }
0x2a: {  	[sflag:s16] =	ssyncadd.s32 $0xFFFFE000  }
0x2b: {  	[spmem:s9] =	stream.linear.scatter [tilespmem:s15], [sflag:$0xC], $0x2000, $0x38;
	[tilespmem:$0x1B000] =	vst v63  }
0x2c: {  	_ =	swait.ge [sflag:s16], $0x2000  }
0x2d: {  	[sflag:s16] =	ssyncset.done $0x0  }
0x2e: {  	[sflag:s16] =	ssyncadd.s32 $0xFFFFE000  }
0x2f: {  	[spmem:s10] =	stream.linear.scatter [tilespmem:s15], [sflag:$0xC], $0x2000, $0x38;
	[tilespmem:$0x1B000] =	vst v63  }
0x30: {  	_ =	swait.ge [sflag:s16], $0x2000  }
0x31: {  	[sflag:s16] =	ssyncset.done $0x0  }
0x32: {  	[sflag:s16] =	ssyncadd.s32 $0xFFFFE000  }
0x33: {  	[spmem:s11] =	stream.linear.scatter [tilespmem:s15], [sflag:$0xC], $0x2000, $0x38;
	[tilespmem:$0x1B000] =	vst v63  }
0x34: {  	_ =	swait.ge [sflag:s16], $0x2000  }
0x35: {  	[sflag:s16] =	ssyncset.done $0x0  }
0x36: {  	[sflag:s16] =	ssyncadd.s32 $0xFFFFE000  }
0x37: {  	_ =	swait.ge [sflag:s17], $0x2800  }
0x38: {  	[sflag:s17] =	ssyncset.done $0x0  }
0x39: {  	[sflag:s17] =	ssyncadd.s32 $0xFFFFD800  }
0x3a: {  	_ =	swait.ge [sflag:s17], $0x2800  }
0x3b: {  	[sflag:s17] =	ssyncset.done $0x0  }
0x3c: {  	[sflag:s17] =	ssyncadd.s32 $0xFFFFD800  }
0x3d: {  	s8 =	simm.s32 $0x0;
	[bflag:$0x0] =	sbarrier.arrive $0xFFFF  }
0x3e: {  	[tilespmem:s19], [sflag:$0x2] =	stream.indirect.gather [hbm4b:s4+s18], $0x40, s8, s18, $0xb8;
	[tilespmem:$0x1B000] =	vst v63  }
0x3f: {  	_ = 	snop  }
0x40: {  	[tilespmem:s20], [sflag:$0x3] =	stream.indirect.gather [hbm4b:s4+s18], $0x40, s18, s18, $0xb8;
	[tilespmem:$0x1B000] =	vst v63  }
0x41: {  	s6 =	simm.s32 $0x100  }
0x42: {  	[tilespmem:s22], [sflag:$0x4] =	stream.indirect.gather [hbm4b:s4+s18], $0x40, s6, s18, $0xb8;
	[tilespmem:$0x1B000] =	vst v63  }
0x43: {  	s8 =	simm.s32 $0x180  }
0x44: {  	[tilespmem:s24], [sflag:$0x5] =	stream.indirect.gather [hbm4b:s4+s18], $0x40, s8, s18, $0xb8;
	[tilespmem:$0x1B000] =	vst v63  }
0x45: {  	s6 =	simm.s32 $0x200  }
0x46: {  	[tilespmem:s26], [sflag:$0x6] =	stream.indirect.gather [hbm4b:s4+s18], $0x40, s6, s18, $0xb8;
	[tilespmem:$0x1B000] =	vst v63  }
0x47: {  	_ =	swait.ge [sflag:s28], $0x2000  }
0x48: {  	[sflag:s28] =	ssyncset.done $0x0  }
0x49: {  	s8 =	simm.s32 $0x2800;
	[sflag:s28] =	ssyncadd.s32 $0xFFFFE000  }
0x4a: {  	[spmem:s2] =	stream.indirect.scatter.add.f32 [tilespmem:s19], [sflag:$0x7], $0x40, s8, s18, $0xb8;
	[tilespmem:$0x1B000] =	vst v63  }
0x4b: {  	_ =	swait.ge [sflag:s29], $0x2000  }
0x4c: {  	[sflag:s29] =	ssyncset.done $0x0  }
0x4d: {  	s6 =	simm.s32 $0x2880;
	[sflag:s29] =	ssyncadd.s32 $0xFFFFE000  }
0x4e: {  	[spmem:s2] =	stream.indirect.scatter.add.f32 [tilespmem:s20], [sflag:$0x8], $0x40, s6, s18, $0xb8;
	[tilespmem:$0x1B000] =	vst v63  }
0x4f: {  	_ =	swait.ge [sflag:s30], $0x2000  }
0x50: {  	[sflag:s30] =	ssyncset.done $0x0  }
0x51: {  	s8 =	simm.s32 $0x2900;
	[sflag:s30] =	ssyncadd.s32 $0xFFFFE000  }
0x52: {  	[spmem:s2] =	stream.indirect.scatter.add.f32 [tilespmem:s22], [sflag:$0x9], $0x40, s8, s18, $0xb8;
	[tilespmem:$0x1B000] =	vst v63  }
0x53: {  	_ =	swait.ge [sflag:s31], $0x2000  }
0x54: {  	[sflag:s31] =	ssyncset.done $0x0  }
0x55: {  	s6 =	simm.s32 $0x2980;
	[sflag:s31] =	ssyncadd.s32 $0xFFFFE000  }
0x56: {  	[spmem:s2] =	stream.indirect.scatter.add.f32 [tilespmem:s24], [sflag:$0xA], $0x40, s6, s18, $0xb8;
	[tilespmem:$0x1B000] =	vst v63  }
0x57: {  	_ =	swait.ge [sflag:s1], $0x2000  }
0x58: {  	[sflag:s1] =	ssyncset.done $0x0  }
0x59: {  	s8 =	simm.s32 $0x2A00;
	[sflag:s1] =	ssyncadd.s32 $0xFFFFE000  }
0x5a: {  	[spmem:s2] =	stream.indirect.scatter.add.f32 [tilespmem:s26], [sflag:$0xB], $0x40, s8, s18, $0xb8;
	[tilespmem:$0x1B000] =	vst v63  }
0x5b: {  	_ =	swait.ge [sflag:s0], $0x2000  }
0x5c: {  	[sflag:s0] =	ssyncset.done $0x0  }
0x5d: {  	s6 =	simm.s32 $0x280;
	[sflag:s0] =	ssyncadd.s32 $0xFFFFE000  }
0x5e: {  	[tilespmem:s19], [sflag:$0x2] =	stream.indirect.gather [hbm4b:s4+s18], $0x40, s6, s18, $0xb8;
	[tilespmem:$0x1B000] =	vst v63  }
0x5f: {  	_ =	swait.ge [sflag:s14], $0x2000  }
0x60: {  	[sflag:s14] =	ssyncset.done $0x0  }
0x61: {  	s8 =	simm.s32 $0x300;
	[sflag:s14] =	ssyncadd.s32 $0xFFFFE000  }
0x62: {  	[tilespmem:s20], [sflag:$0x3] =	stream.indirect.gather [hbm4b:s4+s18], $0x40, s8, s18, $0xb8;
	[tilespmem:$0x1B000] =	vst v63  }
0x63: {  	_ =	swait.ge [sflag:s21], $0x2000  }
0x64: {  	[sflag:s21] =	ssyncset.done $0x0  }
0x65: {  	s6 =	simm.s32 $0x380;
	[sflag:s21] =	ssyncadd.s32 $0xFFFFE000  }
0x66: {  	[tilespmem:s22], [sflag:$0x4] =	stream.indirect.gather [hbm4b:s4+s18], $0x40, s6, s18, $0xb8;
	[tilespmem:$0x1B000] =	vst v63  }
0x67: {  	_ =	swait.ge [sflag:s23], $0x2000  }
0x68: {  	[sflag:s23] =	ssyncset.done $0x0  }
0x69: {  	s8 =	simm.s32 $0x400;
	[sflag:s23] =	ssyncadd.s32 $0xFFFFE000  }
0x6a: {  	[tilespmem:s24], [sflag:$0x5] =	stream.indirect.gather [hbm4b:s4+s18], $0x40, s8, s18, $0xb8;
	[tilespmem:$0x1B000] =	vst v63  }
0x6b: {  	_ =	swait.ge [sflag:s25], $0x2000  }
0x6c: {  	[sflag:s25] =	ssyncset.done $0x0  }
0x6d: {  	s5 =	simm.s32 $0xA00;
	s6 =	simm.s32 $0x480;
	[sflag:s25] =	ssyncadd.s32 $0xFFFFE000  }
.LBB2_4:
0x6e: {  	[tilespmem:s26], [sflag:$0x6] =	stream.indirect.gather [hbm4b:s4+s18], $0x40, s6, s18, $0xb8;
	[tilespmem:$0x1B000] =	vst v63  }
0x6f: {  	s6 =	smov.u32 s5  }
0x70: {  	p0 =	sne.s32 s5, $0x8C00;
	s5 =	sadd.s32 $0xA00, s5;
	_ =	swait.ge [sflag:s28], $0x2000  }
0x71: {  	s6 =	sshra.s32 s6, $0x2;
	[sflag:s28] =	ssyncset.done $0x0  }
0x72: {  	s8 =	sadd.s32 $0x2800, s6;
	[sflag:s28] =	ssyncadd.s32 $0xFFFFE000  }
0x73: {  	[spmem:s2] =	stream.indirect.scatter.add.f32 [tilespmem:s19], [sflag:$0x7], $0x40, s8, s18, $0xb8;
	[tilespmem:$0x1B000] =	vst v63  }
0x74: {  	_ =	swait.ge [sflag:s29], $0x2000  }
0x75: {  	[sflag:s29] =	ssyncset.done $0x0  }
0x76: {  	s8 =	sadd.s32 $0x2880, s6;
	[sflag:s29] =	ssyncadd.s32 $0xFFFFE000  }
0x77: {  	[spmem:s2] =	stream.indirect.scatter.add.f32 [tilespmem:s20], [sflag:$0x8], $0x40, s8, s18, $0xb8;
	[tilespmem:$0x1B000] =	vst v63  }
0x78: {  	_ =	swait.ge [sflag:s30], $0x2000  }
0x79: {  	[sflag:s30] =	ssyncset.done $0x0  }
0x7a: {  	s8 =	sadd.s32 $0x2900, s6;
	[sflag:s30] =	ssyncadd.s32 $0xFFFFE000  }
0x7b: {  	[spmem:s2] =	stream.indirect.scatter.add.f32 [tilespmem:s22], [sflag:$0x9], $0x40, s8, s18, $0xb8;
	[tilespmem:$0x1B000] =	vst v63  }
0x7c: {  	_ =	swait.ge [sflag:s31], $0x2000  }
0x7d: {  	[sflag:s31] =	ssyncset.done $0x0  }
0x7e: {  	s8 =	sadd.s32 $0x2980, s6;
	[sflag:s31] =	ssyncadd.s32 $0xFFFFE000  }
0x7f: {  	[spmem:s2] =	stream.indirect.scatter.add.f32 [tilespmem:s24], [sflag:$0xA], $0x40, s8, s18, $0xb8;
	[tilespmem:$0x1B000] =	vst v63  }
0x80: {  	_ =	swait.ge [sflag:s1], $0x2000  }
0x81: {  	[sflag:s1] =	ssyncset.done $0x0  }
0x82: {  	s8 =	sadd.s32 $0x2A00, s6;
	[sflag:s1] =	ssyncadd.s32 $0xFFFFE000  }
0x83: {  	[spmem:s2] =	stream.indirect.scatter.add.f32 [tilespmem:s26], [sflag:$0xB], $0x40, s8, s18, $0xb8;
	[tilespmem:$0x1B000] =	vst v63  }
0x84: {  	_ =	swait.ge [sflag:s0], $0x2000  }
0x85: {  	[sflag:s0] =	ssyncset.done $0x0  }
0x86: {  	s8 =	sadd.s32 $0x280, s6;
	[sflag:s0] =	ssyncadd.s32 $0xFFFFE000  }
0x87: {  	[tilespmem:s19], [sflag:$0x2] =	stream.indirect.gather [hbm4b:s4+s18], $0x40, s8, s18, $0xb8;
	[tilespmem:$0x1B000] =	vst v63  }
0x88: {  	_ =	swait.ge [sflag:s14], $0x2000  }
0x89: {  	[sflag:s14] =	ssyncset.done $0x0  }
0x8a: {  	s8 =	sadd.s32 $0x300, s6;
	[sflag:s14] =	ssyncadd.s32 $0xFFFFE000  }
0x8b: {  	[tilespmem:s20], [sflag:$0x3] =	stream.indirect.gather [hbm4b:s4+s18], $0x40, s8, s18, $0xb8;
	[tilespmem:$0x1B000] =	vst v63  }
0x8c: {  	_ =	swait.ge [sflag:s21], $0x2000  }
0x8d: {  	[sflag:s21] =	ssyncset.done $0x0  }
0x8e: {  	s8 =	sadd.s32 $0x380, s6;
	[sflag:s21] =	ssyncadd.s32 $0xFFFFE000  }
0x8f: {  	[tilespmem:s22], [sflag:$0x4] =	stream.indirect.gather [hbm4b:s4+s18], $0x40, s8, s18, $0xb8;
	[tilespmem:$0x1B000] =	vst v63  }
0x90: {  	_ =	swait.ge [sflag:s23], $0x2000  }
0x91: {  	[sflag:s23] =	ssyncset.done $0x0  }
.Ltmp1:
0x92: {  	s8 =	sadd.s32 $0x400, s6;
	[sflag:s23] =	ssyncadd.s32 $0xFFFFE000;
	(pc) =	sbr.rel @p0 .LBB2_4-.Ltmp1, $4  }
0x93: {  	[tilespmem:s24], [sflag:$0x5] =	stream.indirect.gather [hbm4b:s4+s18], $0x40, s8, s18, $0xb8;
	[tilespmem:$0x1B000] =	vst v63  }
0x94: {  	_ =	swait.ge [sflag:s25], $0x2000  }
0x95: {  	[sflag:s25] =	ssyncset.done $0x0  }
0x96: {  	s6 =	sadd.s32 $0x480, s6;
	[sflag:s25] =	ssyncadd.s32 $0xFFFFE000  }
0x97: {  	[tilespmem:s26], [sflag:$0x6] =	stream.indirect.gather [hbm4b:s4+s18], $0x40, s6, s18, $0xb8;
	[tilespmem:$0x1B000] =	vst v63  }
0x98: {  	_ =	swait.ge [sflag:s28], $0x2000  }
0x99: {  	[sflag:s28] =	ssyncset.done $0x0  }
0x9a: {  	s5 =	simm.s32 $0x4D80;
	[sflag:s28] =	ssyncadd.s32 $0xFFFFE000  }
0x9b: {  	[spmem:s2] =	stream.indirect.scatter.add.f32 [tilespmem:s19], [sflag:$0x7], $0x40, s5, s18, $0xb8;
	[tilespmem:$0x1B000] =	vst v63  }
0x9c: {  	_ =	swait.ge [sflag:s29], $0x2000  }
0x9d: {  	[sflag:s29] =	ssyncset.done $0x0  }
0x9e: {  	s6 =	simm.s32 $0x4E00;
	[sflag:s29] =	ssyncadd.s32 $0xFFFFE000  }
0x9f: {  	[spmem:s2] =	stream.indirect.scatter.add.f32 [tilespmem:s20], [sflag:$0x8], $0x40, s6, s18, $0xb8;
	[tilespmem:$0x1B000] =	vst v63  }
0xa0: {  	_ =	swait.ge [sflag:s30], $0x2000  }
0xa1: {  	[sflag:s30] =	ssyncset.done $0x0  }
0xa2: {  	s8 =	simm.s32 $0x4E80;
	[sflag:s30] =	ssyncadd.s32 $0xFFFFE000  }
0xa3: {  	[spmem:s2] =	stream.indirect.scatter.add.f32 [tilespmem:s22], [sflag:$0x9], $0x40, s8, s18, $0xb8;
	[tilespmem:$0x1B000] =	vst v63  }
0xa4: {  	_ =	swait.ge [sflag:s31], $0x2000  }
0xa5: {  	[sflag:s31] =	ssyncset.done $0x0  }
0xa6: {  	s6 =	simm.s32 $0x4F00;
	[sflag:s31] =	ssyncadd.s32 $0xFFFFE000  }
0xa7: {  	[spmem:s2] =	stream.indirect.scatter.add.f32 [tilespmem:s24], [sflag:$0xA], $0x40, s6, s18, $0xb8;
	[tilespmem:$0x1B000] =	vst v63  }
0xa8: {  	_ =	swait.ge [sflag:s1], $0x2000  }
0xa9: {  	[sflag:s1] =	ssyncset.done $0x0  }
0xaa: {  	s8 =	simm.s32 $0x4F80;
	[sflag:s1] =	ssyncadd.s32 $0xFFFFE000  }
0xab: {  	[spmem:s2] =	stream.indirect.scatter.add.f32 [tilespmem:s26], [sflag:$0xB], $0x40, s8, s18, $0xb8;
	[tilespmem:$0x1B000] =	vst v63  }
0xac: {  	_ =	swait.ge [sflag:s0], $0x2000  }
0xad: {  	[sflag:s0] =	ssyncset.done $0x0  }
0xae: {  	[sflag:s0] =	ssyncadd.s32 $0xFFFFE000  }
0xaf: {  	_ =	swait.ge [sflag:s14], $0x2000  }
0xb0: {  	[sflag:s14] =	ssyncset.done $0x0  }
0xb1: {  	[sflag:s14] =	ssyncadd.s32 $0xFFFFE000  }
0xb2: {  	_ =	swait.ge [sflag:s21], $0x2000  }
0xb3: {  	[sflag:s21] =	ssyncset.done $0x0  }
0xb4: {  	[sflag:s21] =	ssyncadd.s32 $0xFFFFE000  }
0xb5: {  	_ =	swait.ge [sflag:s23], $0x2000  }
0xb6: {  	[sflag:s23] =	ssyncset.done $0x0  }
0xb7: {  	[sflag:s23] =	ssyncadd.s32 $0xFFFFE000  }
0xb8: {  	s6 =	stileid.u32;
	_ =	swait.ge [sflag:s25], $0x2000  }
0xb9: {  	s3 =	sadd.s32 $0x1, s3;
	s5 =	sshll.u32 s6, $0x6;
	[sflag:s25] =	ssyncset.done $0x0  }
0xba: {  	p0 =	sne.s32 s3, s13;
	s5 =	sor.u32 $0x1C0C, s5;
	[sflag:s25] =	ssyncadd.s32 $0xFFFFE000  }
.Ltmp2:
0xbb: {  	s8 =	sshrl.u32 s7, $0x3;
	[bflag:$0x0] =	sbarrier.arrive $0xFFFF;
	(pc) =	sbr.rel @p0 .LBB2_1-.Ltmp2, $4  }
0xbc: {  	[hbm:s12], [sflag:s5] =	dma.local [spmem:s8], $0x1400  }
0xbd: {  	_ =	swait.ge [sflag:s16], $0x1400  }
0xbe: {  	[sflag:s16] =	ssyncset.done $0x0  }
0xbf: {  	[sflag:s16] =	ssyncadd.s32 $0xFFFFEC00  }
0xc0: {  	_ =	sfence.sel $0x180000  }
0xc1: {  	[bflag:$0x0] =	sbarrier.arrive $0xFFFF  }
0xc2: {  	_ =	strace $0x9000004A  }
0xc3: {  	s0 =	stileid.u32;
	[bflag:$0x2] =	sbarrier.arrive $0xFFFF  }
0xc4: {  	p0 =	sne.s32 s0, $0x0;
	s0 =	rddreg [dreg:$0x2]  }
0xc5: {  	s0 =	sadd.s32 @!p0 $0x100000, s0  }
0xc6: {  	[sflag:s0] =	ssyncadd.tile.s32 @!p0 $0x1;
	_ =	shalt  }
.Lfunc_end2:
_tile_overlayer_lowered:
.L_overlay_start_2:
0xc7: {  	(tag) =	ssettag $0x2  }
0xc8: {  	s0 =	rddreg [dreg:$0x0];
	s2 =	stileid.u32  }
0xc9: {  	s1 =	rddreg [dreg:$0x1];
	p0 =	sne.s32 s2, $0x0  }
0xca: {  	s3 =	rddreg [dreg:$0x2];
	[bflag:$0x3] =	sbarrier.arrive $0xFFFF;
	s2 =	simm.s32 @!p0 $0x1C0C  }
0xcb: {  	[timem:s3], [sflag:s2] =	dma.local @!p0 [hbm:s0], s1  }
0xcc: {  	s0 =	simm.s32 @!p0 $0xC  }
0xcd: {  	_ =	swait.ge @!p0 [sflag:s0], s1  }
0xce: {  	s1 =	ssub.s32 @!p0 $0x0, s1;
	[sflag:s0] =	ssyncset.done @!p0 $0x0  }
0xcf: {  	[sflag:s0] =	ssyncadd.s32 @!p0 s1  }
0xd0: {  	[bflag:$0x3] =	sbarrier.arrive $0xFFFF  }
0xd1: {  	_ =	shalt  }

// kernel: kernel.15.cloned.1.call-start
scs
__scs_entry_jumppad:
0x0: {  	(pc) =	sbr.rel $0x88, $3  }
0x1: {  	(tag) =	ssettag $0x0;
	lr =	simm.s32 $0x1  }
0x2: {  	[smem:$0x3F99] =	sst lr;
	_ =	strace $0xD0000000  }
0x3: {  	_ = 	snop  }
0x4: {  	_ = 	snop  }
0x5: {  	_ = 	snop  }
0x6: {  	_ = 	snop  }
0x7: {  	_ = 	snop  }
__scs_overlays_trampoline_lowered:
0x8: {  	[smem:$0x3FA8] =	sst s0  }
0x9: {  	[smem:$0x3FA9] =	sst s1  }
0xa: {  	[smem:$0x3FAA] =	sst s2  }
0xb: {  	[smem:$0x3FAB] =	sst s3  }
0xc: {  	[smem:$0x3FAC] =	sst s4  }
0xd: {  	[smem:$0x3FAD] =	sst s5  }
0xe: {  	[smem:$0x3FAE] =	sst s6  }
0xf: {  	[smem:$0x3FAF] =	sst s7  }
0x10: {  	[smem:$0x3FB0] =	sst s8  }
0x11: {  	[smem:$0x3FB1] =	sst s9;
	s0 =	simm.s32 @!p0 $0x0  }
0x12: {  	s1 =	sld [smem:$0x3F97];
	s0 =	simm.s32 @p0 $0x1  }
0x13: {  	[smem:$0x3FB2] =	sst s0;
	s0 =	simm.s32 @!p1 $0x0  }
0x14: {  	s2 =	sld [smem:$0x3F96];
	s0 =	simm.s32 @p1 $0x1  }
0x15: {  	[smem:$0x3FB3] =	sst s0;
	s0 =	simm.s32 @!p2 $0x0  }
0x16: {  	s3 =	sld [smem:$0x3FDB];
	s0 =	simm.s32 @p2 $0x1  }
0x17: {  	s4 =	simm.s32 $0x1BF5;
	[smem:$0x3FB5] =	sst s0  }
0x18: {  	s0 =	sld [smem:$0x3F98];
	_ =	swait.ge [sflag:s4], $0x0  }
0x19: {  	s7 =	sld [smem:$0x3F99]  }
0x1a: {  	s8 =	sadd.s32 $0xFFFFE003, lr  }
0x1b: {  	s9 =	sadd.s32 $0xFFFFFEF7, lr;
	s5 =	simm.s32 $0xFFFFFFFF;
	p2 =	slt.u32 s8, $0xFFFFF086  }
0x1c: {  	p1 =	slt.u32 s9, $0xF7A;
	s5 =	simm.s32 @!p2 $0x0  }
0x1d: {  	s5 =	simm.s32 @p1 $0x1;
	p0 =	seq.s32 s7, s2  }
0x1e: {  	s7 =	smul.u32 @!p0 $0xF7A, s2;
	p2 =	seq.s32 @!p0 s5, $0x0  }
0x1f: {  	s9 =	smul.u32 $0xF7A, s1;
	s8 =	simm.s32 @!p0 $0x1BF5;
	p2 =	por !p2, p0  }
0x20: {  	[sflag:s8] =	ssyncset.s32 @!p0 $0xFFFFF086;
	s6 =	sadd.s32 @!p0 s3, s7;
	s7 =	simm.s32 @!p0 $0x108  }
0x21: {  	s3 =	sadd.s32 s3, s9;
	s6 =	sadd.s32 @!p0 $0x88, s6;
	s7 =	simm.s32 @p2 $0x1082  }
0x22: {  	[simem:s7], [sflag:s8] =	dma.local @!p0 [hbm:s6], $0xF7A  }
0x23: {  	s9 =	sor.u32 $0xD0000000, s2;
	s6 =	simm.s32 $0x108;
	_ =	swait.ge @!p0 [sflag:s8], $0x0  }
0x24: {  	s3 =	sadd.s32 $0x88, s3;
	s6 =	simm.s32 @!p1 $0x1082;
	[sflag:s4] =	ssyncset.s32 $0xFFFFF086  }
0x25: {  	[simem:s6], [sflag:s4] =	dma.local [hbm:s3], $0xF7A  }
0x26: {  	[smem:$0x3F99] =	sst s1;
	(tag) =	ssettag s2;
	_ =	strace s9  }
0x27: {  	s1 =	sld [smem:$0x3FA9]  }
0x28: {  	s2 =	sld [smem:$0x3FAA]  }
0x29: {  	s4 =	sld [smem:$0x3FAC]  }
0x2a: {  	p0 =	seq.s32 s5, $0x0;
	s5 =	sld [smem:$0x3FAD]  }
0x2b: {  	s6 =	sld [smem:$0x3FAE]  }
0x2c: {  	s7 =	sld [smem:$0x3FAF]  }
0x2d: {  	s3 =	simm.s32 $0x108;
	s8 =	sld [smem:$0x3FB0]  }
0x2e: {  	s3 =	simm.s32 @!p0 $0x1082;
	s9 =	sld [smem:$0x3FB1]  }
0x2f: {  	lr =	sadd.s32 s0, s3;
	s0 =	sld [smem:$0x3FA8]  }
0x30: {  	s3 =	sld [smem:$0x3FAB]  }
0x31: {  	[smem:$0x3FB4] =	sst s10  }
0x32: {  	s10 =	sld [smem:$0x3FB2];
	_ =	sdelay $0x3  }
0x33: {  	p0 =	seq.s32 s10, $0x1;
	s10 =	sld [smem:$0x3FB4];
	_ =	sdelay $0x3  }
0x34: {  	[smem:$0x3FB4] =	sst s10  }
0x35: {  	s10 =	sld [smem:$0x3FB3];
	_ =	sdelay $0x3  }
0x36: {  	p1 =	seq.s32 s10, $0x1;
	s10 =	sld [smem:$0x3FB4];
	_ =	sdelay $0x3  }
0x37: {  	[smem:$0x3FB4] =	sst s10  }
0x38: {  	s10 =	sld [smem:$0x3FB5]  }
0x39: {  	_ = 	snop;
	(pc) =	sbr.ind lr, $3  }
0x3a: {  	_ = 	snop  }
0x3b: {  	_ = 	snop  }
0x3c: {  	p2 =	seq.s32 s10, $0x1;
	s10 =	sld [smem:$0x3FB4]  }
0x3d: {  	_ =	shalt  }
0x3e: {  	_ =	shalt  }
0x3f: {  	_ =	shalt  }
0x40: {  	_ =	shalt  }
0x41: {  	_ =	shalt  }
0x42: {  	_ =	shalt  }
0x43: {  	_ =	shalt  }
0x44: {  	_ =	shalt  }
0x45: {  	_ =	shalt  }
0x46: {  	_ =	shalt  }
0x47: {  	_ =	shalt  }
0x48: {  	_ =	shalt  }
0x49: {  	_ =	shalt  }
0x4a: {  	_ =	shalt  }
0x4b: {  	_ =	shalt  }
0x4c: {  	_ =	shalt  }
0x4d: {  	_ =	shalt  }
0x4e: {  	_ =	shalt  }
0x4f: {  	_ =	shalt  }
0x50: {  	_ =	shalt  }
0x51: {  	_ =	shalt  }
0x52: {  	_ =	shalt  }
0x53: {  	_ =	shalt  }
0x54: {  	_ =	shalt  }
0x55: {  	_ =	shalt  }
0x56: {  	_ =	shalt  }
0x57: {  	_ =	shalt  }
0x58: {  	_ =	shalt  }
0x59: {  	_ =	shalt  }
0x5a: {  	_ =	shalt  }
0x5b: {  	_ =	shalt  }
0x5c: {  	_ =	shalt  }
0x5d: {  	_ =	shalt  }
0x5e: {  	_ =	shalt  }
0x5f: {  	_ =	shalt  }
0x60: {  	_ =	shalt  }
0x61: {  	_ =	shalt  }
0x62: {  	_ =	shalt  }
0x63: {  	_ =	shalt  }
0x64: {  	_ =	shalt  }
0x65: {  	_ =	shalt  }
0x66: {  	_ =	shalt  }
0x67: {  	_ =	shalt  }
0x68: {  	_ =	shalt  }
0x69: {  	_ =	shalt  }
0x6a: {  	_ =	shalt  }
0x6b: {  	_ =	shalt  }
0x6c: {  	_ =	shalt  }
0x6d: {  	_ =	shalt  }
0x6e: {  	_ =	shalt  }
0x6f: {  	_ =	shalt  }
0x70: {  	_ =	shalt  }
0x71: {  	_ =	shalt  }
0x72: {  	_ =	shalt  }
0x73: {  	_ =	shalt  }
0x74: {  	_ =	shalt  }
0x75: {  	_ =	shalt  }
0x76: {  	_ =	shalt  }
0x77: {  	_ =	shalt  }
0x78: {  	_ =	shalt  }
0x79: {  	_ =	shalt  }
0x7a: {  	_ =	shalt  }
0x7b: {  	_ =	shalt  }
0x7c: {  	_ =	shalt  }
0x7d: {  	_ =	shalt  }
0x7e: {  	_ =	shalt  }
0x7f: {  	_ =	shalt  }
0x80: {  	_ =	shalt  }
0x81: {  	_ =	shalt  }
0x82: {  	_ =	shalt  }
0x83: {  	_ =	shalt  }
0x84: {  	_ =	shalt  }
0x85: {  	_ =	shalt  }
0x86: {  	_ =	shalt  }
0x87: {  	_ =	shalt  }
.Lfunc_end0:
.L_simem_size_0:
called_computation.2_lowered:
.L_overlay_start_0:
0x88: {  	s2 =	sld [smem:$0x3FD9]  }
0x89: {  	s3 =	sld [smem:$0x3FFE];
	_ =	sdelay $0x1  }
0x8a: {  	s1 =	srdreg.scid  }
0x8b: {  	s0 =	sand.u32 $0x1, s1  }
0x8c: {  	s16 =	sshll.u32 s0, $0xA;
	s2 =	sadd.s32 s3, s2  }
0x8d: {  	s2 =	sadd.s32 s2, s16  }
0x8e: {  	[smem:$0x3FC0] =	sst s2  }
0x8f: {  	_ = 	snop  }
0x90: {  	(tm) =	ssettm $0x1  }
0x91: {  	s17 =	sld [smem:$0x3FFB];
	_ =	sdelay $0x3  }
0x92: {  	_ =	strace s17  }
0x93: {  	s2 =	sld [smem:$0x3FFC];
	_ =	sdelay $0x3  }
0x94: {  	_ =	strace s2  }
0x95: {  	s2 =	sld [smem:$0x3FFD];
	_ =	sdelay $0x3  }
0x96: {  	_ =	strace s2  }
0x97: {  	_ =	strace $0x8FFFFFFF  }
0x98: {  	s18 =	sld [smem:$0x3FDB];
	_ =	sdelay $0x1  }
0x99: {  	s19 =	simm.s32 $_scs_section_size  }
0x9a: {  	s4 =	simm.s32 $_size__tile_overlayer_lowered;
	s5 =	simm.s32 $_tile_overlayer_lowered  }
0x9b: {  	s22 =	simm.s32 $0x1BFF;
	s21 =	sshll.u32 s5, $0x1;
	s2 =	sadd.s32 s19, s18  }
0x9c: {  	s6 =	simm.s32 $0x0;
	s20 =	sshll.u32 s4, $0x1;
	s4 =	sadd.s32 s21, s2  }
0x9d: {  	[timem:s6], [sflag:s22] =	dma.local [hbm:s4], s20  }
0x9e: {  	_ =	swait.ge [sflag:s22], s20  }
0x9f: {  	s3 =	ssub.s32 $0x0, s20;
	[sflag:s22] =	ssyncset.done $0x0  }
0xa0: {  	[sflag:s22] =	ssyncadd.s32 s3;
	_ =	sdelay $0x1  }
0xa1: {  	s23 =	simm.s32 $0x1B8B  }
0xa2: {  	_ =	swait.ge [sflag:s23], $0x1  }
0xa3: {  	[sflag:s23] =	ssyncset.done $0x0  }
0xa4: {  	s25 =	simm.s32 $0x1B8E;
	s24 =	sld [smem:$0x3FFE];
	[sflag:s23] =	ssyncadd.s32 $0xFFFFFFFF  }
0xa5: {  	s26 =	simm.s32 $execute0_lowered;
	[smem:$0x3FD2] =	sst s25  }
0xa6: {  	s4 =	sshll.u32 s26, $0x1;
	_ =	strace $0x8000004C;
	[dreg:$0x1] =	wrdreg $0xFFFFFFFF  }
0xa7: {  	s28 =	simm.s32 $_size_execute0_lowered;
	s2 =	sadd.s32 s2, s4;
	[dreg:$0x0] =	wrdreg $0x0  }
0xa8: {  	s4 =	sshll.u32 s28, $0x1;
	[dreg:$0x2] =	wrdreg s2  }
0xa9: {  	[dreg:$0x3] =	wrdreg s4  }
0xaa: {  	[dreg:$0x4] =	wrdreg $0xC0  }
0xab: {  	_ =	task [dreg:s6], $0x5FFFF  }
0xac: {  	[dreg:$0x1] =	wrdreg $0xFFFFFFFF  }
0xad: {  	[dreg:$0x0] =	wrdreg $0x60  }
0xae: {  	[dreg:$0x2] =	wrdreg s24  }
0xaf: {  	[dreg:$0x3] =	wrdreg $0x110000  }
0xb0: {  	[dreg:$0x4] =	wrdreg $0x9  }
0xb1: {  	_ =	task.clear_ibuf [dreg:s6], $0x5FFFF;
	_ =	strace $0x9000004C  }
0xb2: {  	s29 =	simm.s32 $0x9;
	_ =	strace $0x8000004E  }
0xb3: {  	_ =	swait.ge [sflag:s29], $0x1  }
0xb4: {  	[sflag:s29] =	ssyncadd.s32 $0xFFFFFFFF  }
0xb5: {  	_ =	strace $0x9000004E  }
0xb6: {  	_ =	sfence  }
0xb7: {  	s30 =	sld [smem:$0x0];
	_ =	sdelay $0x2  }
0xb8: {  	s31 =	sshll.u32 s1, $0xD;
	s1 =	sshrl.u32 s1, $0x2  }
0xb9: {  	s3 =	sand.u32 $0x4000, s31;
	s1 =	sadd.s32 s1, s30  }
0xba: {  	s0 =	sor.u32 s3, s0;
	s1 =	sshll.u32 s1, $0x11  }
0xbb: {  	s0 =	sor.u32 s1, s0  }
0xbc: {  	s0 =	sadd.s32 $0x8F2B, s0  }
0xbd: {  	[sflag:s0] =	ssyncadd.remote.s32 $0x1  }
0xbe: {  	_ =	sfence.sel $0xFFFF  }
0xbf: {  	[dreg:$0x0] =	wrdreg $0xFFFFFFFF;
	(pc) =	sbr.abs _section_cstart, $3  }
0xc0: {  	[dreg:$0x1] =	wrdreg $0xFFFFFFFF  }
0xc1: {  	_ =	task.clear_ibuf [dreg:s6], $0x2FFFF;
	_ =	strace $0x9FFFFFFF  }
0xc2: {  	(tm) =	ssettm $0x7FFFFFFF  }
0xc3: {  	_ =	shalt  }
tec
execute0_lowered:
.L_overlay_start_1:
0x0: {  	(tag) =	ssettag $0x1  }
0x1: {  	s0 =	srdreg.scid  }
0x2: {  	s7 =	stileid.u32;
	s3 =	rddreg [dreg:$0x0]  }
0x3: {  	s2 =	rddreg [dreg:$0x1];
	s4 =	simm.s32 $0x0;
	s15 =	simm.s32 $0xF000  }
0x4: {  	s16 =	simm.s32 $0xC;
	s17 =	simm.s32 $0x1;
	s18 =	simm.s32 $0x80  }
0x5: {  	s19 =	simm.s32 $0x5000;
	s20 =	simm.s32 $0x7000;
	s22 =	simm.s32 $0x9000  }
0x6: {  	s28 =	simm.s32 $0x2;
	s29 =	simm.s32 $0x3;
	s30 =	simm.s32 $0x4  }
0x7: {  	s31 =	simm.s32 $0x5;
	s14 =	simm.s32 $0x8;
	s21 =	simm.s32 $0x9  }
0x8: {  	s0 =	sand.u32 $0x1, s0;
	s1 =	sshll.u32 s7, $0x1;
	s5 =	smul.u32 $0xA000, s7  }
0x9: {  	[smem:$0x7FF] =	sst s4;
	s4 =	sadd.s32 $0x67400, s3;
	s7 =	smul.u32 $0x28000, s7  }
0xa: {  	s1 =	sor.u32 s0, s1;
	s6 =	smul.u32 $0xA0000, s0;
	s0 =	ssub.s32 $0x2, s0  }
0xb: {  	_ =	strace $0x8000004D;
	s1 =	smul.u32 $0x2800, s1;
	s8 =	sshrl.u32 s0, $0x1  }
0xc: {  	s23 =	sshrl.u32 s7, $0x2;
	s7 =	sadd.s32 s5, s2;
	s6 =	sadd.s32 s5, s6  }
0xd: {  	s0 =	ssub.s32 s0, s8;
	s25 =	sadd.s32 s23, s2;
	s23 =	simm.s32 $0xA  }
0xe: {  	s1 =	sshrl.u32 s1, $0x3;
	s6 =	sshrl.u32 s6, $0x3;
	s26 =	sadd.s32 $0x2000, s25  }
0xf: {  	s9 =	sadd.s32 $0x4000, s25;
	s10 =	sadd.s32 $0x6000, s25;
	s11 =	sadd.s32 $0x8000, s25  }
0x10: {  	s13 =	smax.u32 s0, $0x1;
	s0 =	simm.s32 $0x7;
	s25 =	simm.s32 $0xB  }
0x11: {  	s1 =	sadd.s32 s1, s3;
	s3 =	sadd.s32 s6, s3;
	[dreg:$0x5] =	wrdreg s26  }
0x12: {  	s26 =	simm.s32 $0xD000;
	s24 =	sadd.s32 $0x3400, s1;
	s1 =	sadd.s32 $0xD400, s1  }
0x13: {  	s12 =	sadd.s32 $0x7B400, s3;
	s3 =	simm.s32 $0x0;
	[dreg:$0x3] =	wrdreg s24  }
0x14: {  	v0 =	vimm.f32 $0.0e+00;
	[dreg:$0x4] =	wrdreg s1;
	s24 =	simm.s32 $0xB000;
	s1 =	simm.s32 $0x6  }
.LBB2_1:
0x15: {  	s5 =	simm.s32 $0x0;
	s6 =	rddreg [dreg:$0x3]  }
0x16: {  	[tilespmem:s5], [sflag:$0x1] =	stream.linear.gather [hbm4b:s6+s5], $0x2800, $0x38;
	[tilespmem:$0x1B000] =	vst v63  }
0x17: {  	s8 =	simm.s32 $0x2800;
	s6 =	rddreg [dreg:$0x4]  }
0x18: {  	[tilespmem:s8], [sflag:$0x1] =	stream.linear.gather [hbm4b:s6+s5], $0x2800, $0x38;
	[tilespmem:$0x1B000] =	vst v63  }
0x19: {  	s6 =	simm.s32 $0x100;
	s5 =	simm.s32 $0x0  }
.LBB2_2:
0x1a: {  	p0 =	sne.s32 s6, $0x7F00;
	[tilespmem:s5+$0xF030] =	vst v0;
	s8 =	smov.u32 s6;
	s6 =	sadd.s32 $0x100, s6  }
.Ltmp0:
0x1b: {  	[tilespmem:s5+$0xF020] =	vst v0;
	(pc) =	sbr.rel @p0 .LBB2_2-.Ltmp0, $3  }
0x1c: {  	[tilespmem:s5+$0xF000] =	vst v0  }
0x1d: {  	[tilespmem:s5+$0xF010] =	vst v0;
	_ =	sdelay $0x1  }
0x1e: {  	s5 =	sshra.s32 s8, $0x2  }
0x1f: {  	[tilespmem:s5+$0xF030] =	vst v0  }
0x20: {  	[tilespmem:s5+$0xF020] =	vst v0  }
0x21: {  	[tilespmem:s5+$0xF000] =	vst v0  }
0x22: {  	[tilespmem:s5+$0xF010] =	vst v0  }
0x23: {  	[spmem:s7] =	stream.linear.scatter [tilespmem:s15], [sflag:$0xC], $0x2000, $0x38;
	[tilespmem:$0x1B000] =	vst v63  }
0x24: {  	_ =	swait.ge [sflag:s16], $0x2000  }
0x25: {  	[sflag:s16] =	ssyncset.done $0x0  }
0x26: {  	s6 =	rddreg [dreg:$0x5];
	[sflag:s16] =	ssyncadd.s32 $0xFFFFE000  }
0x27: {  	[spmem:s6] =	stream.linear.scatter [tilespmem:s15], [sflag:$0xC], $0x2000, $0x38;
	[tilespmem:$0x1B000] =	vst v63  }
0x28: {  	_ =	swait.ge [sflag:s16], $0x2000  }
0x29: {  	[sflag:s16] =	ssyncset.done $0x0  }
0x2a: {  	[sflag:s16] =	ssyncadd.s32 $0xFFFFE000  }
0x2b: {  	[spmem:s9] =	stream.linear.scatter [tilespmem:s15], [sflag:$0xC], $0x2000, $0x38;
	[tilespmem:$0x1B000] =	vst v63  }
0x2c: {  	_ =	swait.ge [sflag:s16], $0x2000  }
0x2d: {  	[sflag:s16] =	ssyncset.done $0x0  }
0x2e: {  	[sflag:s16] =	ssyncadd.s32 $0xFFFFE000  }
0x2f: {  	[spmem:s10] =	stream.linear.scatter [tilespmem:s15], [sflag:$0xC], $0x2000, $0x38;
	[tilespmem:$0x1B000] =	vst v63  }
0x30: {  	_ =	swait.ge [sflag:s16], $0x2000  }
0x31: {  	[sflag:s16] =	ssyncset.done $0x0  }
0x32: {  	[sflag:s16] =	ssyncadd.s32 $0xFFFFE000  }
0x33: {  	[spmem:s11] =	stream.linear.scatter [tilespmem:s15], [sflag:$0xC], $0x2000, $0x38;
	[tilespmem:$0x1B000] =	vst v63  }
0x34: {  	_ =	swait.ge [sflag:s16], $0x2000  }
0x35: {  	[sflag:s16] =	ssyncset.done $0x0  }
0x36: {  	[sflag:s16] =	ssyncadd.s32 $0xFFFFE000  }
0x37: {  	_ =	swait.ge [sflag:s17], $0x2800  }
0x38: {  	[sflag:s17] =	ssyncset.done $0x0  }
0x39: {  	[sflag:s17] =	ssyncadd.s32 $0xFFFFD800  }
0x3a: {  	_ =	swait.ge [sflag:s17], $0x2800  }
0x3b: {  	[sflag:s17] =	ssyncset.done $0x0  }
0x3c: {  	[sflag:s17] =	ssyncadd.s32 $0xFFFFD800  }
0x3d: {  	s8 =	simm.s32 $0x0;
	[bflag:$0x0] =	sbarrier.arrive $0xFFFF  }
0x3e: {  	[tilespmem:s19], [sflag:$0x2] =	stream.indirect.gather [hbm4b:s4+s18], $0x40, s8, s18, $0xb8;
	[tilespmem:$0x1B000] =	vst v63  }
0x3f: {  	_ = 	snop  }
0x40: {  	[tilespmem:s20], [sflag:$0x3] =	stream.indirect.gather [hbm4b:s4+s18], $0x40, s18, s18, $0xb8;
	[tilespmem:$0x1B000] =	vst v63  }
0x41: {  	s6 =	simm.s32 $0x100  }
0x42: {  	[tilespmem:s22], [sflag:$0x4] =	stream.indirect.gather [hbm4b:s4+s18], $0x40, s6, s18, $0xb8;
	[tilespmem:$0x1B000] =	vst v63  }
0x43: {  	s8 =	simm.s32 $0x180  }
0x44: {  	[tilespmem:s24], [sflag:$0x5] =	stream.indirect.gather [hbm4b:s4+s18], $0x40, s8, s18, $0xb8;
	[tilespmem:$0x1B000] =	vst v63  }
0x45: {  	s6 =	simm.s32 $0x200  }
0x46: {  	[tilespmem:s26], [sflag:$0x6] =	stream.indirect.gather [hbm4b:s4+s18], $0x40, s6, s18, $0xb8;
	[tilespmem:$0x1B000] =	vst v63  }
0x47: {  	_ =	swait.ge [sflag:s28], $0x2000  }
0x48: {  	[sflag:s28] =	ssyncset.done $0x0  }
0x49: {  	s8 =	simm.s32 $0x2800;
	[sflag:s28] =	ssyncadd.s32 $0xFFFFE000  }
0x4a: {  	[spmem:s2] =	stream.indirect.scatter.add.f32 [tilespmem:s19], [sflag:$0x7], $0x40, s8, s18, $0xb8;
	[tilespmem:$0x1B000] =	vst v63  }
0x4b: {  	_ =	swait.ge [sflag:s29], $0x2000  }
0x4c: {  	[sflag:s29] =	ssyncset.done $0x0  }
0x4d: {  	s6 =	simm.s32 $0x2880;
	[sflag:s29] =	ssyncadd.s32 $0xFFFFE000  }
0x4e: {  	[spmem:s2] =	stream.indirect.scatter.add.f32 [tilespmem:s20], [sflag:$0x8], $0x40, s6, s18, $0xb8;
	[tilespmem:$0x1B000] =	vst v63  }
0x4f: {  	_ =	swait.ge [sflag:s30], $0x2000  }
0x50: {  	[sflag:s30] =	ssyncset.done $0x0  }
0x51: {  	s8 =	simm.s32 $0x2900;
	[sflag:s30] =	ssyncadd.s32 $0xFFFFE000  }
0x52: {  	[spmem:s2] =	stream.indirect.scatter.add.f32 [tilespmem:s22], [sflag:$0x9], $0x40, s8, s18, $0xb8;
	[tilespmem:$0x1B000] =	vst v63  }
0x53: {  	_ =	swait.ge [sflag:s31], $0x2000  }
0x54: {  	[sflag:s31] =	ssyncset.done $0x0  }
0x55: {  	s6 =	simm.s32 $0x2980;
	[sflag:s31] =	ssyncadd.s32 $0xFFFFE000  }
0x56: {  	[spmem:s2] =	stream.indirect.scatter.add.f32 [tilespmem:s24], [sflag:$0xA], $0x40, s6, s18, $0xb8;
	[tilespmem:$0x1B000] =	vst v63  }
0x57: {  	_ =	swait.ge [sflag:s1], $0x2000  }
0x58: {  	[sflag:s1] =	ssyncset.done $0x0  }
0x59: {  	s8 =	simm.s32 $0x2A00;
	[sflag:s1] =	ssyncadd.s32 $0xFFFFE000  }
0x5a: {  	[spmem:s2] =	stream.indirect.scatter.add.f32 [tilespmem:s26], [sflag:$0xB], $0x40, s8, s18, $0xb8;
	[tilespmem:$0x1B000] =	vst v63  }
0x5b: {  	_ =	swait.ge [sflag:s0], $0x2000  }
0x5c: {  	[sflag:s0] =	ssyncset.done $0x0  }
0x5d: {  	s6 =	simm.s32 $0x280;
	[sflag:s0] =	ssyncadd.s32 $0xFFFFE000  }
0x5e: {  	[tilespmem:s19], [sflag:$0x2] =	stream.indirect.gather [hbm4b:s4+s18], $0x40, s6, s18, $0xb8;
	[tilespmem:$0x1B000] =	vst v63  }
0x5f: {  	_ =	swait.ge [sflag:s14], $0x2000  }
0x60: {  	[sflag:s14] =	ssyncset.done $0x0  }
0x61: {  	s8 =	simm.s32 $0x300;
	[sflag:s14] =	ssyncadd.s32 $0xFFFFE000  }
0x62: {  	[tilespmem:s20], [sflag:$0x3] =	stream.indirect.gather [hbm4b:s4+s18], $0x40, s8, s18, $0xb8;
	[tilespmem:$0x1B000] =	vst v63  }
0x63: {  	_ =	swait.ge [sflag:s21], $0x2000  }
0x64: {  	[sflag:s21] =	ssyncset.done $0x0  }
0x65: {  	s6 =	simm.s32 $0x380;
	[sflag:s21] =	ssyncadd.s32 $0xFFFFE000  }
0x66: {  	[tilespmem:s22], [sflag:$0x4] =	stream.indirect.gather [hbm4b:s4+s18], $0x40, s6, s18, $0xb8;
	[tilespmem:$0x1B000] =	vst v63  }
0x67: {  	_ =	swait.ge [sflag:s23], $0x2000  }
0x68: {  	[sflag:s23] =	ssyncset.done $0x0  }
0x69: {  	s8 =	simm.s32 $0x400;
	[sflag:s23] =	ssyncadd.s32 $0xFFFFE000  }
0x6a: {  	[tilespmem:s24], [sflag:$0x5] =	stream.indirect.gather [hbm4b:s4+s18], $0x40, s8, s18, $0xb8;
	[tilespmem:$0x1B000] =	vst v63  }
0x6b: {  	_ =	swait.ge [sflag:s25], $0x2000  }
0x6c: {  	[sflag:s25] =	ssyncset.done $0x0  }
0x6d: {  	s5 =	simm.s32 $0xA00;
	s6 =	simm.s32 $0x480;
	[sflag:s25] =	ssyncadd.s32 $0xFFFFE000  }
.LBB2_4:
0x6e: {  	[tilespmem:s26], [sflag:$0x6] =	stream.indirect.gather [hbm4b:s4+s18], $0x40, s6, s18, $0xb8;
	[tilespmem:$0x1B000] =	vst v63  }
0x6f: {  	s6 =	smov.u32 s5  }
0x70: {  	p0 =	sne.s32 s5, $0x8C00;
	s5 =	sadd.s32 $0xA00, s5;
	_ =	swait.ge [sflag:s28], $0x2000  }
0x71: {  	s6 =	sshra.s32 s6, $0x2;
	[sflag:s28] =	ssyncset.done $0x0  }
0x72: {  	s8 =	sadd.s32 $0x2800, s6;
	[sflag:s28] =	ssyncadd.s32 $0xFFFFE000  }
0x73: {  	[spmem:s2] =	stream.indirect.scatter.add.f32 [tilespmem:s19], [sflag:$0x7], $0x40, s8, s18, $0xb8;
	[tilespmem:$0x1B000] =	vst v63  }
0x74: {  	_ =	swait.ge [sflag:s29], $0x2000  }
0x75: {  	[sflag:s29] =	ssyncset.done $0x0  }
0x76: {  	s8 =	sadd.s32 $0x2880, s6;
	[sflag:s29] =	ssyncadd.s32 $0xFFFFE000  }
0x77: {  	[spmem:s2] =	stream.indirect.scatter.add.f32 [tilespmem:s20], [sflag:$0x8], $0x40, s8, s18, $0xb8;
	[tilespmem:$0x1B000] =	vst v63  }
0x78: {  	_ =	swait.ge [sflag:s30], $0x2000  }
0x79: {  	[sflag:s30] =	ssyncset.done $0x0  }
0x7a: {  	s8 =	sadd.s32 $0x2900, s6;
	[sflag:s30] =	ssyncadd.s32 $0xFFFFE000  }
0x7b: {  	[spmem:s2] =	stream.indirect.scatter.add.f32 [tilespmem:s22], [sflag:$0x9], $0x40, s8, s18, $0xb8;
	[tilespmem:$0x1B000] =	vst v63  }
0x7c: {  	_ =	swait.ge [sflag:s31], $0x2000  }
0x7d: {  	[sflag:s31] =	ssyncset.done $0x0  }
0x7e: {  	s8 =	sadd.s32 $0x2980, s6;
	[sflag:s31] =	ssyncadd.s32 $0xFFFFE000  }
0x7f: {  	[spmem:s2] =	stream.indirect.scatter.add.f32 [tilespmem:s24], [sflag:$0xA], $0x40, s8, s18, $0xb8;
	[tilespmem:$0x1B000] =	vst v63  }
0x80: {  	_ =	swait.ge [sflag:s1], $0x2000  }
0x81: {  	[sflag:s1] =	ssyncset.done $0x0  }
0x82: {  	s8 =	sadd.s32 $0x2A00, s6;
	[sflag:s1] =	ssyncadd.s32 $0xFFFFE000  }
0x83: {  	[spmem:s2] =	stream.indirect.scatter.add.f32 [tilespmem:s26], [sflag:$0xB], $0x40, s8, s18, $0xb8;
	[tilespmem:$0x1B000] =	vst v63  }
0x84: {  	_ =	swait.ge [sflag:s0], $0x2000  }
0x85: {  	[sflag:s0] =	ssyncset.done $0x0  }
0x86: {  	s8 =	sadd.s32 $0x280, s6;
	[sflag:s0] =	ssyncadd.s32 $0xFFFFE000  }
0x87: {  	[tilespmem:s19], [sflag:$0x2] =	stream.indirect.gather [hbm4b:s4+s18], $0x40, s8, s18, $0xb8;
	[tilespmem:$0x1B000] =	vst v63  }
0x88: {  	_ =	swait.ge [sflag:s14], $0x2000  }
0x89: {  	[sflag:s14] =	ssyncset.done $0x0  }
0x8a: {  	s8 =	sadd.s32 $0x300, s6;
	[sflag:s14] =	ssyncadd.s32 $0xFFFFE000  }
0x8b: {  	[tilespmem:s20], [sflag:$0x3] =	stream.indirect.gather [hbm4b:s4+s18], $0x40, s8, s18, $0xb8;
	[tilespmem:$0x1B000] =	vst v63  }
0x8c: {  	_ =	swait.ge [sflag:s21], $0x2000  }
0x8d: {  	[sflag:s21] =	ssyncset.done $0x0  }
0x8e: {  	s8 =	sadd.s32 $0x380, s6;
	[sflag:s21] =	ssyncadd.s32 $0xFFFFE000  }
0x8f: {  	[tilespmem:s22], [sflag:$0x4] =	stream.indirect.gather [hbm4b:s4+s18], $0x40, s8, s18, $0xb8;
	[tilespmem:$0x1B000] =	vst v63  }
0x90: {  	_ =	swait.ge [sflag:s23], $0x2000  }
0x91: {  	[sflag:s23] =	ssyncset.done $0x0  }
.Ltmp1:
0x92: {  	s8 =	sadd.s32 $0x400, s6;
	[sflag:s23] =	ssyncadd.s32 $0xFFFFE000;
	(pc) =	sbr.rel @p0 .LBB2_4-.Ltmp1, $4  }
0x93: {  	[tilespmem:s24], [sflag:$0x5] =	stream.indirect.gather [hbm4b:s4+s18], $0x40, s8, s18, $0xb8;
	[tilespmem:$0x1B000] =	vst v63  }
0x94: {  	_ =	swait.ge [sflag:s25], $0x2000  }
0x95: {  	[sflag:s25] =	ssyncset.done $0x0  }
0x96: {  	s6 =	sadd.s32 $0x480, s6;
	[sflag:s25] =	ssyncadd.s32 $0xFFFFE000  }
0x97: {  	[tilespmem:s26], [sflag:$0x6] =	stream.indirect.gather [hbm4b:s4+s18], $0x40, s6, s18, $0xb8;
	[tilespmem:$0x1B000] =	vst v63  }
0x98: {  	_ =	swait.ge [sflag:s28], $0x2000  }
0x99: {  	[sflag:s28] =	ssyncset.done $0x0  }
0x9a: {  	s5 =	simm.s32 $0x4D80;
	[sflag:s28] =	ssyncadd.s32 $0xFFFFE000  }
0x9b: {  	[spmem:s2] =	stream.indirect.scatter.add.f32 [tilespmem:s19], [sflag:$0x7], $0x40, s5, s18, $0xb8;
	[tilespmem:$0x1B000] =	vst v63  }
0x9c: {  	_ =	swait.ge [sflag:s29], $0x2000  }
0x9d: {  	[sflag:s29] =	ssyncset.done $0x0  }
0x9e: {  	s6 =	simm.s32 $0x4E00;
	[sflag:s29] =	ssyncadd.s32 $0xFFFFE000  }
0x9f: {  	[spmem:s2] =	stream.indirect.scatter.add.f32 [tilespmem:s20], [sflag:$0x8], $0x40, s6, s18, $0xb8;
	[tilespmem:$0x1B000] =	vst v63  }
0xa0: {  	_ =	swait.ge [sflag:s30], $0x2000  }
0xa1: {  	[sflag:s30] =	ssyncset.done $0x0  }
0xa2: {  	s8 =	simm.s32 $0x4E80;
	[sflag:s30] =	ssyncadd.s32 $0xFFFFE000  }
0xa3: {  	[spmem:s2] =	stream.indirect.scatter.add.f32 [tilespmem:s22], [sflag:$0x9], $0x40, s8, s18, $0xb8;
	[tilespmem:$0x1B000] =	vst v63  }
0xa4: {  	_ =	swait.ge [sflag:s31], $0x2000  }
0xa5: {  	[sflag:s31] =	ssyncset.done $0x0  }
0xa6: {  	s6 =	simm.s32 $0x4F00;
	[sflag:s31] =	ssyncadd.s32 $0xFFFFE000  }
0xa7: {  	[spmem:s2] =	stream.indirect.scatter.add.f32 [tilespmem:s24], [sflag:$0xA], $0x40, s6, s18, $0xb8;
	[tilespmem:$0x1B000] =	vst v63  }
0xa8: {  	_ =	swait.ge [sflag:s1], $0x2000  }
0xa9: {  	[sflag:s1] =	ssyncset.done $0x0  }
0xaa: {  	s8 =	simm.s32 $0x4F80;
	[sflag:s1] =	ssyncadd.s32 $0xFFFFE000  }
0xab: {  	[spmem:s2] =	stream.indirect.scatter.add.f32 [tilespmem:s26], [sflag:$0xB], $0x40, s8, s18, $0xb8;
	[tilespmem:$0x1B000] =	vst v63  }
0xac: {  	_ =	swait.ge [sflag:s0], $0x2000  }
0xad: {  	[sflag:s0] =	ssyncset.done $0x0  }
0xae: {  	[sflag:s0] =	ssyncadd.s32 $0xFFFFE000  }
0xaf: {  	_ =	swait.ge [sflag:s14], $0x2000  }
0xb0: {  	[sflag:s14] =	ssyncset.done $0x0  }
0xb1: {  	[sflag:s14] =	ssyncadd.s32 $0xFFFFE000  }
0xb2: {  	_ =	swait.ge [sflag:s21], $0x2000  }
0xb3: {  	[sflag:s21] =	ssyncset.done $0x0  }
0xb4: {  	[sflag:s21] =	ssyncadd.s32 $0xFFFFE000  }
0xb5: {  	_ =	swait.ge [sflag:s23], $0x2000  }
0xb6: {  	[sflag:s23] =	ssyncset.done $0x0  }
0xb7: {  	[sflag:s23] =	ssyncadd.s32 $0xFFFFE000  }
0xb8: {  	s6 =	stileid.u32;
	_ =	swait.ge [sflag:s25], $0x2000  }
0xb9: {  	s3 =	sadd.s32 $0x1, s3;
	s5 =	sshll.u32 s6, $0x6;
	[sflag:s25] =	ssyncset.done $0x0  }
0xba: {  	p0 =	sne.s32 s3, s13;
	s5 =	sor.u32 $0x1C0C, s5;
	[sflag:s25] =	ssyncadd.s32 $0xFFFFE000  }
.Ltmp2:
0xbb: {  	s8 =	sshrl.u32 s7, $0x3;
	[bflag:$0x0] =	sbarrier.arrive $0xFFFF;
	(pc) =	sbr.rel @p0 .LBB2_1-.Ltmp2, $4  }
0xbc: {  	[hbm:s12], [sflag:s5] =	dma.local [spmem:s8], $0x1400  }
0xbd: {  	_ =	swait.ge [sflag:s16], $0x1400  }
0xbe: {  	[sflag:s16] =	ssyncset.done $0x0  }
0xbf: {  	[sflag:s16] =	ssyncadd.s32 $0xFFFFEC00  }
0xc0: {  	_ =	sfence.sel $0x180000  }
0xc1: {  	[bflag:$0x0] =	sbarrier.arrive $0xFFFF  }
0xc2: {  	_ =	strace $0x9000004D  }
0xc3: {  	s0 =	stileid.u32;
	[bflag:$0x2] =	sbarrier.arrive $0xFFFF  }
0xc4: {  	p0 =	sne.s32 s0, $0x0;
	s0 =	rddreg [dreg:$0x2]  }
0xc5: {  	s0 =	sadd.s32 @!p0 $0x100000, s0  }
0xc6: {  	[sflag:s0] =	ssyncadd.tile.s32 @!p0 $0x1;
	_ =	shalt  }
.Lfunc_end2:
_tile_overlayer_lowered:
.L_overlay_start_2:
0xc7: {  	(tag) =	ssettag $0x2  }
0xc8: {  	s0 =	rddreg [dreg:$0x0];
	s2 =	stileid.u32  }
0xc9: {  	s1 =	rddreg [dreg:$0x1];
	p0 =	sne.s32 s2, $0x0  }
0xca: {  	s3 =	rddreg [dreg:$0x2];
	[bflag:$0x3] =	sbarrier.arrive $0xFFFF;
	s2 =	simm.s32 @!p0 $0x1C0C  }
0xcb: {  	[timem:s3], [sflag:s2] =	dma.local @!p0 [hbm:s0], s1  }
0xcc: {  	s0 =	simm.s32 @!p0 $0xC  }
0xcd: {  	_ =	swait.ge @!p0 [sflag:s0], s1  }
0xce: {  	s1 =	ssub.s32 @!p0 $0x0, s1;
	[sflag:s0] =	ssyncset.done @!p0 $0x0  }
0xcf: {  	[sflag:s0] =	ssyncadd.s32 @!p0 s1  }
0xd0: {  	[bflag:$0x3] =	sbarrier.arrive $0xFFFF  }
0xd1: {  	_ =	shalt  }

// kernel: kernel.9.cloned.1.call-start
scs
__scs_entry_jumppad:
0x0: {  	(pc) =	sbr.rel $0x88, $3  }
0x1: {  	(tag) =	ssettag $0x0;
	lr =	simm.s32 $0x1  }
0x2: {  	[smem:$0x3F99] =	sst lr;
	_ =	strace $0xD0000000  }
0x3: {  	_ = 	snop  }
0x4: {  	_ = 	snop  }
0x5: {  	_ = 	snop  }
0x6: {  	_ = 	snop  }
0x7: {  	_ = 	snop  }
__scs_overlays_trampoline_lowered:
0x8: {  	[smem:$0x3FA8] =	sst s0  }
0x9: {  	[smem:$0x3FA9] =	sst s1  }
0xa: {  	[smem:$0x3FAA] =	sst s2  }
0xb: {  	[smem:$0x3FAB] =	sst s3  }
0xc: {  	[smem:$0x3FAC] =	sst s4  }
0xd: {  	[smem:$0x3FAD] =	sst s5  }
0xe: {  	[smem:$0x3FAE] =	sst s6  }
0xf: {  	[smem:$0x3FAF] =	sst s7  }
0x10: {  	[smem:$0x3FB0] =	sst s8  }
0x11: {  	[smem:$0x3FB1] =	sst s9;
	s0 =	simm.s32 @!p0 $0x0  }
0x12: {  	s1 =	sld [smem:$0x3F97];
	s0 =	simm.s32 @p0 $0x1  }
0x13: {  	[smem:$0x3FB2] =	sst s0;
	s0 =	simm.s32 @!p1 $0x0  }
0x14: {  	s2 =	sld [smem:$0x3F96];
	s0 =	simm.s32 @p1 $0x1  }
0x15: {  	[smem:$0x3FB3] =	sst s0;
	s0 =	simm.s32 @!p2 $0x0  }
0x16: {  	s3 =	sld [smem:$0x3FDB];
	s0 =	simm.s32 @p2 $0x1  }
0x17: {  	s4 =	simm.s32 $0x1BF5;
	[smem:$0x3FB5] =	sst s0  }
0x18: {  	s0 =	sld [smem:$0x3F98];
	_ =	swait.ge [sflag:s4], $0x0  }
0x19: {  	s7 =	sld [smem:$0x3F99]  }
0x1a: {  	s8 =	sadd.s32 $0xFFFFE003, lr  }
0x1b: {  	s9 =	sadd.s32 $0xFFFFFEF7, lr;
	s5 =	simm.s32 $0xFFFFFFFF;
	p2 =	slt.u32 s8, $0xFFFFF086  }
0x1c: {  	p1 =	slt.u32 s9, $0xF7A;
	s5 =	simm.s32 @!p2 $0x0  }
0x1d: {  	s5 =	simm.s32 @p1 $0x1;
	p0 =	seq.s32 s7, s2  }
0x1e: {  	s7 =	smul.u32 @!p0 $0xF7A, s2;
	p2 =	seq.s32 @!p0 s5, $0x0  }
0x1f: {  	s9 =	smul.u32 $0xF7A, s1;
	s8 =	simm.s32 @!p0 $0x1BF5;
	p2 =	por !p2, p0  }
0x20: {  	[sflag:s8] =	ssyncset.s32 @!p0 $0xFFFFF086;
	s6 =	sadd.s32 @!p0 s3, s7;
	s7 =	simm.s32 @!p0 $0x108  }
0x21: {  	s3 =	sadd.s32 s3, s9;
	s6 =	sadd.s32 @!p0 $0x88, s6;
	s7 =	simm.s32 @p2 $0x1082  }
0x22: {  	[simem:s7], [sflag:s8] =	dma.local @!p0 [hbm:s6], $0xF7A  }
0x23: {  	s9 =	sor.u32 $0xD0000000, s2;
	s6 =	simm.s32 $0x108;
	_ =	swait.ge @!p0 [sflag:s8], $0x0  }
0x24: {  	s3 =	sadd.s32 $0x88, s3;
	s6 =	simm.s32 @!p1 $0x1082;
	[sflag:s4] =	ssyncset.s32 $0xFFFFF086  }
0x25: {  	[simem:s6], [sflag:s4] =	dma.local [hbm:s3], $0xF7A  }
0x26: {  	[smem:$0x3F99] =	sst s1;
	(tag) =	ssettag s2;
	_ =	strace s9  }
0x27: {  	s1 =	sld [smem:$0x3FA9]  }
0x28: {  	s2 =	sld [smem:$0x3FAA]  }
0x29: {  	s4 =	sld [smem:$0x3FAC]  }
0x2a: {  	p0 =	seq.s32 s5, $0x0;
	s5 =	sld [smem:$0x3FAD]  }
0x2b: {  	s6 =	sld [smem:$0x3FAE]  }
0x2c: {  	s7 =	sld [smem:$0x3FAF]  }
0x2d: {  	s3 =	simm.s32 $0x108;
	s8 =	sld [smem:$0x3FB0]  }
0x2e: {  	s3 =	simm.s32 @!p0 $0x1082;
	s9 =	sld [smem:$0x3FB1]  }
0x2f: {  	lr =	sadd.s32 s0, s3;
	s0 =	sld [smem:$0x3FA8]  }
0x30: {  	s3 =	sld [smem:$0x3FAB]  }
0x31: {  	[smem:$0x3FB4] =	sst s10  }
0x32: {  	s10 =	sld [smem:$0x3FB2];
	_ =	sdelay $0x3  }
0x33: {  	p0 =	seq.s32 s10, $0x1;
	s10 =	sld [smem:$0x3FB4];
	_ =	sdelay $0x3  }
0x34: {  	[smem:$0x3FB4] =	sst s10  }
0x35: {  	s10 =	sld [smem:$0x3FB3];
	_ =	sdelay $0x3  }
0x36: {  	p1 =	seq.s32 s10, $0x1;
	s10 =	sld [smem:$0x3FB4];
	_ =	sdelay $0x3  }
0x37: {  	[smem:$0x3FB4] =	sst s10  }
0x38: {  	s10 =	sld [smem:$0x3FB5]  }
0x39: {  	_ = 	snop;
	(pc) =	sbr.ind lr, $3  }
0x3a: {  	_ = 	snop  }
0x3b: {  	_ = 	snop  }
0x3c: {  	p2 =	seq.s32 s10, $0x1;
	s10 =	sld [smem:$0x3FB4]  }
0x3d: {  	_ =	shalt  }
0x3e: {  	_ =	shalt  }
0x3f: {  	_ =	shalt  }
0x40: {  	_ =	shalt  }
0x41: {  	_ =	shalt  }
0x42: {  	_ =	shalt  }
0x43: {  	_ =	shalt  }
0x44: {  	_ =	shalt  }
0x45: {  	_ =	shalt  }
0x46: {  	_ =	shalt  }
0x47: {  	_ =	shalt  }
0x48: {  	_ =	shalt  }
0x49: {  	_ =	shalt  }
0x4a: {  	_ =	shalt  }
0x4b: {  	_ =	shalt  }
0x4c: {  	_ =	shalt  }
0x4d: {  	_ =	shalt  }
0x4e: {  	_ =	shalt  }
0x4f: {  	_ =	shalt  }
0x50: {  	_ =	shalt  }
0x51: {  	_ =	shalt  }
0x52: {  	_ =	shalt  }
0x53: {  	_ =	shalt  }
0x54: {  	_ =	shalt  }
0x55: {  	_ =	shalt  }
0x56: {  	_ =	shalt  }
0x57: {  	_ =	shalt  }
0x58: {  	_ =	shalt  }
0x59: {  	_ =	shalt  }
0x5a: {  	_ =	shalt  }
0x5b: {  	_ =	shalt  }
0x5c: {  	_ =	shalt  }
0x5d: {  	_ =	shalt  }
0x5e: {  	_ =	shalt  }
0x5f: {  	_ =	shalt  }
0x60: {  	_ =	shalt  }
0x61: {  	_ =	shalt  }
0x62: {  	_ =	shalt  }
0x63: {  	_ =	shalt  }
0x64: {  	_ =	shalt  }
0x65: {  	_ =	shalt  }
0x66: {  	_ =	shalt  }
0x67: {  	_ =	shalt  }
0x68: {  	_ =	shalt  }
0x69: {  	_ =	shalt  }
0x6a: {  	_ =	shalt  }
0x6b: {  	_ =	shalt  }
0x6c: {  	_ =	shalt  }
0x6d: {  	_ =	shalt  }
0x6e: {  	_ =	shalt  }
0x6f: {  	_ =	shalt  }
0x70: {  	_ =	shalt  }
0x71: {  	_ =	shalt  }
0x72: {  	_ =	shalt  }
0x73: {  	_ =	shalt  }
0x74: {  	_ =	shalt  }
0x75: {  	_ =	shalt  }
0x76: {  	_ =	shalt  }
0x77: {  	_ =	shalt  }
0x78: {  	_ =	shalt  }
0x79: {  	_ =	shalt  }
0x7a: {  	_ =	shalt  }
0x7b: {  	_ =	shalt  }
0x7c: {  	_ =	shalt  }
0x7d: {  	_ =	shalt  }
0x7e: {  	_ =	shalt  }
0x7f: {  	_ =	shalt  }
0x80: {  	_ =	shalt  }
0x81: {  	_ =	shalt  }
0x82: {  	_ =	shalt  }
0x83: {  	_ =	shalt  }
0x84: {  	_ =	shalt  }
0x85: {  	_ =	shalt  }
0x86: {  	_ =	shalt  }
0x87: {  	_ =	shalt  }
.Lfunc_end0:
.L_simem_size_0:
called_computation_lowered:
.L_overlay_start_0:
0x88: {  	s2 =	sld [smem:$0x3FD9]  }
0x89: {  	s3 =	sld [smem:$0x3FFE];
	_ =	sdelay $0x1  }
0x8a: {  	s1 =	srdreg.scid  }
0x8b: {  	s0 =	sand.u32 $0x1, s1  }
0x8c: {  	s16 =	sshll.u32 s0, $0xA;
	s2 =	sadd.s32 s3, s2  }
0x8d: {  	s2 =	sadd.s32 s2, s16  }
0x8e: {  	[smem:$0x3FC0] =	sst s2  }
0x8f: {  	_ = 	snop  }
0x90: {  	(tm) =	ssettm $0x1  }
0x91: {  	s17 =	sld [smem:$0x3FFB];
	_ =	sdelay $0x3  }
0x92: {  	_ =	strace s17  }
0x93: {  	s2 =	sld [smem:$0x3FFC];
	_ =	sdelay $0x3  }
0x94: {  	_ =	strace s2  }
0x95: {  	s2 =	sld [smem:$0x3FFD];
	_ =	sdelay $0x3  }
0x96: {  	_ =	strace s2  }
0x97: {  	_ =	strace $0x8FFFFFFF  }
0x98: {  	s18 =	sld [smem:$0x3FDB];
	_ =	sdelay $0x1  }
0x99: {  	s19 =	simm.s32 $_scs_section_size  }
0x9a: {  	s4 =	simm.s32 $_size__tile_overlayer_lowered;
	s5 =	simm.s32 $_tile_overlayer_lowered  }
0x9b: {  	s22 =	simm.s32 $0x1BFF;
	s21 =	sshll.u32 s5, $0x1;
	s2 =	sadd.s32 s19, s18  }
0x9c: {  	s6 =	simm.s32 $0x0;
	s20 =	sshll.u32 s4, $0x1;
	s4 =	sadd.s32 s21, s2  }
0x9d: {  	[timem:s6], [sflag:s22] =	dma.local [hbm:s4], s20  }
0x9e: {  	_ =	swait.ge [sflag:s22], s20  }
0x9f: {  	s3 =	ssub.s32 $0x0, s20;
	[sflag:s22] =	ssyncset.done $0x0  }
0xa0: {  	[sflag:s22] =	ssyncadd.s32 s3;
	_ =	sdelay $0x1  }
0xa1: {  	s23 =	simm.s32 $0x1B8B  }
0xa2: {  	_ =	swait.ge [sflag:s23], $0x1  }
0xa3: {  	[sflag:s23] =	ssyncset.done $0x0  }
0xa4: {  	s25 =	simm.s32 $0x1B8E;
	s24 =	sld [smem:$0x3FFE];
	[sflag:s23] =	ssyncadd.s32 $0xFFFFFFFF  }
0xa5: {  	s26 =	simm.s32 $execute0_lowered;
	[smem:$0x3FD2] =	sst s25  }
0xa6: {  	s4 =	sshll.u32 s26, $0x1;
	_ =	strace $0x80000046;
	[dreg:$0x1] =	wrdreg $0xFFFFFFFF  }
0xa7: {  	s28 =	simm.s32 $_size_execute0_lowered;
	s2 =	sadd.s32 s2, s4;
	[dreg:$0x0] =	wrdreg $0x0  }
0xa8: {  	s4 =	sshll.u32 s28, $0x1;
	[dreg:$0x2] =	wrdreg s2  }
0xa9: {  	[dreg:$0x3] =	wrdreg s4  }
0xaa: {  	[dreg:$0x4] =	wrdreg $0xC0  }
0xab: {  	_ =	task [dreg:s6], $0x5FFFF  }
0xac: {  	[dreg:$0x1] =	wrdreg $0xFFFFFFFF  }
0xad: {  	[dreg:$0x0] =	wrdreg $0x60  }
0xae: {  	[dreg:$0x2] =	wrdreg s24  }
0xaf: {  	[dreg:$0x3] =	wrdreg $0x38000  }
0xb0: {  	[dreg:$0x4] =	wrdreg $0x9  }
0xb1: {  	_ =	task.clear_ibuf [dreg:s6], $0x5FFFF;
	_ =	strace $0x90000046  }
0xb2: {  	s29 =	simm.s32 $0x9;
	_ =	strace $0x80000048  }
0xb3: {  	_ =	swait.ge [sflag:s29], $0x1  }
0xb4: {  	[sflag:s29] =	ssyncadd.s32 $0xFFFFFFFF  }
0xb5: {  	_ =	strace $0x90000048  }
0xb6: {  	_ =	sfence  }
0xb7: {  	s30 =	sld [smem:$0x0];
	_ =	sdelay $0x2  }
0xb8: {  	s31 =	sshll.u32 s1, $0xD;
	s1 =	sshrl.u32 s1, $0x2  }
0xb9: {  	s3 =	sand.u32 $0x4000, s31;
	s1 =	sadd.s32 s1, s30  }
0xba: {  	s0 =	sor.u32 s3, s0;
	s1 =	sshll.u32 s1, $0x11  }
0xbb: {  	s0 =	sor.u32 s1, s0  }
0xbc: {  	s0 =	sadd.s32 $0x8F2B, s0  }
0xbd: {  	[sflag:s0] =	ssyncadd.remote.s32 $0x1  }
0xbe: {  	_ =	sfence.sel $0xFFFF  }
0xbf: {  	[dreg:$0x0] =	wrdreg $0xFFFFFFFF;
	(pc) =	sbr.abs _section_cstart, $3  }
0xc0: {  	[dreg:$0x1] =	wrdreg $0xFFFFFFFF  }
0xc1: {  	_ =	task.clear_ibuf [dreg:s6], $0x2FFFF;
	_ =	strace $0x9FFFFFFF  }
0xc2: {  	(tm) =	ssettm $0x7FFFFFFF  }
0xc3: {  	_ =	shalt  }
tec
execute0_lowered:
.L_overlay_start_1:
0x0: {  	(tag) =	ssettag $0x1  }
0x1: {  	s8 =	rddreg [dreg:$0x0]  }
0x2: {  	s2 =	rddreg [dreg:$0x1]  }
0x3: {  	s0 =	rddreg [dreg:$0x2]  }
0x4: {  	s4 =	srdreg.scid;
	s1 =	stileid.u32  }
0x5: {  	s3 =	simm.s32 $0x0;
	s14 =	simm.s32 $0x80;
	s15 =	simm.s32 $0x2800  }
0x6: {  	s16 =	simm.s32 $0x1;
	s4 =	sand.u32 $0x1, s4;
	s5 =	smul.u32 $0x2800, s1  }
0x7: {  	[smem:$0x7FF] =	sst s3;
	s7 =	sshll.u32 s1, $0x1;
	s9 =	smul.u32 $0xA000, s1  }
0x8: {  	s17 =	sshll.u32 s1, $0x6;
	s6 =	smul.u32 $0x28000, s4;
	_ =	strace $0x80000047  }
0x9: {  	s10 =	ssub.s32 $0x2, s4;
	s4 =	sor.u32 s4, s7;
	s17 =	sor.u32 $0x1C02, s17  }
0xa: {  	s30 =	sshrl.u32 s10, $0x1;
	s9 =	sshrl.u32 s9, $0x2;
	s11 =	smul.u32 $0x2800, s4  }
0xb: {  	s4 =	sadd.s32 s5, s2;
	s6 =	sadd.s32 s5, s6;
	s13 =	ssub.s32 s10, s30  }
0xc: {  	s9 =	sadd.s32 s9, s2;
	s18 =	sshrl.u32 s4, $0x3;
	s6 =	sshrl.u32 s6, $0x3  }
0xd: {  	s5 =	sadd.s32 $0x800, s9;
	s31 =	sshrl.u32 s11, $0x3;
	s7 =	sadd.s32 $0x1800, s9  }
0xe: {  	s11 =	smax.u32 s13, $0x1;
	s13 =	simm.s32 $0x2;
	s12 =	sadd.s32 s6, s8  }
0xf: {  	s6 =	sadd.s32 $0x1000, s9;
	s10 =	sadd.s32 s8, s31;
	s8 =	sadd.s32 $0x2000, s9  }
0x10: {  	v0 =	vimm.f32 $1.000000000e+00;
	v1 =	vimm.f32 $0.0e+00;
	s9 =	sadd.s32 $0xD400, s10;
	s10 =	sadd.s32 $0x17400, s12;
	s12 =	simm.s32 $0x3000  }
.LBB2_1:
0x11: {  	s19 =	simm.s32 $0x40;
	s20 =	simm.s32 $0x0  }
.LBB2_2:
0x12: {  	p0 =	sne.s32 s19, $0x1FC0;
	[tilespmem:s20+$0x2800] =	vst v0;
	s21 =	smov.u32 s19;
	s19 =	sadd.s32 $0x40, s19  }
.Ltmp0:
0x13: {  	[tilespmem:s20+$0x3000] =	vst v1;
	(pc) =	sbr.rel @p0 .LBB2_2-.Ltmp0, $2  }
0x14: {  	_ =	sdelay $0x2  }
0x15: {  	s20 =	sshra.s32 s21, $0x2  }
0x16: {  	[tilespmem:s20+$0x2800] =	vst v0  }
0x17: {  	[tilespmem:s20+$0x3000] =	vst v1  }
0x18: {  	[spmem:s4] =	stream.linear.scatter [tilespmem:s12], [sflag:$0x2], $0x800, $0x38;
	[tilespmem:$0x6000] =	vst v63  }
0x19: {  	_ =	swait.ge [sflag:s13], $0x800  }
0x1a: {  	[sflag:s13] =	ssyncset.done $0x0  }
0x1b: {  	[sflag:s13] =	ssyncadd.s32 $0xFFFFF800  }
0x1c: {  	[spmem:s5] =	stream.linear.scatter [tilespmem:s12], [sflag:$0x2], $0x800, $0x38;
	[tilespmem:$0x6000] =	vst v63  }
0x1d: {  	_ =	swait.ge [sflag:s13], $0x800  }
0x1e: {  	[sflag:s13] =	ssyncset.done $0x0  }
0x1f: {  	[sflag:s13] =	ssyncadd.s32 $0xFFFFF800  }
0x20: {  	[spmem:s6] =	stream.linear.scatter [tilespmem:s12], [sflag:$0x2], $0x800, $0x38;
	[tilespmem:$0x6000] =	vst v63  }
0x21: {  	_ =	swait.ge [sflag:s13], $0x800  }
0x22: {  	[sflag:s13] =	ssyncset.done $0x0  }
0x23: {  	[sflag:s13] =	ssyncadd.s32 $0xFFFFF800  }
0x24: {  	[spmem:s7] =	stream.linear.scatter [tilespmem:s12], [sflag:$0x2], $0x800, $0x38;
	[tilespmem:$0x6000] =	vst v63  }
0x25: {  	_ =	swait.ge [sflag:s13], $0x800  }
0x26: {  	[sflag:s13] =	ssyncset.done $0x0  }
0x27: {  	[sflag:s13] =	ssyncadd.s32 $0xFFFFF800  }
0x28: {  	[spmem:s8] =	stream.linear.scatter [tilespmem:s12], [sflag:$0x2], $0x800, $0x38;
	[tilespmem:$0x6000] =	vst v63  }
0x29: {  	_ =	swait.ge [sflag:s13], $0x800  }
0x2a: {  	[sflag:s13] =	ssyncset.done $0x0  }
0x2b: {  	s19 =	simm.s32 $0x0;
	[sflag:s13] =	ssyncadd.s32 $0xFFFFF800  }
0x2c: {  	[tilespmem:s19], [sflag:$0x2] =	stream.linear.gather [hbm4b:s9+s19], $0x2800, $0x38;
	[tilespmem:$0x6000] =	vst v63  }
0x2d: {  	_ =	swait.ge [sflag:s13], $0x2800  }
0x2e: {  	[sflag:s13] =	ssyncset.done $0x0  }
0x2f: {  	[sflag:s13] =	ssyncadd.s32 $0xFFFFD800  }
0x30: {  	s28 =	simm.s32 $0x0;
	[bflag:$0x0] =	sbarrier.arrive $0xFFFF  }
0x31: {  	[spmem:s2] =	stream.indirect.scatter.add.f32 [tilespmem:s15], [sflag:$0x1], $0x10, s28, s14, $0xb8;
	[tilespmem:$0x6000] =	vst v63  }
0x32: {  	s29 =	simm.s32 $0x80  }
0x33: {  	[spmem:s2] =	stream.indirect.scatter.add.f32 [tilespmem:s15], [sflag:$0x1], $0x10, s29, s14, $0xb8;
	[tilespmem:$0x6000] =	vst v63  }
0x34: {  	s30 =	simm.s32 $0x100  }
0x35: {  	[spmem:s2] =	stream.indirect.scatter.add.f32 [tilespmem:s15], [sflag:$0x1], $0x10, s30, s14, $0xb8;
	[tilespmem:$0x6000] =	vst v63  }
0x36: {  	s31 =	simm.s32 $0x180  }
0x37: {  	[spmem:s2] =	stream.indirect.scatter.add.f32 [tilespmem:s15], [sflag:$0x1], $0x10, s31, s14, $0xb8;
	[tilespmem:$0x6000] =	vst v63  }
0x38: {  	_ =	swait.ge [sflag:s16], $0x800  }
0x39: {  	[sflag:s16] =	ssyncset.done $0x0  }
0x3a: {  	[sflag:s16] =	ssyncadd.s32 $0xFFFFF800  }
0x3b: {  	_ =	swait.ge [sflag:s16], $0x800  }
0x3c: {  	[sflag:s16] =	ssyncset.done $0x0  }
0x3d: {  	[sflag:s16] =	ssyncadd.s32 $0xFFFFF800  }
0x3e: {  	_ =	swait.ge [sflag:s16], $0x800  }
0x3f: {  	[sflag:s16] =	ssyncset.done $0x0  }
0x40: {  	[sflag:s16] =	ssyncadd.s32 $0xFFFFF800  }
0x41: {  	_ =	swait.ge [sflag:s16], $0x800  }
0x42: {  	s20 =	simm.s32 $0x1000;
	s19 =	simm.s32 $0x800;
	[sflag:s16] =	ssyncset.done $0x0  }
.LBB2_4:
0x43: {  	s21 =	sshra.s32 s19, $0x2  }
0x44: {  	[sflag:s16] =	ssyncadd.s32 $0xFFFFF800;
	s19 =	smov.u32 s20;
	s22 =	sadd.s32 $0x800, s20  }
0x45: {  	[spmem:s2] =	stream.indirect.scatter.add.f32 [tilespmem:s15], [sflag:$0x1], $0x10, s21, s14, $0xb8;
	[tilespmem:$0x6000] =	vst v63  }
0x46: {  	p0 =	sne.s32 s20, $0x9800;
	s20 =	sadd.s32 $0x80, s21  }
0x47: {  	[spmem:s2] =	stream.indirect.scatter.add.f32 [tilespmem:s15], [sflag:$0x1], $0x10, s20, s14, $0xb8;
	[tilespmem:$0x6000] =	vst v63  }
0x48: {  	s20 =	sadd.s32 $0x100, s21  }
0x49: {  	[spmem:s2] =	stream.indirect.scatter.add.f32 [tilespmem:s15], [sflag:$0x1], $0x10, s20, s14, $0xb8;
	[tilespmem:$0x6000] =	vst v63  }
0x4a: {  	s20 =	sadd.s32 $0x180, s21  }
0x4b: {  	[spmem:s2] =	stream.indirect.scatter.add.f32 [tilespmem:s15], [sflag:$0x1], $0x10, s20, s14, $0xb8;
	[tilespmem:$0x6000] =	vst v63  }
0x4c: {  	_ =	swait.ge [sflag:s16], $0x800  }
0x4d: {  	[sflag:s16] =	ssyncset.done $0x0  }
0x4e: {  	[sflag:s16] =	ssyncadd.s32 $0xFFFFF800  }
0x4f: {  	_ =	swait.ge [sflag:s16], $0x800  }
0x50: {  	[sflag:s16] =	ssyncset.done $0x0  }
0x51: {  	[sflag:s16] =	ssyncadd.s32 $0xFFFFF800  }
.Ltmp1:
0x52: {  	_ =	swait.ge [sflag:s16], $0x800;
	(pc) =	sbr.rel @p0 .LBB2_4-.Ltmp1, $4  }
0x53: {  	[sflag:s16] =	ssyncset.done $0x0  }
0x54: {  	[sflag:s16] =	ssyncadd.s32 $0xFFFFF800  }
0x55: {  	_ =	swait.ge [sflag:s16], $0x800  }
0x56: {  	s20 =	smov.u32 s22;
	[sflag:s16] =	ssyncset.done $0x0  }
0x57: {  	s19 =	sshra.s32 s19, $0x2;
	[sflag:s16] =	ssyncadd.s32 $0xFFFFF800  }
0x58: {  	[spmem:s2] =	stream.indirect.scatter.add.f32 [tilespmem:s15], [sflag:$0x1], $0x10, s19, s14, $0xb8;
	[tilespmem:$0x6000] =	vst v63  }
0x59: {  	s20 =	sadd.s32 $0x80, s19  }
0x5a: {  	[spmem:s2] =	stream.indirect.scatter.add.f32 [tilespmem:s15], [sflag:$0x1], $0x10, s20, s14, $0xb8;
	[tilespmem:$0x6000] =	vst v63  }
0x5b: {  	s31 =	sadd.s32 $0x100, s19  }
0x5c: {  	[spmem:s2] =	stream.indirect.scatter.add.f32 [tilespmem:s15], [sflag:$0x1], $0x10, s31, s14, $0xb8;
	[tilespmem:$0x6000] =	vst v63  }
0x5d: {  	s19 =	sadd.s32 $0x180, s19  }
0x5e: {  	[spmem:s2] =	stream.indirect.scatter.add.f32 [tilespmem:s15], [sflag:$0x1], $0x10, s19, s14, $0xb8;
	[tilespmem:$0x6000] =	vst v63  }
0x5f: {  	_ =	swait.ge [sflag:s16], $0x800  }
0x60: {  	[sflag:s16] =	ssyncset.done $0x0  }
0x61: {  	[sflag:s16] =	ssyncadd.s32 $0xFFFFF800  }
0x62: {  	_ =	swait.ge [sflag:s16], $0x800  }
0x63: {  	[sflag:s16] =	ssyncset.done $0x0  }
0x64: {  	[sflag:s16] =	ssyncadd.s32 $0xFFFFF800  }
0x65: {  	_ =	swait.ge [sflag:s16], $0x800  }
0x66: {  	[sflag:s16] =	ssyncset.done $0x0  }
0x67: {  	[sflag:s16] =	ssyncadd.s32 $0xFFFFF800  }
0x68: {  	_ =	swait.ge [sflag:s16], $0x800  }
0x69: {  	s3 =	sadd.s32 $0x1, s3;
	[sflag:s16] =	ssyncset.done $0x0  }
0x6a: {  	p0 =	sne.s32 s3, s11;
	[sflag:s16] =	ssyncadd.s32 $0xFFFFF800  }
.Ltmp2:
0x6b: {  	[bflag:$0x0] =	sbarrier.arrive $0xFFFF;
	(pc) =	sbr.rel @p0 .LBB2_1-.Ltmp2, $4  }
0x6c: {  	[hbm:s10], [sflag:s17] =	dma.local [spmem:s18], $0x500  }
0x6d: {  	_ =	swait.ge [sflag:s13], $0x500  }
0x6e: {  	[sflag:s13] =	ssyncset.done $0x0  }
0x6f: {  	[sflag:s13] =	ssyncadd.s32 $0xFFFFFB00  }
0x70: {  	_ =	sfence.sel $0x180000  }
0x71: {  	[bflag:$0x0] =	sbarrier.arrive $0xFFFF  }
0x72: {  	p0 =	sne.s32 s1, $0x0;
	_ =	strace $0x90000047  }
0x73: {  	s0 =	sadd.s32 @!p0 $0x100000, s0;
	[bflag:$0x2] =	sbarrier.arrive $0xFFFF  }
0x74: {  	[sflag:s0] =	ssyncadd.tile.s32 @!p0 $0x1;
	_ =	shalt  }
.Lfunc_end2:
_tile_overlayer_lowered:
.L_overlay_start_2:
0x75: {  	(tag) =	ssettag $0x2  }
0x76: {  	s0 =	rddreg [dreg:$0x0];
	s2 =	stileid.u32  }
0x77: {  	s1 =	rddreg [dreg:$0x1];
	p0 =	sne.s32 s2, $0x0  }
0x78: {  	s3 =	rddreg [dreg:$0x2];
	[bflag:$0x3] =	sbarrier.arrive $0xFFFF;
	s2 =	simm.s32 @!p0 $0x1C02  }
0x79: {  	[timem:s3], [sflag:s2] =	dma.local @!p0 [hbm:s0], s1  }
0x7a: {  	s0 =	simm.s32 @!p0 $0x2  }
0x7b: {  	_ =	swait.ge @!p0 [sflag:s0], s1  }
0x7c: {  	s1 =	ssub.s32 @!p0 $0x0, s1;
	[sflag:s0] =	ssyncset.done @!p0 $0x0  }
0x7d: {  	[sflag:s0] =	ssyncadd.s32 @!p0 s1  }
0x7e: {  	[bflag:$0x3] =	sbarrier.arrive $0xFFFF  }
0x7f: {  	_ =	shalt  }

</sc_bundles>
